<compile_context>
chip_gen: v7x
topology: tpu7x:2x2x1
jax: 0.10.2.dev20260603
libtpu: 0.0.44.dev20260713+nightly
codegen_flags: <defaults>
</compile_context>

<pallas_src>
import functools

import jax
import jax.numpy as jnp
from jax import lax
from jax.experimental import pallas as pl
from jax.experimental.pallas import tpu as pltpu
from jax.experimental.pallas import tpu_sc as plsc

_B, _C, _N = 4, 768, 8192
_K = 8
_ROWS = _B * _C
_NW = 32
_RPW = _ROWS // _NW
_LANES = 16
_VPR = _N // _LANES
_OCTS = _VPR // 8
_FB_UNROLL = 4


def _vsort_desc(v):
    return plsc.sort_key_val(v, v, descending=True)[0]


def _combine(a, b, lane_lt8):
    return _vsort_desc(jnp.where(lane_lt8, a, lax.rev(b, (0,))))


def _insert(ts, x):
    out = []
    cur = x
    for t in ts:
        out.append(jnp.maximum(t, cur))
        cur = jnp.minimum(t, cur)
    return tuple(out)


def _merge_tree(vs, lane_lt8):
    vs = [_vsort_desc(t) for t in vs]
    while len(vs) > 1:
        vs = [_combine(vs[i], vs[i + 1], lane_lt8)
              for i in range(0, len(vs), 2)]
    return vs[0]


def _quad(a, b, c, d):
    m1, n1 = jnp.maximum(a, b), jnp.minimum(a, b)
    m2, n2 = jnp.maximum(c, d), jnp.minimum(c, d)
    w = jnp.maximum(m1, m2)
    sec = jnp.maximum(jnp.minimum(m1, m2), jnp.maximum(n1, n2))
    return w, sec


@functools.partial(
    pl.kernel,
    out_type=jax.ShapeDtypeStruct((_ROWS * _K,), jnp.float32),
    mesh=plsc.VectorSubcoreMesh(core_axis_name="c", subcore_axis_name="s"),
    scratch_types=[
        pltpu.VMEM((_N,), jnp.float32),
        pltpu.VMEM((_N,), jnp.float32),
        pltpu.VMEM((_N,), jnp.float32),
        pltpu.VMEM((_N,), jnp.float32),
        pltpu.VMEM((_LANES,), jnp.float32),
        pltpu.VMEM((_RPW * _K + _LANES - _K,), jnp.float32),
        pltpu.SemaphoreType.DMA,
        pltpu.SemaphoreType.DMA,
        pltpu.SemaphoreType.DMA,
        pltpu.SemaphoreType.DMA,
    ],
    compiler_params=pltpu.CompilerParams(needs_layout_passes=False),
)
def _topk_sc(x_hbm, out_hbm, buf0, buf1, buf2, buf3, s16, out_v, sem0, sem1, sem2, sem3):
    nc = 2
    wid = lax.axis_index("s") * nc + lax.axis_index("c")
    base = wid * _RPW
    lane = lax.iota(jnp.int32, 16)
    lane_lt8 = lane < _K
    seven = jnp.full((_LANES,), 7, jnp.int32)
    neg = jnp.full((_LANES,), -jnp.inf, jnp.float32)

    def row_compute(buf, row_local):
        def body(i, carry):
            ts, dmax = carry[:4], carry[4]
            for u in range(2):
                off = (2 * i + u) * 8 * _LANES
                v = [buf[pl.ds(off + j * _LANES, _LANES)] for j in range(8)]
                w1, s1 = _quad(*v[:4])
                w2, s2 = _quad(*v[4:])
                w = jnp.maximum(w1, w2)
                sec = jnp.maximum(jnp.minimum(w1, w2), jnp.maximum(s1, s2))
                dmax = jnp.maximum(dmax, sec)
                ts = _insert(ts, w)
            return ts + (dmax,)

        carry = lax.fori_loop(0, _OCTS // 2, body, (neg,) * 5)
        ts, dmax = carry[:4], carry[4]
        cand = _merge_tree(list(ts), lane_lt8)
        s16[...] = cand
        out8 = plsc.load_gather(s16, [seven])
        viol = jnp.any((ts[3] > out8) | (dmax > out8))

        def fallback():
            def fb_body(i, ts8):
                for j in range(_FB_UNROLL):
                    v = buf[pl.ds((i * _FB_UNROLL + j) * _LANES, _LANES)]
                    ts8 = _insert(ts8, v)
                return ts8
            ts8 = lax.fori_loop(0, _VPR // _FB_UNROLL, fb_body, (neg,) * _K)
            return _merge_tree(list(ts8), lane_lt8)

        final = lax.cond(viol, fallback, lambda: cand)
        plsc.store_compressed(out_v.at[pl.ds(row_local * _K, _LANES)],
                              final, mask=lane_lt8)

    bufs = (buf0, buf1, buf2, buf3)
    sems = (sem0, sem1, sem2, sem3)
    for b in range(4):
        pltpu.async_copy(x_hbm.at[base + b], bufs[b], sems[b])

    def step(st, carry):
        r0 = 4 * st
        for b in range(4):
            pltpu.make_async_copy(x_hbm.at[base + r0 + b], bufs[b],
                                  sems[b]).wait()
            row_compute(bufs[b], r0 + b)
            nxt = jnp.minimum(r0 + b + 4, _RPW - 1)
            pltpu.async_copy(x_hbm.at[base + nxt], bufs[b], sems[b])
        return carry

    lax.fori_loop(0, _RPW // 4, step, 0)

    for b in range(4):
        pltpu.make_async_copy(x_hbm.at[base], bufs[b], sems[b]).wait()

    pltpu.sync_copy(out_v.at[pl.ds(0, _RPW * _K)],
                    out_hbm.at[pl.ds(base * _K, _RPW * _K)])


def kernel(x):
    out = _topk_sc(x.reshape(_ROWS, _N))
    return out.reshape(_B, _C, _K)

# --- scband reference (transcript-rebuilt; emitter-appended) ---
"""Pipeline reference for scband-global-multimax-pool1d-15779709845940 (READ-ONLY COPY).

The authoritative reference and input builder live on the scoring server;
editing this copy changes nothing except your own understanding.
"""

import jax, jax.numpy as jnp
import numpy as np

OUTPUTS = 8
DIM = -1

def setup_inputs(seed: int = 0) -> dict:
    key = jax.random.key(seed)
    x = jax.random.normal(key, (4, 768, 8192), dtype=jnp.float32)
    return {"x": x}

def reference(x):
    # torch.argsort(x, dim=DIM, descending=True)
    sort = jnp.argsort(-x, axis=DIM)
    # torch.index_select(sort, DIM, arange(outputs)) -> first OUTPUTS indices along DIM
    indices = jnp.arange(OUTPUTS)
    multimax = jnp.take(sort, indices, axis=DIM)
    # torch.gather(x, DIM, multimax)
    out = jnp.take_along_axis(x, multimax, axis=DIM)
    return out

if __name__ == "__main__":
    import jax
    _d = setup_inputs()
    print(jax.jit(kernel)(*tuple(_d.values())))

</pallas_src>

<mosaic_0001>
#map = affine_map<(d0, d1) -> (0, 0)>
#map1 = affine_map<(d0, d1) -> (0)>
module attributes {stable_mosaic.version = 14 : i64} {
  func.func @_topk_sc(%arg0: i32, %arg1: i32, %arg2: memref<3072x8192xf32, #tpu.memory_space<hbm>>, %arg3: memref<24576xf32, #tpu.memory_space<hbm>>, %arg4: memref<8192xf32, #tpu.memory_space<vmem>>, %arg5: memref<8192xf32, #tpu.memory_space<vmem>>, %arg6: memref<8192xf32, #tpu.memory_space<vmem>>, %arg7: memref<8192xf32, #tpu.memory_space<vmem>>, %arg8: memref<16xf32, #tpu.memory_space<vmem>>, %arg9: memref<776xf32, #tpu.memory_space<vmem>>, %arg10: memref<!tpu.dma_semaphore, #tpu.memory_space<semaphore_mem>>, %arg11: memref<!tpu.dma_semaphore, #tpu.memory_space<semaphore_mem>>, %arg12: memref<!tpu.dma_semaphore, #tpu.memory_space<semaphore_mem>>, %arg13: memref<!tpu.dma_semaphore, #tpu.memory_space<semaphore_mem>>) attributes {dimension_semantics = [#tpu.dimension_semantics<core_parallel>, #tpu.dimension_semantics<subcore_parallel>], iteration_bounds = array<i64: 2, 16>, scalar_prefetch = 0 : i64, scratch_operands = 10 : i64, tpu.core_type = #tpu.core_type<sc_vector_subcore>, window_params = [{transform_indices = #map}, {transform_indices = #map1}]} {
    %mul3A = arith.constant 2 : i32
    %mul3A_0 = arith.muli %arg1, %mul3A : i32
    %add3A = arith.addi %mul3A_0, %arg0 : i32
    %mul3A_1 = arith.constant 96 : i32
    %mul3A_2 = arith.muli %add3A, %mul3A_1 : i32
    %iota3A = tpu.iota {dimensions = array<i32: 0>} : vector<16xi32>
    %lt3A = arith.constant 8 : i32
    %lt3A_3 = vector.broadcast %lt3A : i32 to vector<16xi32>
    %lt3A_4 = arith.cmpi slt, %iota3A, %lt3A_3 : vector<16xi32>
    %broadcast_in_dim3A = arith.constant 7 : i32
    %broadcast_in_dim3A_5 = vector.broadcast %broadcast_in_dim3A : i32 to vector<16xi32>
    %broadcast_in_dim3A_6 = arith.constant 0xFF800000 : f32
    %broadcast_in_dim3A_7 = vector.broadcast %broadcast_in_dim3A_6 : f32 to vector<16xf32>
    %add3A_8 = arith.constant 0 : i32
    %add3A_9 = arith.addi %mul3A_2, %add3A_8 : i32
    %dma_start3A = arith.constant 0 : i32
    %dma_start3A_10 = tpu.memref_slice %arg2[%add3A_9, %dma_start3A] : memref<3072x8192xf32, #tpu.memory_space<hbm>> -> memref<1x8192xf32, #tpu.memory_space<hbm>>
    %dma_start3A_11 = tpu.memref_squeeze %dma_start3A_10 : memref<1x8192xf32, #tpu.memory_space<hbm>> -> memref<8192xf32, #tpu.memory_space<hbm>>
    %dma_start3A_12 = arith.constant 0 : i32
    %dma_start3A_13 = tpu.memref_slice %arg2[%add3A_9, %dma_start3A_12] : memref<3072x8192xf32, #tpu.memory_space<hbm>> -> memref<1x8192xf32, #tpu.memory_space<hbm>>
    %dma_start3A_14 = tpu.memref_squeeze %dma_start3A_13 : memref<1x8192xf32, #tpu.memory_space<hbm>> -> memref<8192xf32, #tpu.memory_space<hbm>>
    tpu.enqueue_dma source(%dma_start3A_14 : memref<8192xf32, #tpu.memory_space<hbm>>) target(%arg4 : memref<8192xf32, #tpu.memory_space<vmem>>) target_semaphore(%arg10 : memref<!tpu.dma_semaphore, #tpu.memory_space<semaphore_mem>>)
    %add3A_15 = arith.constant 1 : i32
    %add3A_16 = arith.addi %mul3A_2, %add3A_15 : i32
    %dma_start3A_17 = arith.constant 0 : i32
    %dma_start3A_18 = tpu.memref_slice %arg2[%add3A_16, %dma_start3A_17] : memref<3072x8192xf32, #tpu.memory_space<hbm>> -> memref<1x8192xf32, #tpu.memory_space<hbm>>
    %dma_start3A_19 = tpu.memref_squeeze %dma_start3A_18 : memref<1x8192xf32, #tpu.memory_space<hbm>> -> memref<8192xf32, #tpu.memory_space<hbm>>
    %dma_start3A_20 = arith.constant 0 : i32
    %dma_start3A_21 = tpu.memref_slice %arg2[%add3A_16, %dma_start3A_20] : memref<3072x8192xf32, #tpu.memory_space<hbm>> -> memref<1x8192xf32, #tpu.memory_space<hbm>>
    %dma_start3A_22 = tpu.memref_squeeze %dma_start3A_21 : memref<1x8192xf32, #tpu.memory_space<hbm>> -> memref<8192xf32, #tpu.memory_space<hbm>>
    tpu.enqueue_dma source(%dma_start3A_22 : memref<8192xf32, #tpu.memory_space<hbm>>) target(%arg5 : memref<8192xf32, #tpu.memory_space<vmem>>) target_semaphore(%arg11 : memref<!tpu.dma_semaphore, #tpu.memory_space<semaphore_mem>>)
    %add3A_23 = arith.constant 2 : i32
    %add3A_24 = arith.addi %mul3A_2, %add3A_23 : i32
    %dma_start3A_25 = arith.constant 0 : i32
    %dma_start3A_26 = tpu.memref_slice %arg2[%add3A_24, %dma_start3A_25] : memref<3072x8192xf32, #tpu.memory_space<hbm>> -> memref<1x8192xf32, #tpu.memory_space<hbm>>
    %dma_start3A_27 = tpu.memref_squeeze %dma_start3A_26 : memref<1x8192xf32, #tpu.memory_space<hbm>> -> memref<8192xf32, #tpu.memory_space<hbm>>
    %dma_start3A_28 = arith.constant 0 : i32
    %dma_start3A_29 = tpu.memref_slice %arg2[%add3A_24, %dma_start3A_28] : memref<3072x8192xf32, #tpu.memory_space<hbm>> -> memref<1x8192xf32, #tpu.memory_space<hbm>>
    %dma_start3A_30 = tpu.memref_squeeze %dma_start3A_29 : memref<1x8192xf32, #tpu.memory_space<hbm>> -> memref<8192xf32, #tpu.memory_space<hbm>>
    tpu.enqueue_dma source(%dma_start3A_30 : memref<8192xf32, #tpu.memory_space<hbm>>) target(%arg6 : memref<8192xf32, #tpu.memory_space<vmem>>) target_semaphore(%arg12 : memref<!tpu.dma_semaphore, #tpu.memory_space<semaphore_mem>>)
    %add3A_31 = arith.constant 3 : i32
    %add3A_32 = arith.addi %mul3A_2, %add3A_31 : i32
    %dma_start3A_33 = arith.constant 0 : i32
    %dma_start3A_34 = tpu.memref_slice %arg2[%add3A_32, %dma_start3A_33] : memref<3072x8192xf32, #tpu.memory_space<hbm>> -> memref<1x8192xf32, #tpu.memory_space<hbm>>
    %dma_start3A_35 = tpu.memref_squeeze %dma_start3A_34 : memref<1x8192xf32, #tpu.memory_space<hbm>> -> memref<8192xf32, #tpu.memory_space<hbm>>
    %dma_start3A_36 = arith.constant 0 : i32
    %dma_start3A_37 = tpu.memref_slice %arg2[%add3A_32, %dma_start3A_36] : memref<3072x8192xf32, #tpu.memory_space<hbm>> -> memref<1x8192xf32, #tpu.memory_space<hbm>>
    %dma_start3A_38 = tpu.memref_squeeze %dma_start3A_37 : memref<1x8192xf32, #tpu.memory_space<hbm>> -> memref<8192xf32, #tpu.memory_space<hbm>>
    tpu.enqueue_dma source(%dma_start3A_38 : memref<8192xf32, #tpu.memory_space<hbm>>) target(%arg7 : memref<8192xf32, #tpu.memory_space<vmem>>) target_semaphore(%arg13 : memref<!tpu.dma_semaphore, #tpu.memory_space<semaphore_mem>>)
    %scan3A = arith.constant 0 : i32
    %scan3A_39 = arith.constant 0 : i32
    %scan3A_40 = arith.constant 24 : i32
    %scan3A_41 = arith.addi %scan3A_39, %scan3A_40 : i32
    %scan3A_42 = arith.constant 1 : i32
    scf.for %scan3A_69 = %scan3A_39 to %scan3A_41 step %scan3A_42  : i32 {
      %mul3A_70 = arith.constant 4 : i32
      %mul3A_71 = arith.muli %mul3A_70, %scan3A_69 : i32
      %add3A_72 = arith.addi %mul3A_2, %mul3A_71 : i32
      %add3A_73 = arith.constant 0 : i32
      %add3A_74 = arith.addi %add3A_72, %add3A_73 : i32
      %dma_wait3A_75 = arith.constant 0 : i32
      %dma_wait3A_76 = tpu.memref_slice %arg2[%add3A_74, %dma_wait3A_75] : memref<3072x8192xf32, #tpu.memory_space<hbm>> -> memref<1x8192xf32, #tpu.memory_space<hbm>>
      %dma_wait3A_77 = tpu.memref_squeeze %dma_wait3A_76 : memref<1x8192xf32, #tpu.memory_space<hbm>> -> memref<8192xf32, #tpu.memory_space<hbm>>
      %dma_wait3A_78 = arith.constant 0 : i32
      %dma_wait3A_79 = tpu.memref_slice %arg2[%add3A_74, %dma_wait3A_78] : memref<3072x8192xf32, #tpu.memory_space<hbm>> -> memref<1x8192xf32, #tpu.memory_space<hbm>>
      %dma_wait3A_80 = tpu.memref_squeeze %dma_wait3A_79 : memref<1x8192xf32, #tpu.memory_space<hbm>> -> memref<8192xf32, #tpu.memory_space<hbm>>
      tpu.wait_dma2 semaphore(%arg10 : memref<!tpu.dma_semaphore, #tpu.memory_space<semaphore_mem>>) src(%dma_wait3A_80 : memref<8192xf32, #tpu.memory_space<hbm>>) dst(%arg4 : memref<8192xf32, #tpu.memory_space<vmem>>)
      %add3A_81 = arith.constant 0 : i32
      %add3A_82 = arith.addi %mul3A_71, %add3A_81 : i32
      %scan3A_83 = arith.constant 0 : i32
      %scan3A_84 = arith.constant 32 : i32
      %scan3A_85 = arith.addi %scan3A_83, %scan3A_84 : i32
      %scan3A_86 = arith.constant 1 : i32
      %scan3A_87:5 = scf.for %scan3A_465 = %scan3A_83 to %scan3A_85 step %scan3A_86 iter_args(%scan3A_466 = %broadcast_in_dim3A_7, %scan3A_467 = %broadcast_in_dim3A_7, %scan3A_468 = %broadcast_in_dim3A_7, %scan3A_469 = %broadcast_in_dim3A_7, %scan3A_470 = %broadcast_in_dim3A_7) -> (vector<16xf32>, vector<16xf32>, vector<16xf32>, vector<16xf32>, vector<16xf32>)  : i32 {
        %mul3A_471 = arith.constant 2 : i32
        %mul3A_472 = arith.muli %mul3A_471, %scan3A_465 : i32
        %add3A_473 = arith.constant 0 : i32
        %add3A_474 = arith.addi %mul3A_472, %add3A_473 : i32
        %mul3A_475 = arith.constant 8 : i32
        %mul3A_476 = arith.muli %add3A_474, %mul3A_475 : i32
        %mul3A_477 = arith.constant 16 : i32
        %mul3A_478 = arith.muli %mul3A_476, %mul3A_477 : i32
        %add3A_479 = arith.constant 0 : i32
        %add3A_480 = arith.addi %mul3A_478, %add3A_479 : i32
        %get3A = arith.index_cast %add3A_480 : i32 to index
        %get3A_481 = tpu.vector_load %arg4[%get3A] {strides = array<i32>} : memref<8192xf32, #tpu.memory_space<vmem>>, vector<16xf32>,
        %add3A_482 = arith.constant 16 : i32
        %add3A_483 = arith.addi %mul3A_478, %add3A_482 : i32
        %get3A_484 = arith.index_cast %add3A_483 : i32 to index
        %get3A_485 = tpu.vector_load %arg4[%get3A_484] {strides = array<i32>} : memref<8192xf32, #tpu.memory_space<vmem>>, vector<16xf32>,
        %add3A_486 = arith.constant 32 : i32
        %add3A_487 = arith.addi %mul3A_478, %add3A_486 : i32
        %get3A_488 = arith.index_cast %add3A_487 : i32 to index
        %get3A_489 = tpu.vector_load %arg4[%get3A_488] {strides = array<i32>} : memref<8192xf32, #tpu.memory_space<vmem>>, vector<16xf32>,
        %add3A_490 = arith.constant 48 : i32
        %add3A_491 = arith.addi %mul3A_478, %add3A_490 : i32
        %get3A_492 = arith.index_cast %add3A_491 : i32 to index
        %get3A_493 = tpu.vector_load %arg4[%get3A_492] {strides = array<i32>} : memref<8192xf32, #tpu.memory_space<vmem>>, vector<16xf32>,
        %add3A_494 = arith.constant 64 : i32
        %add3A_495 = arith.addi %mul3A_478, %add3A_494 : i32
        %get3A_496 = arith.index_cast %add3A_495 : i32 to index
        %get3A_497 = tpu.vector_load %arg4[%get3A_496] {strides = array<i32>} : memref<8192xf32, #tpu.memory_space<vmem>>, vector<16xf32>,
        %add3A_498 = arith.constant 80 : i32
        %add3A_499 = arith.addi %mul3A_478, %add3A_498 : i32
        %get3A_500 = arith.index_cast %add3A_499 : i32 to index
        %get3A_501 = tpu.vector_load %arg4[%get3A_500] {strides = array<i32>} : memref<8192xf32, #tpu.memory_space<vmem>>, vector<16xf32>,
        %add3A_502 = arith.constant 96 : i32
        %add3A_503 = arith.addi %mul3A_478, %add3A_502 : i32
        %get3A_504 = arith.index_cast %add3A_503 : i32 to index
        %get3A_505 = tpu.vector_load %arg4[%get3A_504] {strides = array<i32>} : memref<8192xf32, #tpu.memory_space<vmem>>, vector<16xf32>,
        %add3A_506 = arith.constant 112 : i32
        %add3A_507 = arith.addi %mul3A_478, %add3A_506 : i32
        %get3A_508 = arith.index_cast %add3A_507 : i32 to index
        %get3A_509 = tpu.vector_load %arg4[%get3A_508] {strides = array<i32>} : memref<8192xf32, #tpu.memory_space<vmem>>, vector<16xf32>,
        %max3A = arith.maximumf %get3A_481, %get3A_485 : vector<16xf32>
        %min3A_510 = arith.minimumf %get3A_481, %get3A_485 : vector<16xf32>
        %max3A_511 = arith.maximumf %get3A_489, %get3A_493 : vector<16xf32>
        %min3A_512 = arith.minimumf %get3A_489, %get3A_493 : vector<16xf32>
        %max3A_513 = arith.maximumf %max3A, %max3A_511 : vector<16xf32>
        %min3A_514 = arith.minimumf %max3A, %max3A_511 : vector<16xf32>
        %max3A_515 = arith.maximumf %min3A_510, %min3A_512 : vector<16xf32>
        %max3A_516 = arith.maximumf %min3A_514, %max3A_515 : vector<16xf32>
        %max3A_517 = arith.maximumf %get3A_497, %get3A_501 : vector<16xf32>
        %min3A_518 = arith.minimumf %get3A_497, %get3A_501 : vector<16xf32>
        %max3A_519 = arith.maximumf %get3A_505, %get3A_509 : vector<16xf32>
        %min3A_520 = arith.minimumf %get3A_505, %get3A_509 : vector<16xf32>
        %max3A_521 = arith.maximumf %max3A_517, %max3A_519 : vector<16xf32>
        %min3A_522 = arith.minimumf %max3A_517, %max3A_519 : vector<16xf32>
        %max3A_523 = arith.maximumf %min3A_518, %min3A_520 : vector<16xf32>
        %max3A_524 = arith.maximumf %min3A_522, %max3A_523 : vector<16xf32>
        %max3A_525 = arith.maximumf %max3A_513, %max3A_521 : vector<16xf32>
        %min3A_526 = arith.minimumf %max3A_513, %max3A_521 : vector<16xf32>
        %max3A_527 = arith.maximumf %max3A_516, %max3A_524 : vector<16xf32>
        %max3A_528 = arith.maximumf %min3A_526, %max3A_527 : vector<16xf32>
        %max3A_529 = arith.maximumf %scan3A_470, %max3A_528 : vector<16xf32>
        %max3A_530 = arith.maximumf %scan3A_466, %max3A_525 : vector<16xf32>
        %min3A_531 = arith.minimumf %scan3A_466, %max3A_525 : vector<16xf32>
        %max3A_532 = arith.maximumf %scan3A_467, %min3A_531 : vector<16xf32>
        %min3A_533 = arith.minimumf %scan3A_467, %min3A_531 : vector<16xf32>
        %max3A_534 = arith.maximumf %scan3A_468, %min3A_533 : vector<16xf32>
        %min3A_535 = arith.minimumf %scan3A_468, %min3A_533 : vector<16xf32>
        %max3A_536 = arith.maximumf %scan3A_469, %min3A_535 : vector<16xf32>
        %min3A_537 = arith.minimumf %scan3A_469, %min3A_535 : vector<16xf32>
        %mul3A_538 = arith.constant 2 : i32
        %mul3A_539 = arith.muli %mul3A_538, %scan3A_465 : i32
        %add3A_540 = arith.constant 1 : i32
        %add3A_541 = arith.addi %mul3A_539, %add3A_540 : i32
        %mul3A_542 = arith.constant 8 : i32
        %mul3A_543 = arith.muli %add3A_541, %mul3A_542 : i32
        %mul3A_544 = arith.constant 16 : i32
        %mul3A_545 = arith.muli %mul3A_543, %mul3A_544 : i32
        %add3A_546 = arith.constant 0 : i32
        %add3A_547 = arith.addi %mul3A_545, %add3A_546 : i32
        %get3A_548 = arith.index_cast %add3A_547 : i32 to index
        %get3A_549 = tpu.vector_load %arg4[%get3A_548] {strides = array<i32>} : memref<8192xf32, #tpu.memory_space<vmem>>, vector<16xf32>,
        %add3A_550 = arith.constant 16 : i32
        %add3A_551 = arith.addi %mul3A_545, %add3A_550 : i32
        %get3A_552 = arith.index_cast %add3A_551 : i32 to index
        %get3A_553 = tpu.vector_load %arg4[%get3A_552] {strides = array<i32>} : memref<8192xf32, #tpu.memory_space<vmem>>, vector<16xf32>,
        %add3A_554 = arith.constant 32 : i32
        %add3A_555 = arith.addi %mul3A_545, %add3A_554 : i32
        %get3A_556 = arith.index_cast %add3A_555 : i32 to index
        %get3A_557 = tpu.vector_load %arg4[%get3A_556] {strides = array<i32>} : memref<8192xf32, #tpu.memory_space<vmem>>, vector<16xf32>,
        %add3A_558 = arith.constant 48 : i32
        %add3A_559 = arith.addi %mul3A_545, %add3A_558 : i32
        %get3A_560 = arith.index_cast %add3A_559 : i32 to index
        %get3A_561 = tpu.vector_load %arg4[%get3A_560] {strides = array<i32>} : memref<8192xf32, #tpu.memory_space<vmem>>, vector<16xf32>,
        %add3A_562 = arith.constant 64 : i32
        %add3A_563 = arith.addi %mul3A_545, %add3A_562 : i32
        %get3A_564 = arith.index_cast %add3A_563 : i32 to index
        %get3A_565 = tpu.vector_load %arg4[%get3A_564] {strides = array<i32>} : memref<8192xf32, #tpu.memory_space<vmem>>, vector<16xf32>,
        %add3A_566 = arith.constant 80 : i32
        %add3A_567 = arith.addi %mul3A_545, %add3A_566 : i32
        %get3A_568 = arith.index_cast %add3A_567 : i32 to index
        %get3A_569 = tpu.vector_load %arg4[%get3A_568] {strides = array<i32>} : memref<8192xf32, #tpu.memory_space<vmem>>, vector<16xf32>,
        %add3A_570 = arith.constant 96 : i32
        %add3A_571 = arith.addi %mul3A_545, %add3A_570 : i32
        %get3A_572 = arith.index_cast %add3A_571 : i32 to index
        %get3A_573 = tpu.vector_load %arg4[%get3A_572] {strides = array<i32>} : memref<8192xf32, #tpu.memory_space<vmem>>, vector<16xf32>,
        %add3A_574 = arith.constant 112 : i32
        %add3A_575 = arith.addi %mul3A_545, %add3A_574 : i32
        %get3A_576 = arith.index_cast %add3A_575 : i32 to index
        %get3A_577 = tpu.vector_load %arg4[%get3A_576] {strides = array<i32>} : memref<8192xf32, #tpu.memory_space<vmem>>, vector<16xf32>,
        %max3A_578 = arith.maximumf %get3A_549, %get3A_553 : vector<16xf32>
        %min3A_579 = arith.minimumf %get3A_549, %get3A_553 : vector<16xf32>
        %max3A_580 = arith.maximumf %get3A_557, %get3A_561 : vector<16xf32>
        %min3A_581 = arith.minimumf %get3A_557, %get3A_561 : vector<16xf32>
        %max3A_582 = arith.maximumf %max3A_578, %max3A_580 : vector<16xf32>
        %min3A_583 = arith.minimumf %max3A_578, %max3A_580 : vector<16xf32>
        %max3A_584 = arith.maximumf %min3A_579, %min3A_581 : vector<16xf32>
        %max3A_585 = arith.maximumf %min3A_583, %max3A_584 : vector<16xf32>
        %max3A_586 = arith.maximumf %get3A_565, %get3A_569 : vector<16xf32>
        %min3A_587 = arith.minimumf %get3A_565, %get3A_569 : vector<16xf32>
        %max3A_588 = arith.maximumf %get3A_573, %get3A_577 : vector<16xf32>
        %min3A_589 = arith.minimumf %get3A_573, %get3A_577 : vector<16xf32>
        %max3A_590 = arith.maximumf %max3A_586, %max3A_588 : vector<16xf32>
        %min3A_591 = arith.minimumf %max3A_586, %max3A_588 : vector<16xf32>
        %max3A_592 = arith.maximumf %min3A_587, %min3A_589 : vector<16xf32>
        %max3A_593 = arith.maximumf %min3A_591, %max3A_592 : vector<16xf32>
        %max3A_594 = arith.maximumf %max3A_582, %max3A_590 : vector<16xf32>
        %min3A_595 = arith.minimumf %max3A_582, %max3A_590 : vector<16xf32>
        %max3A_596 = arith.maximumf %max3A_585, %max3A_593 : vector<16xf32>
        %max3A_597 = arith.maximumf %min3A_595, %max3A_596 : vector<16xf32>
        %max3A_598 = arith.maximumf %max3A_529, %max3A_597 : vector<16xf32>
        %max3A_599 = arith.maximumf %max3A_530, %max3A_594 : vector<16xf32>
        %min3A_600 = arith.minimumf %max3A_530, %max3A_594 : vector<16xf32>
        %max3A_601 = arith.maximumf %max3A_532, %min3A_600 : vector<16xf32>
        %min3A_602 = arith.minimumf %max3A_532, %min3A_600 : vector<16xf32>
        %max3A_603 = arith.maximumf %max3A_534, %min3A_602 : vector<16xf32>
        %min3A_604 = arith.minimumf %max3A_534, %min3A_602 : vector<16xf32>
        %max3A_605 = arith.maximumf %max3A_536, %min3A_604 : vector<16xf32>
        %min3A_606 = arith.minimumf %max3A_536, %min3A_604 : vector<16xf32>
        scf.yield %max3A_599, %max3A_601, %max3A_603, %max3A_605, %max3A_598 : vector<16xf32>, vector<16xf32>, vector<16xf32>, vector<16xf32>, vector<16xf32>
      }
      %scan3A_88 = arith.constant 32 : i32
      %masked_sort3A = arith.constant dense<true> : vector<16xi1>
      %masked_sort3A_89, %masked_sort3A_90, %masked_sort3A_91 = tpu.sort %scan3A_87#0, %scan3A_87#0 masked %masked_sort3A {descending = true} : (vector<16xf32>, vector<16xf32>, vector<16xi1>) -> (vector<16xi1>, vector<16xf32>, vector<16xf32>)
      %masked_sort3A_92 = arith.constant dense<true> : vector<16xi1>
      %masked_sort3A_93, %masked_sort3A_94, %masked_sort3A_95 = tpu.sort %scan3A_87#1, %scan3A_87#1 masked %masked_sort3A_92 {descending = true} : (vector<16xf32>, vector<16xf32>, vector<16xi1>) -> (vector<16xi1>, vector<16xf32>, vector<16xf32>)
      %masked_sort3A_96 = arith.constant dense<true> : vector<16xi1>
      %masked_sort3A_97, %masked_sort3A_98, %masked_sort3A_99 = tpu.sort %scan3A_87#2, %scan3A_87#2 masked %masked_sort3A_96 {descending = true} : (vector<16xf32>, vector<16xf32>, vector<16xi1>) -> (vector<16xi1>, vector<16xf32>, vector<16xf32>)
      %masked_sort3A_100 = arith.constant dense<true> : vector<16xi1>
      %masked_sort3A_101, %masked_sort3A_102, %masked_sort3A_103 = tpu.sort %scan3A_87#3, %scan3A_87#3 masked %masked_sort3A_100 {descending = true} : (vector<16xf32>, vector<16xf32>, vector<16xi1>) -> (vector<16xi1>, vector<16xf32>, vector<16xf32>)
      %rev3A = arith.constant 15 : i32
      %rev3A_104 = vector.broadcast %rev3A : i32 to vector<16xi32>
      %rev3A_105 = tpu.iota {dimensions = array<i32: 0>} : vector<16xi32>
      %rev3A_106 = arith.subi %rev3A_104, %rev3A_105 : vector<16xi32>
      %rev3A_107 = tpu.dynamic_gather %masked_sort3A_94[%rev3A_106] in [0] : vector<16xf32>, vector<16xi32> -> vector<16xf32>
      %select_n3A = arith.select %lt3A_4, %masked_sort3A_90, %rev3A_107 : vector<16xi1>, vector<16xf32>
      %masked_sort3A_108 = arith.constant dense<true> : vector<16xi1>
      %masked_sort3A_109, %masked_sort3A_110, %masked_sort3A_111 = tpu.sort %select_n3A, %select_n3A masked %masked_sort3A_108 {descending = true} : (vector<16xf32>, vector<16xf32>, vector<16xi1>) -> (vector<16xi1>, vector<16xf32>, vector<16xf32>)
      %rev3A_112 = arith.constant 15 : i32
      %rev3A_113 = vector.broadcast %rev3A_112 : i32 to vector<16xi32>
      %rev3A_114 = tpu.iota {dimensions = array<i32: 0>} : vector<16xi32>
      %rev3A_115 = arith.subi %rev3A_113, %rev3A_114 : vector<16xi32>
      %rev3A_116 = tpu.dynamic_gather %masked_sort3A_102[%rev3A_115] in [0] : vector<16xf32>, vector<16xi32> -> vector<16xf32>
      %select_n3A_117 = arith.select %lt3A_4, %masked_sort3A_98, %rev3A_116 : vector<16xi1>, vector<16xf32>
      %masked_sort3A_118 = arith.constant dense<true> : vector<16xi1>
      %masked_sort3A_119, %masked_sort3A_120, %masked_sort3A_121 = tpu.sort %select_n3A_117, %select_n3A_117 masked %masked_sort3A_118 {descending = true} : (vector<16xf32>, vector<16xf32>, vector<16xi1>) -> (vector<16xi1>, vector<16xf32>, vector<16xf32>)
      %rev3A_122 = arith.constant 15 : i32
      %rev3A_123 = vector.broadcast %rev3A_122 : i32 to vector<16xi32>
      %rev3A_124 = tpu.iota {dimensions = array<i32: 0>} : vector<16xi32>
      %rev3A_125 = arith.subi %rev3A_123, %rev3A_124 : vector<16xi32>
      %rev3A_126 = tpu.dynamic_gather %masked_sort3A_120[%rev3A_125] in [0] : vector<16xf32>, vector<16xi32> -> vector<16xf32>
      %select_n3A_127 = arith.select %lt3A_4, %masked_sort3A_110, %rev3A_126 : vector<16xi1>, vector<16xf32>
      %masked_sort3A_128 = arith.constant dense<true> : vector<16xi1>
      %masked_sort3A_129, %masked_sort3A_130, %masked_sort3A_131 = tpu.sort %select_n3A_127, %select_n3A_127 masked %masked_sort3A_128 {descending = true} : (vector<16xf32>, vector<16xf32>, vector<16xi1>) -> (vector<16xi1>, vector<16xf32>, vector<16xf32>)
      %swap3A = arith.constant 0 : index
      %swap3A_132 = tpu.vector_load %arg8[%swap3A] {strides = array<i32>} : memref<16xf32, #tpu.memory_space<vmem>>, vector<16xf32>,
      tpu.vector_store %arg8[%swap3A], %masked_sort3A_130 {strides = array<i32>} : memref<16xf32, #tpu.memory_space<vmem>>, vector<16xf32>,
      %gather3A = tpu.vector_load_idx %arg8[%broadcast_in_dim3A_5] : memref<16xf32, #tpu.memory_space<vmem>>[vector<16xi32>], vector<16xf32>,
      %gt3A = arith.cmpf ogt, %scan3A_87#3, %gather3A : vector<16xf32>
      %gt3A_133 = arith.cmpf ogt, %scan3A_87#4, %gather3A : vector<16xf32>
      %or3A = arith.ori %gt3A, %gt3A_133 : vector<16xi1>
      %reduce_or3A = arith.constant 1.000000e+00 : f32
      %reduce_or3A_134 = arith.constant 0.000000e+00 : f32
      %reduce_or3A_135 = vector.broadcast %reduce_or3A : f32 to vector<16xf32>
      %reduce_or3A_136 = vector.broadcast %reduce_or3A_134 : f32 to vector<16xf32>
      %reduce_or3A_137 = arith.select %or3A, %reduce_or3A_135, %reduce_or3A_136 : vector<16xi1>, vector<16xf32>
      %reduce_or3A_138 = arith.constant true
      %reduce_or3A_139 = vector.broadcast %reduce_or3A_138 : i1 to vector<16xi1>
      %reduce_or3A_140 = tpu.scan <max>, %reduce_or3A_137 masked %reduce_or3A_139 : vector<16xf32>, vector<16xi1> -> vector<16xf32>
      %reduce_or3A_141 = vector.extract %reduce_or3A_140[15] : f32 from vector<16xf32>
      %reduce_or3A_142 = arith.constant 0.000000e+00 : f32
      %reduce_or3A_143 = arith.cmpf ogt, %reduce_or3A_141, %reduce_or3A_142 : f32
      %convert_element_type3A = arith.extui %reduce_or3A_143 : i1 to i32
      %cond3A = arith.constant 0 : i32
      %cond3A_144 = arith.cmpi ne, %convert_element_type3A, %cond3A : i32
      %cond3A_145 = scf.if %cond3A_144 -> (vector<16xf32>) {
        %scan3A_465 = arith.constant 0 : i32
        %scan3A_466 = arith.constant 128 : i32
        %scan3A_467 = arith.addi %scan3A_465, %scan3A_466 : i32
        %scan3A_468 = arith.constant 1 : i32
        %scan3A_469:8 = scf.for %scan3A_573 = %scan3A_465 to %scan3A_467 step %scan3A_468 iter_args(%scan3A_574 = %broadcast_in_dim3A_7, %scan3A_575 = %broadcast_in_dim3A_7, %scan3A_576 = %broadcast_in_dim3A_7, %scan3A_577 = %broadcast_in_dim3A_7, %scan3A_578 = %broadcast_in_dim3A_7, %scan3A_579 = %broadcast_in_dim3A_7, %scan3A_580 = %broadcast_in_dim3A_7, %scan3A_581 = %broadcast_in_dim3A_7) -> (vector<16xf32>, vector<16xf32>, vector<16xf32>, vector<16xf32>, vector<16xf32>, vector<16xf32>, vector<16xf32>, vector<16xf32>)  : i32 {
          %mul3A_582 = arith.constant 4 : i32
          %mul3A_583 = arith.muli %scan3A_573, %mul3A_582 : i32
          %add3A_584 = arith.constant 0 : i32
          %add3A_585 = arith.addi %mul3A_583, %add3A_584 : i32
          %mul3A_586 = arith.constant 16 : i32
          %mul3A_587 = arith.muli %add3A_585, %mul3A_586 : i32
          %get3A = arith.index_cast %mul3A_587 : i32 to index
          %get3A_588 = tpu.vector_load %arg4[%get3A] {strides = array<i32>} : memref<8192xf32, #tpu.memory_space<vmem>>, vector<16xf32>,
          %max3A = arith.maximumf %scan3A_574, %get3A_588 : vector<16xf32>
          %min3A_589 = arith.minimumf %scan3A_574, %get3A_588 : vector<16xf32>
          %max3A_590 = arith.maximumf %scan3A_575, %min3A_589 : vector<16xf32>
          %min3A_591 = arith.minimumf %scan3A_575, %min3A_589 : vector<16xf32>
          %max3A_592 = arith.maximumf %scan3A_576, %min3A_591 : vector<16xf32>
          %min3A_593 = arith.minimumf %scan3A_576, %min3A_591 : vector<16xf32>
          %max3A_594 = arith.maximumf %scan3A_577, %min3A_593 : vector<16xf32>
          %min3A_595 = arith.minimumf %scan3A_577, %min3A_593 : vector<16xf32>
          %max3A_596 = arith.maximumf %scan3A_578, %min3A_595 : vector<16xf32>
          %min3A_597 = arith.minimumf %scan3A_578, %min3A_595 : vector<16xf32>
          %max3A_598 = arith.maximumf %scan3A_579, %min3A_597 : vector<16xf32>
          %min3A_599 = arith.minimumf %scan3A_579, %min3A_597 : vector<16xf32>
          %max3A_600 = arith.maximumf %scan3A_580, %min3A_599 : vector<16xf32>
          %min3A_601 = arith.minimumf %scan3A_580, %min3A_599 : vector<16xf32>
          %max3A_602 = arith.maximumf %scan3A_581, %min3A_601 : vector<16xf32>
          %min3A_603 = arith.minimumf %scan3A_581, %min3A_601 : vector<16xf32>
          %mul3A_604 = arith.constant 4 : i32
          %mul3A_605 = arith.muli %scan3A_573, %mul3A_604 : i32
          %add3A_606 = arith.constant 1 : i32
          %add3A_607 = arith.addi %mul3A_605, %add3A_606 : i32
          %mul3A_608 = arith.constant 16 : i32
          %mul3A_609 = arith.muli %add3A_607, %mul3A_608 : i32
          %get3A_610 = arith.index_cast %mul3A_609 : i32 to index
          %get3A_611 = tpu.vector_load %arg4[%get3A_610] {strides = array<i32>} : memref<8192xf32, #tpu.memory_space<vmem>>, vector<16xf32>,
          %max3A_612 = arith.maximumf %max3A, %get3A_611 : vector<16xf32>
          %min3A_613 = arith.minimumf %max3A, %get3A_611 : vector<16xf32>
          %max3A_614 = arith.maximumf %max3A_590, %min3A_613 : vector<16xf32>
          %min3A_615 = arith.minimumf %max3A_590, %min3A_613 : vector<16xf32>
          %max3A_616 = arith.maximumf %max3A_592, %min3A_615 : vector<16xf32>
          %min3A_617 = arith.minimumf %max3A_592, %min3A_615 : vector<16xf32>
          %max3A_618 = arith.maximumf %max3A_594, %min3A_617 : vector<16xf32>
          %min3A_619 = arith.minimumf %max3A_594, %min3A_617 : vector<16xf32>
          %max3A_620 = arith.maximumf %max3A_596, %min3A_619 : vector<16xf32>
          %min3A_621 = arith.minimumf %max3A_596, %min3A_619 : vector<16xf32>
          %max3A_622 = arith.maximumf %max3A_598, %min3A_621 : vector<16xf32>
          %min3A_623 = arith.minimumf %max3A_598, %min3A_621 : vector<16xf32>
          %max3A_624 = arith.maximumf %max3A_600, %min3A_623 : vector<16xf32>
          %min3A_625 = arith.minimumf %max3A_600, %min3A_623 : vector<16xf32>
          %max3A_626 = arith.maximumf %max3A_602, %min3A_625 : vector<16xf32>
          %min3A_627 = arith.minimumf %max3A_602, %min3A_625 : vector<16xf32>
          %mul3A_628 = arith.constant 4 : i32
          %mul3A_629 = arith.muli %scan3A_573, %mul3A_628 : i32
          %add3A_630 = arith.constant 2 : i32
          %add3A_631 = arith.addi %mul3A_629, %add3A_630 : i32
          %mul3A_632 = arith.constant 16 : i32
          %mul3A_633 = arith.muli %add3A_631, %mul3A_632 : i32
          %get3A_634 = arith.index_cast %mul3A_633 : i32 to index
          %get3A_635 = tpu.vector_load %arg4[%get3A_634] {strides = array<i32>} : memref<8192xf32, #tpu.memory_space<vmem>>, vector<16xf32>,
          %max3A_636 = arith.maximumf %max3A_612, %get3A_635 : vector<16xf32>
          %min3A_637 = arith.minimumf %max3A_612, %get3A_635 : vector<16xf32>
          %max3A_638 = arith.maximumf %max3A_614, %min3A_637 : vector<16xf32>
          %min3A_639 = arith.minimumf %max3A_614, %min3A_637 : vector<16xf32>
          %max3A_640 = arith.maximumf %max3A_616, %min3A_639 : vector<16xf32>
          %min3A_641 = arith.minimumf %max3A_616, %min3A_639 : vector<16xf32>
          %max3A_642 = arith.maximumf %max3A_618, %min3A_641 : vector<16xf32>
          %min3A_643 = arith.minimumf %max3A_618, %min3A_641 : vector<16xf32>
          %max3A_644 = arith.maximumf %max3A_620, %min3A_643 : vector<16xf32>
          %min3A_645 = arith.minimumf %max3A_620, %min3A_643 : vector<16xf32>
          %max3A_646 = arith.maximumf %max3A_622, %min3A_645 : vector<16xf32>
          %min3A_647 = arith.minimumf %max3A_622, %min3A_645 : vector<16xf32>
          %max3A_648 = arith.maximumf %max3A_624, %min3A_647 : vector<16xf32>
          %min3A_649 = arith.minimumf %max3A_624, %min3A_647 : vector<16xf32>
          %max3A_650 = arith.maximumf %max3A_626, %min3A_649 : vector<16xf32>
          %min3A_651 = arith.minimumf %max3A_626, %min3A_649 : vector<16xf32>
          %mul3A_652 = arith.constant 4 : i32
          %mul3A_653 = arith.muli %scan3A_573, %mul3A_652 : i32
          %add3A_654 = arith.constant 3 : i32
          %add3A_655 = arith.addi %mul3A_653, %add3A_654 : i32
          %mul3A_656 = arith.constant 16 : i32
          %mul3A_657 = arith.muli %add3A_655, %mul3A_656 : i32
          %get3A_658 = arith.index_cast %mul3A_657 : i32 to index
          %get3A_659 = tpu.vector_load %arg4[%get3A_658] {strides = array<i32>} : memref<8192xf32, #tpu.memory_space<vmem>>, vector<16xf32>,
          %max3A_660 = arith.maximumf %max3A_636, %get3A_659 : vector<16xf32>
          %min3A_661 = arith.minimumf %max3A_636, %get3A_659 : vector<16xf32>
          %max3A_662 = arith.maximumf %max3A_638, %min3A_661 : vector<16xf32>
          %min3A_663 = arith.minimumf %max3A_638, %min3A_661 : vector<16xf32>
          %max3A_664 = arith.maximumf %max3A_640, %min3A_663 : vector<16xf32>
          %min3A_665 = arith.minimumf %max3A_640, %min3A_663 : vector<16xf32>
          %max3A_666 = arith.maximumf %max3A_642, %min3A_665 : vector<16xf32>
          %min3A_667 = arith.minimumf %max3A_642, %min3A_665 : vector<16xf32>
          %max3A_668 = arith.maximumf %max3A_644, %min3A_667 : vector<16xf32>
          %min3A_669 = arith.minimumf %max3A_644, %min3A_667 : vector<16xf32>
          %max3A_670 = arith.maximumf %max3A_646, %min3A_669 : vector<16xf32>
          %min3A_671 = arith.minimumf %max3A_646, %min3A_669 : vector<16xf32>
          %max3A_672 = arith.maximumf %max3A_648, %min3A_671 : vector<16xf32>
          %min3A_673 = arith.minimumf %max3A_648, %min3A_671 : vector<16xf32>
          %max3A_674 = arith.maximumf %max3A_650, %min3A_673 : vector<16xf32>
          %min3A_675 = arith.minimumf %max3A_650, %min3A_673 : vector<16xf32>
          scf.yield %max3A_660, %max3A_662, %max3A_664, %max3A_666, %max3A_668, %max3A_670, %max3A_672, %max3A_674 : vector<16xf32>, vector<16xf32>, vector<16xf32>, vector<16xf32>, vector<16xf32>, vector<16xf32>, vector<16xf32>, vector<16xf32>
        }
        %scan3A_470 = arith.constant 128 : i32
        %masked_sort3A_471 = arith.constant dense<true> : vector<16xi1>
        %masked_sort3A_472, %masked_sort3A_473, %masked_sort3A_474 = tpu.sort %scan3A_469#0, %scan3A_469#0 masked %masked_sort3A_471 {descending = true} : (vector<16xf32>, vector<16xf32>, vector<16xi1>) -> (vector<16xi1>, vector<16xf32>, vector<16xf32>)
        %masked_sort3A_475 = arith.constant dense<true> : vector<16xi1>
        %masked_sort3A_476, %masked_sort3A_477, %masked_sort3A_478 = tpu.sort %scan3A_469#1, %scan3A_469#1 masked %masked_sort3A_475 {descending = true} : (vector<16xf32>, vector<16xf32>, vector<16xi1>) -> (vector<16xi1>, vector<16xf32>, vector<16xf32>)
        %masked_sort3A_479 = arith.constant dense<true> : vector<16xi1>
        %masked_sort3A_480, %masked_sort3A_481, %masked_sort3A_482 = tpu.sort %scan3A_469#2, %scan3A_469#2 masked %masked_sort3A_479 {descending = true} : (vector<16xf32>, vector<16xf32>, vector<16xi1>) -> (vector<16xi1>, vector<16xf32>, vector<16xf32>)
        %masked_sort3A_483 = arith.constant dense<true> : vector<16xi1>
        %masked_sort3A_484, %masked_sort3A_485, %masked_sort3A_486 = tpu.sort %scan3A_469#3, %scan3A_469#3 masked %masked_sort3A_483 {descending = true} : (vector<16xf32>, vector<16xf32>, vector<16xi1>) -> (vector<16xi1>, vector<16xf32>, vector<16xf32>)
        %masked_sort3A_487 = arith.constant dense<true> : vector<16xi1>
        %masked_sort3A_488, %masked_sort3A_489, %masked_sort3A_490 = tpu.sort %scan3A_469#4, %scan3A_469#4 masked %masked_sort3A_487 {descending = true} : (vector<16xf32>, vector<16xf32>, vector<16xi1>) -> (vector<16xi1>, vector<16xf32>, vector<16xf32>)
        %masked_sort3A_491 = arith.constant dense<true> : vector<16xi1>
        %masked_sort3A_492, %masked_sort3A_493, %masked_sort3A_494 = tpu.sort %scan3A_469#5, %scan3A_469#5 masked %masked_sort3A_491 {descending = true} : (vector<16xf32>, vector<16xf32>, vector<16xi1>) -> (vector<16xi1>, vector<16xf32>, vector<16xf32>)
        %masked_sort3A_495 = arith.constant dense<true> : vector<16xi1>
        %masked_sort3A_496, %masked_sort3A_497, %masked_sort3A_498 = tpu.sort %scan3A_469#6, %scan3A_469#6 masked %masked_sort3A_495 {descending = true} : (vector<16xf32>, vector<16xf32>, vector<16xi1>) -> (vector<16xi1>, vector<16xf32>, vector<16xf32>)
        %masked_sort3A_499 = arith.constant dense<true> : vector<16xi1>
        %masked_sort3A_500, %masked_sort3A_501, %masked_sort3A_502 = tpu.sort %scan3A_469#7, %scan3A_469#7 masked %masked_sort3A_499 {descending = true} : (vector<16xf32>, vector<16xf32>, vector<16xi1>) -> (vector<16xi1>, vector<16xf32>, vector<16xf32>)
        %rev3A_503 = arith.constant 15 : i32
        %rev3A_504 = vector.broadcast %rev3A_503 : i32 to vector<16xi32>
        %rev3A_505 = tpu.iota {dimensions = array<i32: 0>} : vector<16xi32>
        %rev3A_506 = arith.subi %rev3A_504, %rev3A_505 : vector<16xi32>
        %rev3A_507 = tpu.dynamic_gather %masked_sort3A_477[%rev3A_506] in [0] : vector<16xf32>, vector<16xi32> -> vector<16xf32>
        %select_n3A_508 = arith.select %lt3A_4, %masked_sort3A_473, %rev3A_507 : vector<16xi1>, vector<16xf32>
        %masked_sort3A_509 = arith.constant dense<true> : vector<16xi1>
        %masked_sort3A_510, %masked_sort3A_511, %masked_sort3A_512 = tpu.sort %select_n3A_508, %select_n3A_508 masked %masked_sort3A_509 {descending = true} : (vector<16xf32>, vector<16xf32>, vector<16xi1>) -> (vector<16xi1>, vector<16xf32>, vector<16xf32>)
        %rev3A_513 = arith.constant 15 : i32
        %rev3A_514 = vector.broadcast %rev3A_513 : i32 to vector<16xi32>
        %rev3A_515 = tpu.iota {dimensions = array<i32: 0>} : vector<16xi32>
        %rev3A_516 = arith.subi %rev3A_514, %rev3A_515 : vector<16xi32>
        %rev3A_517 = tpu.dynamic_gather %masked_sort3A_485[%rev3A_516] in [0] : vector<16xf32>, vector<16xi32> -> vector<16xf32>
        %select_n3A_518 = arith.select %lt3A_4, %masked_sort3A_481, %rev3A_517 : vector<16xi1>, vector<16xf32>
        %masked_sort3A_519 = arith.constant dense<true> : vector<16xi1>
        %masked_sort3A_520, %masked_sort3A_521, %masked_sort3A_522 = tpu.sort %select_n3A_518, %select_n3A_518 masked %masked_sort3A_519 {descending = true} : (vector<16xf32>, vector<16xf32>, vector<16xi1>) -> (vector<16xi1>, vector<16xf32>, vector<16xf32>)
        %rev3A_523 = arith.constant 15 : i32
        %rev3A_524 = vector.broadcast %rev3A_523 : i32 to vector<16xi32>
        %rev3A_525 = tpu.iota {dimensions = array<i32: 0>} : vector<16xi32>
        %rev3A_526 = arith.subi %rev3A_524, %rev3A_525 : vector<16xi32>
        %rev3A_527 = tpu.dynamic_gather %masked_sort3A_493[%rev3A_526] in [0] : vector<16xf32>, vector<16xi32> -> vector<16xf32>
        %select_n3A_528 = arith.select %lt3A_4, %masked_sort3A_489, %rev3A_527 : vector<16xi1>, vector<16xf32>
        %masked_sort3A_529 = arith.constant dense<true> : vector<16xi1>
        %masked_sort3A_530, %masked_sort3A_531, %masked_sort3A_532 = tpu.sort %select_n3A_528, %select_n3A_528 masked %masked_sort3A_529 {descending = true} : (vector<16xf32>, vector<16xf32>, vector<16xi1>) -> (vector<16xi1>, vector<16xf32>, vector<16xf32>)
        %rev3A_533 = arith.constant 15 : i32
        %rev3A_534 = vector.broadcast %rev3A_533 : i32 to vector<16xi32>
        %rev3A_535 = tpu.iota {dimensions = array<i32: 0>} : vector<16xi32>
        %rev3A_536 = arith.subi %rev3A_534, %rev3A_535 : vector<16xi32>
        %rev3A_537 = tpu.dynamic_gather %masked_sort3A_501[%rev3A_536] in [0] : vector<16xf32>, vector<16xi32> -> vector<16xf32>
        %select_n3A_538 = arith.select %lt3A_4, %masked_sort3A_497, %rev3A_537 : vector<16xi1>, vector<16xf32>
        %masked_sort3A_539 = arith.constant dense<true> : vector<16xi1>
        %masked_sort3A_540, %masked_sort3A_541, %masked_sort3A_542 = tpu.sort %select_n3A_538, %select_n3A_538 masked %masked_sort3A_539 {descending = true} : (vector<16xf32>, vector<16xf32>, vector<16xi1>) -> (vector<16xi1>, vector<16xf32>, vector<16xf32>)
        %rev3A_543 = arith.constant 15 : i32
        %rev3A_544 = vector.broadcast %rev3A_543 : i32 to vector<16xi32>
        %rev3A_545 = tpu.iota {dimensions = array<i32: 0>} : vector<16xi32>
        %rev3A_546 = arith.subi %rev3A_544, %rev3A_545 : vector<16xi32>
        %rev3A_547 = tpu.dynamic_gather %masked_sort3A_521[%rev3A_546] in [0] : vector<16xf32>, vector<16xi32> -> vector<16xf32>
        %select_n3A_548 = arith.select %lt3A_4, %masked_sort3A_511, %rev3A_547 : vector<16xi1>, vector<16xf32>
        %masked_sort3A_549 = arith.constant dense<true> : vector<16xi1>
        %masked_sort3A_550, %masked_sort3A_551, %masked_sort3A_552 = tpu.sort %select_n3A_548, %select_n3A_548 masked %masked_sort3A_549 {descending = true} : (vector<16xf32>, vector<16xf32>, vector<16xi1>) -> (vector<16xi1>, vector<16xf32>, vector<16xf32>)
        %rev3A_553 = arith.constant 15 : i32
        %rev3A_554 = vector.broadcast %rev3A_553 : i32 to vector<16xi32>
        %rev3A_555 = tpu.iota {dimensions = array<i32: 0>} : vector<16xi32>
        %rev3A_556 = arith.subi %rev3A_554, %rev3A_555 : vector<16xi32>
        %rev3A_557 = tpu.dynamic_gather %masked_sort3A_541[%rev3A_556] in [0] : vector<16xf32>, vector<16xi32> -> vector<16xf32>
        %select_n3A_558 = arith.select %lt3A_4, %masked_sort3A_531, %rev3A_557 : vector<16xi1>, vector<16xf32>
        %masked_sort3A_559 = arith.constant dense<true> : vector<16xi1>
        %masked_sort3A_560, %masked_sort3A_561, %masked_sort3A_562 = tpu.sort %select_n3A_558, %select_n3A_558 masked %masked_sort3A_559 {descending = true} : (vector<16xf32>, vector<16xf32>, vector<16xi1>) -> (vector<16xi1>, vector<16xf32>, vector<16xf32>)
        %rev3A_563 = arith.constant 15 : i32
        %rev3A_564 = vector.broadcast %rev3A_563 : i32 to vector<16xi32>
        %rev3A_565 = tpu.iota {dimensions = array<i32: 0>} : vector<16xi32>
        %rev3A_566 = arith.subi %rev3A_564, %rev3A_565 : vector<16xi32>
        %rev3A_567 = tpu.dynamic_gather %masked_sort3A_561[%rev3A_566] in [0] : vector<16xf32>, vector<16xi32> -> vector<16xf32>
        %select_n3A_568 = arith.select %lt3A_4, %masked_sort3A_551, %rev3A_567 : vector<16xi1>, vector<16xf32>
        %masked_sort3A_569 = arith.constant dense<true> : vector<16xi1>
        %masked_sort3A_570, %masked_sort3A_571, %masked_sort3A_572 = tpu.sort %select_n3A_568, %select_n3A_568 masked %masked_sort3A_569 {descending = true} : (vector<16xf32>, vector<16xf32>, vector<16xi1>) -> (vector<16xi1>, vector<16xf32>, vector<16xf32>)
        scf.yield %masked_sort3A_571 : vector<16xf32>
      } else {
        scf.yield %masked_sort3A_130 : vector<16xf32>
      }
      %mul3A_146 = arith.constant 8 : i32
      %mul3A_147 = arith.muli %add3A_82, %mul3A_146 : i32
      %swap3A_148 = arith.index_cast %mul3A_147 : i32 to index
      %swap3A_149 = tpu.vector_load %arg9[%swap3A_148] masked %lt3A_4 {strides = array<i32>} : memref<776xf32, #tpu.memory_space<vmem>>, vector<16xf32>, vector<16xi1>
      tpu.vector_store %arg9[%swap3A_148], %cond3A_145 masked %lt3A_4 {strides = array<i32>} : memref<776xf32, #tpu.memory_space<vmem>>, vector<16xf32>, vector<16xi1>
      %add3A_150 = arith.constant 0 : i32
      %add3A_151 = arith.addi %mul3A_71, %add3A_150 : i32
      %add3A_152 = arith.constant 4 : i32
      %add3A_153 = arith.addi %add3A_151, %add3A_152 : i32
      %min3A = arith.constant 95 : i32
      %min3A_154 = arith.minsi %add3A_153, %min3A : i32
      %add3A_155 = arith.addi %mul3A_2, %min3A_154 : i32
      %dma_start3A_156 = arith.constant 0 : i32
      %dma_start3A_157 = tpu.memref_slice %arg2[%add3A_155, %dma_start3A_156] : memref<3072x8192xf32, #tpu.memory_space<hbm>> -> memref<1x8192xf32, #tpu.memory_space<hbm>>
      %dma_start3A_158 = tpu.memref_squeeze %dma_start3A_157 : memref<1x8192xf32, #tpu.memory_space<hbm>> -> memref<8192xf32, #tpu.memory_space<hbm>>
      %dma_start3A_159 = arith.constant 0 : i32
      %dma_start3A_160 = tpu.memref_slice %arg2[%add3A_155, %dma_start3A_159] : memref<3072x8192xf32, #tpu.memory_space<hbm>> -> memref<1x8192xf32, #tpu.memory_space<hbm>>
      %dma_start3A_161 = tpu.memref_squeeze %dma_start3A_160 : memref<1x8192xf32, #tpu.memory_space<hbm>> -> memref<8192xf32, #tpu.memory_space<hbm>>
      tpu.enqueue_dma source(%dma_start3A_161 : memref<8192xf32, #tpu.memory_space<hbm>>) target(%arg4 : memref<8192xf32, #tpu.memory_space<vmem>>) target_semaphore(%arg10 : memref<!tpu.dma_semaphore, #tpu.memory_space<semaphore_mem>>)
      %add3A_162 = arith.addi %mul3A_2, %mul3A_71 : i32
      %add3A_163 = arith.constant 1 : i32
      %add3A_164 = arith.addi %add3A_162, %add3A_163 : i32
      %dma_wait3A_165 = arith.constant 0 : i32
      %dma_wait3A_166 = tpu.memref_slice %arg2[%add3A_164, %dma_wait3A_165] : memref<3072x8192xf32, #tpu.memory_space<hbm>> -> memref<1x8192xf32, #tpu.memory_space<hbm>>
      %dma_wait3A_167 = tpu.memref_squeeze %dma_wait3A_166 : memref<1x8192xf32, #tpu.memory_space<hbm>> -> memref<8192xf32, #tpu.memory_space<hbm>>
      %dma_wait3A_168 = arith.constant 0 : i32
      %dma_wait3A_169 = tpu.memref_slice %arg2[%add3A_164, %dma_wait3A_168] : memref<3072x8192xf32, #tpu.memory_space<hbm>> -> memref<1x8192xf32, #tpu.memory_space<hbm>>
      %dma_wait3A_170 = tpu.memref_squeeze %dma_wait3A_169 : memref<1x8192xf32, #tpu.memory_space<hbm>> -> memref<8192xf32, #tpu.memory_space<hbm>>
      tpu.wait_dma2 semaphore(%arg11 : memref<!tpu.dma_semaphore, #tpu.memory_space<semaphore_mem>>) src(%dma_wait3A_170 : memref<8192xf32, #tpu.memory_space<hbm>>) dst(%arg5 : memref<8192xf32, #tpu.memory_space<vmem>>)
      %add3A_171 = arith.constant 1 : i32
      %add3A_172 = arith.addi %mul3A_71, %add3A_171 : i32
      %scan3A_173 = arith.constant 0 : i32
      %scan3A_174 = arith.constant 32 : i32
      %scan3A_175 = arith.addi %scan3A_173, %scan3A_174 : i32
      %scan3A_176 = arith.constant 1 : i32
      %scan3A_177:5 = scf.for %scan3A_465 = %scan3A_173 to %scan3A_175 step %scan3A_176 iter_args(%scan3A_466 = %broadcast_in_dim3A_7, %scan3A_467 = %broadcast_in_dim3A_7, %scan3A_468 = %broadcast_in_dim3A_7, %scan3A_469 = %broadcast_in_dim3A_7, %scan3A_470 = %broadcast_in_dim3A_7) -> (vector<16xf32>, vector<16xf32>, vector<16xf32>, vector<16xf32>, vector<16xf32>)  : i32 {
        %mul3A_471 = arith.constant 2 : i32
        %mul3A_472 = arith.muli %mul3A_471, %scan3A_465 : i32
        %add3A_473 = arith.constant 0 : i32
        %add3A_474 = arith.addi %mul3A_472, %add3A_473 : i32
        %mul3A_475 = arith.constant 8 : i32
        %mul3A_476 = arith.muli %add3A_474, %mul3A_475 : i32
        %mul3A_477 = arith.constant 16 : i32
        %mul3A_478 = arith.muli %mul3A_476, %mul3A_477 : i32
        %add3A_479 = arith.constant 0 : i32
        %add3A_480 = arith.addi %mul3A_478, %add3A_479 : i32
        %get3A = arith.index_cast %add3A_480 : i32 to index
        %get3A_481 = tpu.vector_load %arg5[%get3A] {strides = array<i32>} : memref<8192xf32, #tpu.memory_space<vmem>>, vector<16xf32>,
        %add3A_482 = arith.constant 16 : i32
        %add3A_483 = arith.addi %mul3A_478, %add3A_482 : i32
        %get3A_484 = arith.index_cast %add3A_483 : i32 to index
        %get3A_485 = tpu.vector_load %arg5[%get3A_484] {strides = array<i32>} : memref<8192xf32, #tpu.memory_space<vmem>>, vector<16xf32>,
        %add3A_486 = arith.constant 32 : i32
        %add3A_487 = arith.addi %mul3A_478, %add3A_486 : i32
        %get3A_488 = arith.index_cast %add3A_487 : i32 to index
        %get3A_489 = tpu.vector_load %arg5[%get3A_488] {strides = array<i32>} : memref<8192xf32, #tpu.memory_space<vmem>>, vector<16xf32>,
        %add3A_490 = arith.constant 48 : i32
        %add3A_491 = arith.addi %mul3A_478, %add3A_490 : i32
        %get3A_492 = arith.index_cast %add3A_491 : i32 to index
        %get3A_493 = tpu.vector_load %arg5[%get3A_492] {strides = array<i32>} : memref<8192xf32, #tpu.memory_space<vmem>>, vector<16xf32>,
        %add3A_494 = arith.constant 64 : i32
        %add3A_495 = arith.addi %mul3A_478, %add3A_494 : i32
        %get3A_496 = arith.index_cast %add3A_495 : i32 to index
        %get3A_497 = tpu.vector_load %arg5[%get3A_496] {strides = array<i32>} : memref<8192xf32, #tpu.memory_space<vmem>>, vector<16xf32>,
        %add3A_498 = arith.constant 80 : i32
        %add3A_499 = arith.addi %mul3A_478, %add3A_498 : i32
        %get3A_500 = arith.index_cast %add3A_499 : i32 to index
        %get3A_501 = tpu.vector_load %arg5[%get3A_500] {strides = array<i32>} : memref<8192xf32, #tpu.memory_space<vmem>>, vector<16xf32>,
        %add3A_502 = arith.constant 96 : i32
        %add3A_503 = arith.addi %mul3A_478, %add3A_502 : i32
        %get3A_504 = arith.index_cast %add3A_503 : i32 to index
        %get3A_505 = tpu.vector_load %arg5[%get3A_504] {strides = array<i32>} : memref<8192xf32, #tpu.memory_space<vmem>>, vector<16xf32>,
        %add3A_506 = arith.constant 112 : i32
        %add3A_507 = arith.addi %mul3A_478, %add3A_506 : i32
        %get3A_508 = arith.index_cast %add3A_507 : i32 to index
        %get3A_509 = tpu.vector_load %arg5[%get3A_508] {strides = array<i32>} : memref<8192xf32, #tpu.memory_space<vmem>>, vector<16xf32>,
        %max3A = arith.maximumf %get3A_481, %get3A_485 : vector<16xf32>
        %min3A_510 = arith.minimumf %get3A_481, %get3A_485 : vector<16xf32>
        %max3A_511 = arith.maximumf %get3A_489, %get3A_493 : vector<16xf32>
        %min3A_512 = arith.minimumf %get3A_489, %get3A_493 : vector<16xf32>
        %max3A_513 = arith.maximumf %max3A, %max3A_511 : vector<16xf32>
        %min3A_514 = arith.minimumf %max3A, %max3A_511 : vector<16xf32>
        %max3A_515 = arith.maximumf %min3A_510, %min3A_512 : vector<16xf32>
        %max3A_516 = arith.maximumf %min3A_514, %max3A_515 : vector<16xf32>
        %max3A_517 = arith.maximumf %get3A_497, %get3A_501 : vector<16xf32>
        %min3A_518 = arith.minimumf %get3A_497, %get3A_501 : vector<16xf32>
        %max3A_519 = arith.maximumf %get3A_505, %get3A_509 : vector<16xf32>
        %min3A_520 = arith.minimumf %get3A_505, %get3A_509 : vector<16xf32>
        %max3A_521 = arith.maximumf %max3A_517, %max3A_519 : vector<16xf32>
        %min3A_522 = arith.minimumf %max3A_517, %max3A_519 : vector<16xf32>
        %max3A_523 = arith.maximumf %min3A_518, %min3A_520 : vector<16xf32>
        %max3A_524 = arith.maximumf %min3A_522, %max3A_523 : vector<16xf32>
        %max3A_525 = arith.maximumf %max3A_513, %max3A_521 : vector<16xf32>
        %min3A_526 = arith.minimumf %max3A_513, %max3A_521 : vector<16xf32>
        %max3A_527 = arith.maximumf %max3A_516, %max3A_524 : vector<16xf32>
        %max3A_528 = arith.maximumf %min3A_526, %max3A_527 : vector<16xf32>
        %max3A_529 = arith.maximumf %scan3A_470, %max3A_528 : vector<16xf32>
        %max3A_530 = arith.maximumf %scan3A_466, %max3A_525 : vector<16xf32>
        %min3A_531 = arith.minimumf %scan3A_466, %max3A_525 : vector<16xf32>
        %max3A_532 = arith.maximumf %scan3A_467, %min3A_531 : vector<16xf32>
        %min3A_533 = arith.minimumf %scan3A_467, %min3A_531 : vector<16xf32>
        %max3A_534 = arith.maximumf %scan3A_468, %min3A_533 : vector<16xf32>
        %min3A_535 = arith.minimumf %scan3A_468, %min3A_533 : vector<16xf32>
        %max3A_536 = arith.maximumf %scan3A_469, %min3A_535 : vector<16xf32>
        %min3A_537 = arith.minimumf %scan3A_469, %min3A_535 : vector<16xf32>
        %mul3A_538 = arith.constant 2 : i32
        %mul3A_539 = arith.muli %mul3A_538, %scan3A_465 : i32
        %add3A_540 = arith.constant 1 : i32
        %add3A_541 = arith.addi %mul3A_539, %add3A_540 : i32
        %mul3A_542 = arith.constant 8 : i32
        %mul3A_543 = arith.muli %add3A_541, %mul3A_542 : i32
        %mul3A_544 = arith.constant 16 : i32
        %mul3A_545 = arith.muli %mul3A_543, %mul3A_544 : i32
        %add3A_546 = arith.constant 0 : i32
        %add3A_547 = arith.addi %mul3A_545, %add3A_546 : i32
        %get3A_548 = arith.index_cast %add3A_547 : i32 to index
        %get3A_549 = tpu.vector_load %arg5[%get3A_548] {strides = array<i32>} : memref<8192xf32, #tpu.memory_space<vmem>>, vector<16xf32>,
        %add3A_550 = arith.constant 16 : i32
        %add3A_551 = arith.addi %mul3A_545, %add3A_550 : i32
        %get3A_552 = arith.index_cast %add3A_551 : i32 to index
        %get3A_553 = tpu.vector_load %arg5[%get3A_552] {strides = array<i32>} : memref<8192xf32, #tpu.memory_space<vmem>>, vector<16xf32>,
        %add3A_554 = arith.constant 32 : i32
        %add3A_555 = arith.addi %mul3A_545, %add3A_554 : i32
        %get3A_556 = arith.index_cast %add3A_555 : i32 to index
        %get3A_557 = tpu.vector_load %arg5[%get3A_556] {strides = array<i32>} : memref<8192xf32, #tpu.memory_space<vmem>>, vector<16xf32>,
        %add3A_558 = arith.constant 48 : i32
        %add3A_559 = arith.addi %mul3A_545, %add3A_558 : i32
        %get3A_560 = arith.index_cast %add3A_559 : i32 to index
        %get3A_561 = tpu.vector_load %arg5[%get3A_560] {strides = array<i32>} : memref<8192xf32, #tpu.memory_space<vmem>>, vector<16xf32>,
        %add3A_562 = arith.constant 64 : i32
        %add3A_563 = arith.addi %mul3A_545, %add3A_562 : i32
        %get3A_564 = arith.index_cast %add3A_563 : i32 to index
        %get3A_565 = tpu.vector_load %arg5[%get3A_564] {strides = array<i32>} : memref<8192xf32, #tpu.memory_space<vmem>>, vector<16xf32>,
        %add3A_566 = arith.constant 80 : i32
        %add3A_567 = arith.addi %mul3A_545, %add3A_566 : i32
        %get3A_568 = arith.index_cast %add3A_567 : i32 to index
        %get3A_569 = tpu.vector_load %arg5[%get3A_568] {strides = array<i32>} : memref<8192xf32, #tpu.memory_space<vmem>>, vector<16xf32>,
        %add3A_570 = arith.constant 96 : i32
        %add3A_571 = arith.addi %mul3A_545, %add3A_570 : i32
        %get3A_572 = arith.index_cast %add3A_571 : i32 to index
        %get3A_573 = tpu.vector_load %arg5[%get3A_572] {strides = array<i32>} : memref<8192xf32, #tpu.memory_space<vmem>>, vector<16xf32>,
        %add3A_574 = arith.constant 112 : i32
        %add3A_575 = arith.addi %mul3A_545, %add3A_574 : i32
        %get3A_576 = arith.index_cast %add3A_575 : i32 to index
        %get3A_577 = tpu.vector_load %arg5[%get3A_576] {strides = array<i32>} : memref<8192xf32, #tpu.memory_space<vmem>>, vector<16xf32>,
        %max3A_578 = arith.maximumf %get3A_549, %get3A_553 : vector<16xf32>
        %min3A_579 = arith.minimumf %get3A_549, %get3A_553 : vector<16xf32>
        %max3A_580 = arith.maximumf %get3A_557, %get3A_561 : vector<16xf32>
        %min3A_581 = arith.minimumf %get3A_557, %get3A_561 : vector<16xf32>
        %max3A_582 = arith.maximumf %max3A_578, %max3A_580 : vector<16xf32>
        %min3A_583 = arith.minimumf %max3A_578, %max3A_580 : vector<16xf32>
        %max3A_584 = arith.maximumf %min3A_579, %min3A_581 : vector<16xf32>
        %max3A_585 = arith.maximumf %min3A_583, %max3A_584 : vector<16xf32>
        %max3A_586 = arith.maximumf %get3A_565, %get3A_569 : vector<16xf32>
        %min3A_587 = arith.minimumf %get3A_565, %get3A_569 : vector<16xf32>
        %max3A_588 = arith.maximumf %get3A_573, %get3A_577 : vector<16xf32>
        %min3A_589 = arith.minimumf %get3A_573, %get3A_577 : vector<16xf32>
        %max3A_590 = arith.maximumf %max3A_586, %max3A_588 : vector<16xf32>
        %min3A_591 = arith.minimumf %max3A_586, %max3A_588 : vector<16xf32>
        %max3A_592 = arith.maximumf %min3A_587, %min3A_589 : vector<16xf32>
        %max3A_593 = arith.maximumf %min3A_591, %max3A_592 : vector<16xf32>
        %max3A_594 = arith.maximumf %max3A_582, %max3A_590 : vector<16xf32>
        %min3A_595 = arith.minimumf %max3A_582, %max3A_590 : vector<16xf32>
        %max3A_596 = arith.maximumf %max3A_585, %max3A_593 : vector<16xf32>
        %max3A_597 = arith.maximumf %min3A_595, %max3A_596 : vector<16xf32>
        %max3A_598 = arith.maximumf %max3A_529, %max3A_597 : vector<16xf32>
        %max3A_599 = arith.maximumf %max3A_530, %max3A_594 : vector<16xf32>
        %min3A_600 = arith.minimumf %max3A_530, %max3A_594 : vector<16xf32>
        %max3A_601 = arith.maximumf %max3A_532, %min3A_600 : vector<16xf32>
        %min3A_602 = arith.minimumf %max3A_532, %min3A_600 : vector<16xf32>
        %max3A_603 = arith.maximumf %max3A_534, %min3A_602 : vector<16xf32>
        %min3A_604 = arith.minimumf %max3A_534, %min3A_602 : vector<16xf32>
        %max3A_605 = arith.maximumf %max3A_536, %min3A_604 : vector<16xf32>
        %min3A_606 = arith.minimumf %max3A_536, %min3A_604 : vector<16xf32>
        scf.yield %max3A_599, %max3A_601, %max3A_603, %max3A_605, %max3A_598 : vector<16xf32>, vector<16xf32>, vector<16xf32>, vector<16xf32>, vector<16xf32>
      }
      %scan3A_178 = arith.constant 32 : i32
      %masked_sort3A_179 = arith.constant dense<true> : vector<16xi1>
      %masked_sort3A_180, %masked_sort3A_181, %masked_sort3A_182 = tpu.sort %scan3A_177#0, %scan3A_177#0 masked %masked_sort3A_179 {descending = true} : (vector<16xf32>, vector<16xf32>, vector<16xi1>) -> (vector<16xi1>, vector<16xf32>, vector<16xf32>)
      %masked_sort3A_183 = arith.constant dense<true> : vector<16xi1>
      %masked_sort3A_184, %masked_sort3A_185, %masked_sort3A_186 = tpu.sort %scan3A_177#1, %scan3A_177#1 masked %masked_sort3A_183 {descending = true} : (vector<16xf32>, vector<16xf32>, vector<16xi1>) -> (vector<16xi1>, vector<16xf32>, vector<16xf32>)
      %masked_sort3A_187 = arith.constant dense<true> : vector<16xi1>
      %masked_sort3A_188, %masked_sort3A_189, %masked_sort3A_190 = tpu.sort %scan3A_177#2, %scan3A_177#2 masked %masked_sort3A_187 {descending = true} : (vector<16xf32>, vector<16xf32>, vector<16xi1>) -> (vector<16xi1>, vector<16xf32>, vector<16xf32>)
      %masked_sort3A_191 = arith.constant dense<true> : vector<16xi1>
      %masked_sort3A_192, %masked_sort3A_193, %masked_sort3A_194 = tpu.sort %scan3A_177#3, %scan3A_177#3 masked %masked_sort3A_191 {descending = true} : (vector<16xf32>, vector<16xf32>, vector<16xi1>) -> (vector<16xi1>, vector<16xf32>, vector<16xf32>)
      %rev3A_195 = arith.constant 15 : i32
      %rev3A_196 = vector.broadcast %rev3A_195 : i32 to vector<16xi32>
      %rev3A_197 = tpu.iota {dimensions = array<i32: 0>} : vector<16xi32>
      %rev3A_198 = arith.subi %rev3A_196, %rev3A_197 : vector<16xi32>
      %rev3A_199 = tpu.dynamic_gather %masked_sort3A_185[%rev3A_198] in [0] : vector<16xf32>, vector<16xi32> -> vector<16xf32>
      %select_n3A_200 = arith.select %lt3A_4, %masked_sort3A_181, %rev3A_199 : vector<16xi1>, vector<16xf32>
      %masked_sort3A_201 = arith.constant dense<true> : vector<16xi1>
      %masked_sort3A_202, %masked_sort3A_203, %masked_sort3A_204 = tpu.sort %select_n3A_200, %select_n3A_200 masked %masked_sort3A_201 {descending = true} : (vector<16xf32>, vector<16xf32>, vector<16xi1>) -> (vector<16xi1>, vector<16xf32>, vector<16xf32>)
      %rev3A_205 = arith.constant 15 : i32
      %rev3A_206 = vector.broadcast %rev3A_205 : i32 to vector<16xi32>
      %rev3A_207 = tpu.iota {dimensions = array<i32: 0>} : vector<16xi32>
      %rev3A_208 = arith.subi %rev3A_206, %rev3A_207 : vector<16xi32>
      %rev3A_209 = tpu.dynamic_gather %masked_sort3A_193[%rev3A_208] in [0] : vector<16xf32>, vector<16xi32> -> vector<16xf32>
      %select_n3A_210 = arith.select %lt3A_4, %masked_sort3A_189, %rev3A_209 : vector<16xi1>, vector<16xf32>
      %masked_sort3A_211 = arith.constant dense<true> : vector<16xi1>
      %masked_sort3A_212, %masked_sort3A_213, %masked_sort3A_214 = tpu.sort %select_n3A_210, %select_n3A_210 masked %masked_sort3A_211 {descending = true} : (vector<16xf32>, vector<16xf32>, vector<16xi1>) -> (vector<16xi1>, vector<16xf32>, vector<16xf32>)
      %rev3A_215 = arith.constant 15 : i32
      %rev3A_216 = vector.broadcast %rev3A_215 : i32 to vector<16xi32>
      %rev3A_217 = tpu.iota {dimensions = array<i32: 0>} : vector<16xi32>
      %rev3A_218 = arith.subi %rev3A_216, %rev3A_217 : vector<16xi32>
      %rev3A_219 = tpu.dynamic_gather %masked_sort3A_213[%rev3A_218] in [0] : vector<16xf32>, vector<16xi32> -> vector<16xf32>
      %select_n3A_220 = arith.select %lt3A_4, %masked_sort3A_203, %rev3A_219 : vector<16xi1>, vector<16xf32>
      %masked_sort3A_221 = arith.constant dense<true> : vector<16xi1>
      %masked_sort3A_222, %masked_sort3A_223, %masked_sort3A_224 = tpu.sort %select_n3A_220, %select_n3A_220 masked %masked_sort3A_221 {descending = true} : (vector<16xf32>, vector<16xf32>, vector<16xi1>) -> (vector<16xi1>, vector<16xf32>, vector<16xf32>)
      %swap3A_225 = arith.constant 0 : index
      %swap3A_226 = tpu.vector_load %arg8[%swap3A_225] {strides = array<i32>} : memref<16xf32, #tpu.memory_space<vmem>>, vector<16xf32>,
      tpu.vector_store %arg8[%swap3A_225], %masked_sort3A_223 {strides = array<i32>} : memref<16xf32, #tpu.memory_space<vmem>>, vector<16xf32>,
      %gather3A_227 = tpu.vector_load_idx %arg8[%broadcast_in_dim3A_5] : memref<16xf32, #tpu.memory_space<vmem>>[vector<16xi32>], vector<16xf32>,
      %gt3A_228 = arith.cmpf ogt, %scan3A_177#3, %gather3A_227 : vector<16xf32>
      %gt3A_229 = arith.cmpf ogt, %scan3A_177#4, %gather3A_227 : vector<16xf32>
      %or3A_230 = arith.ori %gt3A_228, %gt3A_229 : vector<16xi1>
      %reduce_or3A_231 = arith.constant 1.000000e+00 : f32
      %reduce_or3A_232 = arith.constant 0.000000e+00 : f32
      %reduce_or3A_233 = vector.broadcast %reduce_or3A_231 : f32 to vector<16xf32>
      %reduce_or3A_234 = vector.broadcast %reduce_or3A_232 : f32 to vector<16xf32>
      %reduce_or3A_235 = arith.select %or3A_230, %reduce_or3A_233, %reduce_or3A_234 : vector<16xi1>, vector<16xf32>
      %reduce_or3A_236 = arith.constant true
      %reduce_or3A_237 = vector.broadcast %reduce_or3A_236 : i1 to vector<16xi1>
      %reduce_or3A_238 = tpu.scan <max>, %reduce_or3A_235 masked %reduce_or3A_237 : vector<16xf32>, vector<16xi1> -> vector<16xf32>
      %reduce_or3A_239 = vector.extract %reduce_or3A_238[15] : f32 from vector<16xf32>
      %reduce_or3A_240 = arith.constant 0.000000e+00 : f32
      %reduce_or3A_241 = arith.cmpf ogt, %reduce_or3A_239, %reduce_or3A_240 : f32
      %convert_element_type3A_242 = arith.extui %reduce_or3A_241 : i1 to i32
      %cond3A_243 = arith.constant 0 : i32
      %cond3A_244 = arith.cmpi ne, %convert_element_type3A_242, %cond3A_243 : i32
      %cond3A_245 = scf.if %cond3A_244 -> (vector<16xf32>) {
        %scan3A_465 = arith.constant 0 : i32
        %scan3A_466 = arith.constant 128 : i32
        %scan3A_467 = arith.addi %scan3A_465, %scan3A_466 : i32
        %scan3A_468 = arith.constant 1 : i32
        %scan3A_469:8 = scf.for %scan3A_573 = %scan3A_465 to %scan3A_467 step %scan3A_468 iter_args(%scan3A_574 = %broadcast_in_dim3A_7, %scan3A_575 = %broadcast_in_dim3A_7, %scan3A_576 = %broadcast_in_dim3A_7, %scan3A_577 = %broadcast_in_dim3A_7, %scan3A_578 = %broadcast_in_dim3A_7, %scan3A_579 = %broadcast_in_dim3A_7, %scan3A_580 = %broadcast_in_dim3A_7, %scan3A_581 = %broadcast_in_dim3A_7) -> (vector<16xf32>, vector<16xf32>, vector<16xf32>, vector<16xf32>, vector<16xf32>, vector<16xf32>, vector<16xf32>, vector<16xf32>)  : i32 {
          %mul3A_582 = arith.constant 4 : i32
          %mul3A_583 = arith.muli %scan3A_573, %mul3A_582 : i32
          %add3A_584 = arith.constant 0 : i32
          %add3A_585 = arith.addi %mul3A_583, %add3A_584 : i32
          %mul3A_586 = arith.constant 16 : i32
          %mul3A_587 = arith.muli %add3A_585, %mul3A_586 : i32
          %get3A = arith.index_cast %mul3A_587 : i32 to index
          %get3A_588 = tpu.vector_load %arg5[%get3A] {strides = array<i32>} : memref<8192xf32, #tpu.memory_space<vmem>>, vector<16xf32>,
          %max3A = arith.maximumf %scan3A_574, %get3A_588 : vector<16xf32>
          %min3A_589 = arith.minimumf %scan3A_574, %get3A_588 : vector<16xf32>
          %max3A_590 = arith.maximumf %scan3A_575, %min3A_589 : vector<16xf32>
          %min3A_591 = arith.minimumf %scan3A_575, %min3A_589 : vector<16xf32>
          %max3A_592 = arith.maximumf %scan3A_576, %min3A_591 : vector<16xf32>
          %min3A_593 = arith.minimumf %scan3A_576, %min3A_591 : vector<16xf32>
          %max3A_594 = arith.maximumf %scan3A_577, %min3A_593 : vector<16xf32>
          %min3A_595 = arith.minimumf %scan3A_577, %min3A_593 : vector<16xf32>
          %max3A_596 = arith.maximumf %scan3A_578, %min3A_595 : vector<16xf32>
          %min3A_597 = arith.minimumf %scan3A_578, %min3A_595 : vector<16xf32>
          %max3A_598 = arith.maximumf %scan3A_579, %min3A_597 : vector<16xf32>
          %min3A_599 = arith.minimumf %scan3A_579, %min3A_597 : vector<16xf32>
          %max3A_600 = arith.maximumf %scan3A_580, %min3A_599 : vector<16xf32>
          %min3A_601 = arith.minimumf %scan3A_580, %min3A_599 : vector<16xf32>
          %max3A_602 = arith.maximumf %scan3A_581, %min3A_601 : vector<16xf32>
          %min3A_603 = arith.minimumf %scan3A_581, %min3A_601 : vector<16xf32>
          %mul3A_604 = arith.constant 4 : i32
          %mul3A_605 = arith.muli %scan3A_573, %mul3A_604 : i32
          %add3A_606 = arith.constant 1 : i32
          %add3A_607 = arith.addi %mul3A_605, %add3A_606 : i32
          %mul3A_608 = arith.constant 16 : i32
          %mul3A_609 = arith.muli %add3A_607, %mul3A_608 : i32
          %get3A_610 = arith.index_cast %mul3A_609 : i32 to index
          %get3A_611 = tpu.vector_load %arg5[%get3A_610] {strides = array<i32>} : memref<8192xf32, #tpu.memory_space<vmem>>, vector<16xf32>,
          %max3A_612 = arith.maximumf %max3A, %get3A_611 : vector<16xf32>
          %min3A_613 = arith.minimumf %max3A, %get3A_611 : vector<16xf32>
          %max3A_614 = arith.maximumf %max3A_590, %min3A_613 : vector<16xf32>
          %min3A_615 = arith.minimumf %max3A_590, %min3A_613 : vector<16xf32>
          %max3A_616 = arith.maximumf %max3A_592, %min3A_615 : vector<16xf32>
          %min3A_617 = arith.minimumf %max3A_592, %min3A_615 : vector<16xf32>
          %max3A_618 = arith.maximumf %max3A_594, %min3A_617 : vector<16xf32>
          %min3A_619 = arith.minimumf %max3A_594, %min3A_617 : vector<16xf32>
          %max3A_620 = arith.maximumf %max3A_596, %min3A_619 : vector<16xf32>
          %min3A_621 = arith.minimumf %max3A_596, %min3A_619 : vector<16xf32>
          %max3A_622 = arith.maximumf %max3A_598, %min3A_621 : vector<16xf32>
          %min3A_623 = arith.minimumf %max3A_598, %min3A_621 : vector<16xf32>
          %max3A_624 = arith.maximumf %max3A_600, %min3A_623 : vector<16xf32>
          %min3A_625 = arith.minimumf %max3A_600, %min3A_623 : vector<16xf32>
          %max3A_626 = arith.maximumf %max3A_602, %min3A_625 : vector<16xf32>
          %min3A_627 = arith.minimumf %max3A_602, %min3A_625 : vector<16xf32>
          %mul3A_628 = arith.constant 4 : i32
          %mul3A_629 = arith.muli %scan3A_573, %mul3A_628 : i32
          %add3A_630 = arith.constant 2 : i32
          %add3A_631 = arith.addi %mul3A_629, %add3A_630 : i32
          %mul3A_632 = arith.constant 16 : i32
          %mul3A_633 = arith.muli %add3A_631, %mul3A_632 : i32
          %get3A_634 = arith.index_cast %mul3A_633 : i32 to index
          %get3A_635 = tpu.vector_load %arg5[%get3A_634] {strides = array<i32>} : memref<8192xf32, #tpu.memory_space<vmem>>, vector<16xf32>,
          %max3A_636 = arith.maximumf %max3A_612, %get3A_635 : vector<16xf32>
          %min3A_637 = arith.minimumf %max3A_612, %get3A_635 : vector<16xf32>
          %max3A_638 = arith.maximumf %max3A_614, %min3A_637 : vector<16xf32>
          %min3A_639 = arith.minimumf %max3A_614, %min3A_637 : vector<16xf32>
          %max3A_640 = arith.maximumf %max3A_616, %min3A_639 : vector<16xf32>
          %min3A_641 = arith.minimumf %max3A_616, %min3A_639 : vector<16xf32>
          %max3A_642 = arith.maximumf %max3A_618, %min3A_641 : vector<16xf32>
          %min3A_643 = arith.minimumf %max3A_618, %min3A_641 : vector<16xf32>
          %max3A_644 = arith.maximumf %max3A_620, %min3A_643 : vector<16xf32>
          %min3A_645 = arith.minimumf %max3A_620, %min3A_643 : vector<16xf32>
          %max3A_646 = arith.maximumf %max3A_622, %min3A_645 : vector<16xf32>
          %min3A_647 = arith.minimumf %max3A_622, %min3A_645 : vector<16xf32>
          %max3A_648 = arith.maximumf %max3A_624, %min3A_647 : vector<16xf32>
          %min3A_649 = arith.minimumf %max3A_624, %min3A_647 : vector<16xf32>
          %max3A_650 = arith.maximumf %max3A_626, %min3A_649 : vector<16xf32>
          %min3A_651 = arith.minimumf %max3A_626, %min3A_649 : vector<16xf32>
          %mul3A_652 = arith.constant 4 : i32
          %mul3A_653 = arith.muli %scan3A_573, %mul3A_652 : i32
          %add3A_654 = arith.constant 3 : i32
          %add3A_655 = arith.addi %mul3A_653, %add3A_654 : i32
          %mul3A_656 = arith.constant 16 : i32
          %mul3A_657 = arith.muli %add3A_655, %mul3A_656 : i32
          %get3A_658 = arith.index_cast %mul3A_657 : i32 to index
          %get3A_659 = tpu.vector_load %arg5[%get3A_658] {strides = array<i32>} : memref<8192xf32, #tpu.memory_space<vmem>>, vector<16xf32>,
          %max3A_660 = arith.maximumf %max3A_636, %get3A_659 : vector<16xf32>
          %min3A_661 = arith.minimumf %max3A_636, %get3A_659 : vector<16xf32>
          %max3A_662 = arith.maximumf %max3A_638, %min3A_661 : vector<16xf32>
          %min3A_663 = arith.minimumf %max3A_638, %min3A_661 : vector<16xf32>
          %max3A_664 = arith.maximumf %max3A_640, %min3A_663 : vector<16xf32>
          %min3A_665 = arith.minimumf %max3A_640, %min3A_663 : vector<16xf32>
          %max3A_666 = arith.maximumf %max3A_642, %min3A_665 : vector<16xf32>
          %min3A_667 = arith.minimumf %max3A_642, %min3A_665 : vector<16xf32>
          %max3A_668 = arith.maximumf %max3A_644, %min3A_667 : vector<16xf32>
          %min3A_669 = arith.minimumf %max3A_644, %min3A_667 : vector<16xf32>
          %max3A_670 = arith.maximumf %max3A_646, %min3A_669 : vector<16xf32>
          %min3A_671 = arith.minimumf %max3A_646, %min3A_669 : vector<16xf32>
          %max3A_672 = arith.maximumf %max3A_648, %min3A_671 : vector<16xf32>
          %min3A_673 = arith.minimumf %max3A_648, %min3A_671 : vector<16xf32>
          %max3A_674 = arith.maximumf %max3A_650, %min3A_673 : vector<16xf32>
          %min3A_675 = arith.minimumf %max3A_650, %min3A_673 : vector<16xf32>
          scf.yield %max3A_660, %max3A_662, %max3A_664, %max3A_666, %max3A_668, %max3A_670, %max3A_672, %max3A_674 : vector<16xf32>, vector<16xf32>, vector<16xf32>, vector<16xf32>, vector<16xf32>, vector<16xf32>, vector<16xf32>, vector<16xf32>
        }
        %scan3A_470 = arith.constant 128 : i32
        %masked_sort3A_471 = arith.constant dense<true> : vector<16xi1>
        %masked_sort3A_472, %masked_sort3A_473, %masked_sort3A_474 = tpu.sort %scan3A_469#0, %scan3A_469#0 masked %masked_sort3A_471 {descending = true} : (vector<16xf32>, vector<16xf32>, vector<16xi1>) -> (vector<16xi1>, vector<16xf32>, vector<16xf32>)
        %masked_sort3A_475 = arith.constant dense<true> : vector<16xi1>
        %masked_sort3A_476, %masked_sort3A_477, %masked_sort3A_478 = tpu.sort %scan3A_469#1, %scan3A_469#1 masked %masked_sort3A_475 {descending = true} : (vector<16xf32>, vector<16xf32>, vector<16xi1>) -> (vector<16xi1>, vector<16xf32>, vector<16xf32>)
        %masked_sort3A_479 = arith.constant dense<true> : vector<16xi1>
        %masked_sort3A_480, %masked_sort3A_481, %masked_sort3A_482 = tpu.sort %scan3A_469#2, %scan3A_469#2 masked %masked_sort3A_479 {descending = true} : (vector<16xf32>, vector<16xf32>, vector<16xi1>) -> (vector<16xi1>, vector<16xf32>, vector<16xf32>)
        %masked_sort3A_483 = arith.constant dense<true> : vector<16xi1>
        %masked_sort3A_484, %masked_sort3A_485, %masked_sort3A_486 = tpu.sort %scan3A_469#3, %scan3A_469#3 masked %masked_sort3A_483 {descending = true} : (vector<16xf32>, vector<16xf32>, vector<16xi1>) -> (vector<16xi1>, vector<16xf32>, vector<16xf32>)
        %masked_sort3A_487 = arith.constant dense<true> : vector<16xi1>
        %masked_sort3A_488, %masked_sort3A_489, %masked_sort3A_490 = tpu.sort %scan3A_469#4, %scan3A_469#4 masked %masked_sort3A_487 {descending = true} : (vector<16xf32>, vector<16xf32>, vector<16xi1>) -> (vector<16xi1>, vector<16xf32>, vector<16xf32>)
        %masked_sort3A_491 = arith.constant dense<true> : vector<16xi1>
        %masked_sort3A_492, %masked_sort3A_493, %masked_sort3A_494 = tpu.sort %scan3A_469#5, %scan3A_469#5 masked %masked_sort3A_491 {descending = true} : (vector<16xf32>, vector<16xf32>, vector<16xi1>) -> (vector<16xi1>, vector<16xf32>, vector<16xf32>)
        %masked_sort3A_495 = arith.constant dense<true> : vector<16xi1>
        %masked_sort3A_496, %masked_sort3A_497, %masked_sort3A_498 = tpu.sort %scan3A_469#6, %scan3A_469#6 masked %masked_sort3A_495 {descending = true} : (vector<16xf32>, vector<16xf32>, vector<16xi1>) -> (vector<16xi1>, vector<16xf32>, vector<16xf32>)
        %masked_sort3A_499 = arith.constant dense<true> : vector<16xi1>
        %masked_sort3A_500, %masked_sort3A_501, %masked_sort3A_502 = tpu.sort %scan3A_469#7, %scan3A_469#7 masked %masked_sort3A_499 {descending = true} : (vector<16xf32>, vector<16xf32>, vector<16xi1>) -> (vector<16xi1>, vector<16xf32>, vector<16xf32>)
        %rev3A_503 = arith.constant 15 : i32
        %rev3A_504 = vector.broadcast %rev3A_503 : i32 to vector<16xi32>
        %rev3A_505 = tpu.iota {dimensions = array<i32: 0>} : vector<16xi32>
        %rev3A_506 = arith.subi %rev3A_504, %rev3A_505 : vector<16xi32>
        %rev3A_507 = tpu.dynamic_gather %masked_sort3A_477[%rev3A_506] in [0] : vector<16xf32>, vector<16xi32> -> vector<16xf32>
        %select_n3A_508 = arith.select %lt3A_4, %masked_sort3A_473, %rev3A_507 : vector<16xi1>, vector<16xf32>
        %masked_sort3A_509 = arith.constant dense<true> : vector<16xi1>
        %masked_sort3A_510, %masked_sort3A_511, %masked_sort3A_512 = tpu.sort %select_n3A_508, %select_n3A_508 masked %masked_sort3A_509 {descending = true} : (vector<16xf32>, vector<16xf32>, vector<16xi1>) -> (vector<16xi1>, vector<16xf32>, vector<16xf32>)
        %rev3A_513 = arith.constant 15 : i32
        %rev3A_514 = vector.broadcast %rev3A_513 : i32 to vector<16xi32>
        %rev3A_515 = tpu.iota {dimensions = array<i32: 0>} : vector<16xi32>
        %rev3A_516 = arith.subi %rev3A_514, %rev3A_515 : vector<16xi32>
        %rev3A_517 = tpu.dynamic_gather %masked_sort3A_485[%rev3A_516] in [0] : vector<16xf32>, vector<16xi32> -> vector<16xf32>
        %select_n3A_518 = arith.select %lt3A_4, %masked_sort3A_481, %rev3A_517 : vector<16xi1>, vector<16xf32>
        %masked_sort3A_519 = arith.constant dense<true> : vector<16xi1>
        %masked_sort3A_520, %masked_sort3A_521, %masked_sort3A_522 = tpu.sort %select_n3A_518, %select_n3A_518 masked %masked_sort3A_519 {descending = true} : (vector<16xf32>, vector<16xf32>, vector<16xi1>) -> (vector<16xi1>, vector<16xf32>, vector<16xf32>)
        %rev3A_523 = arith.constant 15 : i32
        %rev3A_524 = vector.broadcast %rev3A_523 : i32 to vector<16xi32>
        %rev3A_525 = tpu.iota {dimensions = array<i32: 0>} : vector<16xi32>
        %rev3A_526 = arith.subi %rev3A_524, %rev3A_525 : vector<16xi32>
        %rev3A_527 = tpu.dynamic_gather %masked_sort3A_493[%rev3A_526] in [0] : vector<16xf32>, vector<16xi32> -> vector<16xf32>
        %select_n3A_528 = arith.select %lt3A_4, %masked_sort3A_489, %rev3A_527 : vector<16xi1>, vector<16xf32>
        %masked_sort3A_529 = arith.constant dense<true> : vector<16xi1>
        %masked_sort3A_530, %masked_sort3A_531, %masked_sort3A_532 = tpu.sort %select_n3A_528, %select_n3A_528 masked %masked_sort3A_529 {descending = true} : (vector<16xf32>, vector<16xf32>, vector<16xi1>) -> (vector<16xi1>, vector<16xf32>, vector<16xf32>)
        %rev3A_533 = arith.constant 15 : i32
        %rev3A_534 = vector.broadcast %rev3A_533 : i32 to vector<16xi32>
        %rev3A_535 = tpu.iota {dimensions = array<i32: 0>} : vector<16xi32>
        %rev3A_536 = arith.subi %rev3A_534, %rev3A_535 : vector<16xi32>
        %rev3A_537 = tpu.dynamic_gather %masked_sort3A_501[%rev3A_536] in [0] : vector<16xf32>, vector<16xi32> -> vector<16xf32>
        %select_n3A_538 = arith.select %lt3A_4, %masked_sort3A_497, %rev3A_537 : vector<16xi1>, vector<16xf32>
        %masked_sort3A_539 = arith.constant dense<true> : vector<16xi1>
        %masked_sort3A_540, %masked_sort3A_541, %masked_sort3A_542 = tpu.sort %select_n3A_538, %select_n3A_538 masked %masked_sort3A_539 {descending = true} : (vector<16xf32>, vector<16xf32>, vector<16xi1>) -> (vector<16xi1>, vector<16xf32>, vector<16xf32>)
        %rev3A_543 = arith.constant 15 : i32
        %rev3A_544 = vector.broadcast %rev3A_543 : i32 to vector<16xi32>
        %rev3A_545 = tpu.iota {dimensions = array<i32: 0>} : vector<16xi32>
        %rev3A_546 = arith.subi %rev3A_544, %rev3A_545 : vector<16xi32>
        %rev3A_547 = tpu.dynamic_gather %masked_sort3A_521[%rev3A_546] in [0] : vector<16xf32>, vector<16xi32> -> vector<16xf32>
        %select_n3A_548 = arith.select %lt3A_4, %masked_sort3A_511, %rev3A_547 : vector<16xi1>, vector<16xf32>
        %masked_sort3A_549 = arith.constant dense<true> : vector<16xi1>
        %masked_sort3A_550, %masked_sort3A_551, %masked_sort3A_552 = tpu.sort %select_n3A_548, %select_n3A_548 masked %masked_sort3A_549 {descending = true} : (vector<16xf32>, vector<16xf32>, vector<16xi1>) -> (vector<16xi1>, vector<16xf32>, vector<16xf32>)
        %rev3A_553 = arith.constant 15 : i32
        %rev3A_554 = vector.broadcast %rev3A_553 : i32 to vector<16xi32>
        %rev3A_555 = tpu.iota {dimensions = array<i32: 0>} : vector<16xi32>
        %rev3A_556 = arith.subi %rev3A_554, %rev3A_555 : vector<16xi32>
        %rev3A_557 = tpu.dynamic_gather %masked_sort3A_541[%rev3A_556] in [0] : vector<16xf32>, vector<16xi32> -> vector<16xf32>
        %select_n3A_558 = arith.select %lt3A_4, %masked_sort3A_531, %rev3A_557 : vector<16xi1>, vector<16xf32>
        %masked_sort3A_559 = arith.constant dense<true> : vector<16xi1>
        %masked_sort3A_560, %masked_sort3A_561, %masked_sort3A_562 = tpu.sort %select_n3A_558, %select_n3A_558 masked %masked_sort3A_559 {descending = true} : (vector<16xf32>, vector<16xf32>, vector<16xi1>) -> (vector<16xi1>, vector<16xf32>, vector<16xf32>)
        %rev3A_563 = arith.constant 15 : i32
        %rev3A_564 = vector.broadcast %rev3A_563 : i32 to vector<16xi32>
        %rev3A_565 = tpu.iota {dimensions = array<i32: 0>} : vector<16xi32>
        %rev3A_566 = arith.subi %rev3A_564, %rev3A_565 : vector<16xi32>
        %rev3A_567 = tpu.dynamic_gather %masked_sort3A_561[%rev3A_566] in [0] : vector<16xf32>, vector<16xi32> -> vector<16xf32>
        %select_n3A_568 = arith.select %lt3A_4, %masked_sort3A_551, %rev3A_567 : vector<16xi1>, vector<16xf32>
        %masked_sort3A_569 = arith.constant dense<true> : vector<16xi1>
        %masked_sort3A_570, %masked_sort3A_571, %masked_sort3A_572 = tpu.sort %select_n3A_568, %select_n3A_568 masked %masked_sort3A_569 {descending = true} : (vector<16xf32>, vector<16xf32>, vector<16xi1>) -> (vector<16xi1>, vector<16xf32>, vector<16xf32>)
        scf.yield %masked_sort3A_571 : vector<16xf32>
      } else {
        scf.yield %masked_sort3A_223 : vector<16xf32>
      }
      %mul3A_246 = arith.constant 8 : i32
      %mul3A_247 = arith.muli %add3A_172, %mul3A_246 : i32
      %swap3A_248 = arith.index_cast %mul3A_247 : i32 to index
      %swap3A_249 = tpu.vector_load %arg9[%swap3A_248] masked %lt3A_4 {strides = array<i32>} : memref<776xf32, #tpu.memory_space<vmem>>, vector<16xf32>, vector<16xi1>
      tpu.vector_store %arg9[%swap3A_248], %cond3A_245 masked %lt3A_4 {strides = array<i32>} : memref<776xf32, #tpu.memory_space<vmem>>, vector<16xf32>, vector<16xi1>
      %add3A_250 = arith.constant 1 : i32
      %add3A_251 = arith.addi %mul3A_71, %add3A_250 : i32
      %add3A_252 = arith.constant 4 : i32
      %add3A_253 = arith.addi %add3A_251, %add3A_252 : i32
      %min3A_254 = arith.constant 95 : i32
      %min3A_255 = arith.minsi %add3A_253, %min3A_254 : i32
      %add3A_256 = arith.addi %mul3A_2, %min3A_255 : i32
      %dma_start3A_257 = arith.constant 0 : i32
      %dma_start3A_258 = tpu.memref_slice %arg2[%add3A_256, %dma_start3A_257] : memref<3072x8192xf32, #tpu.memory_space<hbm>> -> memref<1x8192xf32, #tpu.memory_space<hbm>>
      %dma_start3A_259 = tpu.memref_squeeze %dma_start3A_258 : memref<1x8192xf32, #tpu.memory_space<hbm>> -> memref<8192xf32, #tpu.memory_space<hbm>>
      %dma_start3A_260 = arith.constant 0 : i32
      %dma_start3A_261 = tpu.memref_slice %arg2[%add3A_256, %dma_start3A_260] : memref<3072x8192xf32, #tpu.memory_space<hbm>> -> memref<1x8192xf32, #tpu.memory_space<hbm>>
      %dma_start3A_262 = tpu.memref_squeeze %dma_start3A_261 : memref<1x8192xf32, #tpu.memory_space<hbm>> -> memref<8192xf32, #tpu.memory_space<hbm>>
      tpu.enqueue_dma source(%dma_start3A_262 : memref<8192xf32, #tpu.memory_space<hbm>>) target(%arg5 : memref<8192xf32, #tpu.memory_space<vmem>>) target_semaphore(%arg11 : memref<!tpu.dma_semaphore, #tpu.memory_space<semaphore_mem>>)
      %add3A_263 = arith.addi %mul3A_2, %mul3A_71 : i32
      %add3A_264 = arith.constant 2 : i32
      %add3A_265 = arith.addi %add3A_263, %add3A_264 : i32
      %dma_wait3A_266 = arith.constant 0 : i32
      %dma_wait3A_267 = tpu.memref_slice %arg2[%add3A_265, %dma_wait3A_266] : memref<3072x8192xf32, #tpu.memory_space<hbm>> -> memref<1x8192xf32, #tpu.memory_space<hbm>>
      %dma_wait3A_268 = tpu.memref_squeeze %dma_wait3A_267 : memref<1x8192xf32, #tpu.memory_space<hbm>> -> memref<8192xf32, #tpu.memory_space<hbm>>
      %dma_wait3A_269 = arith.constant 0 : i32
      %dma_wait3A_270 = tpu.memref_slice %arg2[%add3A_265, %dma_wait3A_269] : memref<3072x8192xf32, #tpu.memory_space<hbm>> -> memref<1x8192xf32, #tpu.memory_space<hbm>>
      %dma_wait3A_271 = tpu.memref_squeeze %dma_wait3A_270 : memref<1x8192xf32, #tpu.memory_space<hbm>> -> memref<8192xf32, #tpu.memory_space<hbm>>
      tpu.wait_dma2 semaphore(%arg12 : memref<!tpu.dma_semaphore, #tpu.memory_space<semaphore_mem>>) src(%dma_wait3A_271 : memref<8192xf32, #tpu.memory_space<hbm>>) dst(%arg6 : memref<8192xf32, #tpu.memory_space<vmem>>)
      %add3A_272 = arith.constant 2 : i32
      %add3A_273 = arith.addi %mul3A_71, %add3A_272 : i32
      %scan3A_274 = arith.constant 0 : i32
      %scan3A_275 = arith.constant 32 : i32
      %scan3A_276 = arith.addi %scan3A_274, %scan3A_275 : i32
      %scan3A_277 = arith.constant 1 : i32
      %scan3A_278:5 = scf.for %scan3A_465 = %scan3A_274 to %scan3A_276 step %scan3A_277 iter_args(%scan3A_466 = %broadcast_in_dim3A_7, %scan3A_467 = %broadcast_in_dim3A_7, %scan3A_468 = %broadcast_in_dim3A_7, %scan3A_469 = %broadcast_in_dim3A_7, %scan3A_470 = %broadcast_in_dim3A_7) -> (vector<16xf32>, vector<16xf32>, vector<16xf32>, vector<16xf32>, vector<16xf32>)  : i32 {
        %mul3A_471 = arith.constant 2 : i32
        %mul3A_472 = arith.muli %mul3A_471, %scan3A_465 : i32
        %add3A_473 = arith.constant 0 : i32
        %add3A_474 = arith.addi %mul3A_472, %add3A_473 : i32
        %mul3A_475 = arith.constant 8 : i32
        %mul3A_476 = arith.muli %add3A_474, %mul3A_475 : i32
        %mul3A_477 = arith.constant 16 : i32
        %mul3A_478 = arith.muli %mul3A_476, %mul3A_477 : i32
        %add3A_479 = arith.constant 0 : i32
        %add3A_480 = arith.addi %mul3A_478, %add3A_479 : i32
        %get3A = arith.index_cast %add3A_480 : i32 to index
        %get3A_481 = tpu.vector_load %arg6[%get3A] {strides = array<i32>} : memref<8192xf32, #tpu.memory_space<vmem>>, vector<16xf32>,
        %add3A_482 = arith.constant 16 : i32
        %add3A_483 = arith.addi %mul3A_478, %add3A_482 : i32
        %get3A_484 = arith.index_cast %add3A_483 : i32 to index
        %get3A_485 = tpu.vector_load %arg6[%get3A_484] {strides = array<i32>} : memref<8192xf32, #tpu.memory_space<vmem>>, vector<16xf32>,
        %add3A_486 = arith.constant 32 : i32
        %add3A_487 = arith.addi %mul3A_478, %add3A_486 : i32
        %get3A_488 = arith.index_cast %add3A_487 : i32 to index
        %get3A_489 = tpu.vector_load %arg6[%get3A_488] {strides = array<i32>} : memref<8192xf32, #tpu.memory_space<vmem>>, vector<16xf32>,
        %add3A_490 = arith.constant 48 : i32
        %add3A_491 = arith.addi %mul3A_478, %add3A_490 : i32
        %get3A_492 = arith.index_cast %add3A_491 : i32 to index
        %get3A_493 = tpu.vector_load %arg6[%get3A_492] {strides = array<i32>} : memref<8192xf32, #tpu.memory_space<vmem>>, vector<16xf32>,
        %add3A_494 = arith.constant 64 : i32
        %add3A_495 = arith.addi %mul3A_478, %add3A_494 : i32
        %get3A_496 = arith.index_cast %add3A_495 : i32 to index
        %get3A_497 = tpu.vector_load %arg6[%get3A_496] {strides = array<i32>} : memref<8192xf32, #tpu.memory_space<vmem>>, vector<16xf32>,
        %add3A_498 = arith.constant 80 : i32
        %add3A_499 = arith.addi %mul3A_478, %add3A_498 : i32
        %get3A_500 = arith.index_cast %add3A_499 : i32 to index
        %get3A_501 = tpu.vector_load %arg6[%get3A_500] {strides = array<i32>} : memref<8192xf32, #tpu.memory_space<vmem>>, vector<16xf32>,
        %add3A_502 = arith.constant 96 : i32
        %add3A_503 = arith.addi %mul3A_478, %add3A_502 : i32
        %get3A_504 = arith.index_cast %add3A_503 : i32 to index
        %get3A_505 = tpu.vector_load %arg6[%get3A_504] {strides = array<i32>} : memref<8192xf32, #tpu.memory_space<vmem>>, vector<16xf32>,
        %add3A_506 = arith.constant 112 : i32
        %add3A_507 = arith.addi %mul3A_478, %add3A_506 : i32
        %get3A_508 = arith.index_cast %add3A_507 : i32 to index
        %get3A_509 = tpu.vector_load %arg6[%get3A_508] {strides = array<i32>} : memref<8192xf32, #tpu.memory_space<vmem>>, vector<16xf32>,
        %max3A = arith.maximumf %get3A_481, %get3A_485 : vector<16xf32>
        %min3A_510 = arith.minimumf %get3A_481, %get3A_485 : vector<16xf32>
        %max3A_511 = arith.maximumf %get3A_489, %get3A_493 : vector<16xf32>
        %min3A_512 = arith.minimumf %get3A_489, %get3A_493 : vector<16xf32>
        %max3A_513 = arith.maximumf %max3A, %max3A_511 : vector<16xf32>
        %min3A_514 = arith.minimumf %max3A, %max3A_511 : vector<16xf32>
        %max3A_515 = arith.maximumf %min3A_510, %min3A_512 : vector<16xf32>
        %max3A_516 = arith.maximumf %min3A_514, %max3A_515 : vector<16xf32>
        %max3A_517 = arith.maximumf %get3A_497, %get3A_501 : vector<16xf32>
        %min3A_518 = arith.minimumf %get3A_497, %get3A_501 : vector<16xf32>
        %max3A_519 = arith.maximumf %get3A_505, %get3A_509 : vector<16xf32>
        %min3A_520 = arith.minimumf %get3A_505, %get3A_509 : vector<16xf32>
        %max3A_521 = arith.maximumf %max3A_517, %max3A_519 : vector<16xf32>
        %min3A_522 = arith.minimumf %max3A_517, %max3A_519 : vector<16xf32>
        %max3A_523 = arith.maximumf %min3A_518, %min3A_520 : vector<16xf32>
        %max3A_524 = arith.maximumf %min3A_522, %max3A_523 : vector<16xf32>
        %max3A_525 = arith.maximumf %max3A_513, %max3A_521 : vector<16xf32>
        %min3A_526 = arith.minimumf %max3A_513, %max3A_521 : vector<16xf32>
        %max3A_527 = arith.maximumf %max3A_516, %max3A_524 : vector<16xf32>
        %max3A_528 = arith.maximumf %min3A_526, %max3A_527 : vector<16xf32>
        %max3A_529 = arith.maximumf %scan3A_470, %max3A_528 : vector<16xf32>
        %max3A_530 = arith.maximumf %scan3A_466, %max3A_525 : vector<16xf32>
        %min3A_531 = arith.minimumf %scan3A_466, %max3A_525 : vector<16xf32>
        %max3A_532 = arith.maximumf %scan3A_467, %min3A_531 : vector<16xf32>
        %min3A_533 = arith.minimumf %scan3A_467, %min3A_531 : vector<16xf32>
        %max3A_534 = arith.maximumf %scan3A_468, %min3A_533 : vector<16xf32>
        %min3A_535 = arith.minimumf %scan3A_468, %min3A_533 : vector<16xf32>
        %max3A_536 = arith.maximumf %scan3A_469, %min3A_535 : vector<16xf32>
        %min3A_537 = arith.minimumf %scan3A_469, %min3A_535 : vector<16xf32>
        %mul3A_538 = arith.constant 2 : i32
        %mul3A_539 = arith.muli %mul3A_538, %scan3A_465 : i32
        %add3A_540 = arith.constant 1 : i32
        %add3A_541 = arith.addi %mul3A_539, %add3A_540 : i32
        %mul3A_542 = arith.constant 8 : i32
        %mul3A_543 = arith.muli %add3A_541, %mul3A_542 : i32
        %mul3A_544 = arith.constant 16 : i32
        %mul3A_545 = arith.muli %mul3A_543, %mul3A_544 : i32
        %add3A_546 = arith.constant 0 : i32
        %add3A_547 = arith.addi %mul3A_545, %add3A_546 : i32
        %get3A_548 = arith.index_cast %add3A_547 : i32 to index
        %get3A_549 = tpu.vector_load %arg6[%get3A_548] {strides = array<i32>} : memref<8192xf32, #tpu.memory_space<vmem>>, vector<16xf32>,
        %add3A_550 = arith.constant 16 : i32
        %add3A_551 = arith.addi %mul3A_545, %add3A_550 : i32
        %get3A_552 = arith.index_cast %add3A_551 : i32 to index
        %get3A_553 = tpu.vector_load %arg6[%get3A_552] {strides = array<i32>} : memref<8192xf32, #tpu.memory_space<vmem>>, vector<16xf32>,
        %add3A_554 = arith.constant 32 : i32
        %add3A_555 = arith.addi %mul3A_545, %add3A_554 : i32
        %get3A_556 = arith.index_cast %add3A_555 : i32 to index
        %get3A_557 = tpu.vector_load %arg6[%get3A_556] {strides = array<i32>} : memref<8192xf32, #tpu.memory_space<vmem>>, vector<16xf32>,
        %add3A_558 = arith.constant 48 : i32
        %add3A_559 = arith.addi %mul3A_545, %add3A_558 : i32
        %get3A_560 = arith.index_cast %add3A_559 : i32 to index
        %get3A_561 = tpu.vector_load %arg6[%get3A_560] {strides = array<i32>} : memref<8192xf32, #tpu.memory_space<vmem>>, vector<16xf32>,
        %add3A_562 = arith.constant 64 : i32
        %add3A_563 = arith.addi %mul3A_545, %add3A_562 : i32
        %get3A_564 = arith.index_cast %add3A_563 : i32 to index
        %get3A_565 = tpu.vector_load %arg6[%get3A_564] {strides = array<i32>} : memref<8192xf32, #tpu.memory_space<vmem>>, vector<16xf32>,
        %add3A_566 = arith.constant 80 : i32
        %add3A_567 = arith.addi %mul3A_545, %add3A_566 : i32
        %get3A_568 = arith.index_cast %add3A_567 : i32 to index
        %get3A_569 = tpu.vector_load %arg6[%get3A_568] {strides = array<i32>} : memref<8192xf32, #tpu.memory_space<vmem>>, vector<16xf32>,
        %add3A_570 = arith.constant 96 : i32
        %add3A_571 = arith.addi %mul3A_545, %add3A_570 : i32
        %get3A_572 = arith.index_cast %add3A_571 : i32 to index
        %get3A_573 = tpu.vector_load %arg6[%get3A_572] {strides = array<i32>} : memref<8192xf32, #tpu.memory_space<vmem>>, vector<16xf32>,
        %add3A_574 = arith.constant 112 : i32
        %add3A_575 = arith.addi %mul3A_545, %add3A_574 : i32
        %get3A_576 = arith.index_cast %add3A_575 : i32 to index
        %get3A_577 = tpu.vector_load %arg6[%get3A_576] {strides = array<i32>} : memref<8192xf32, #tpu.memory_space<vmem>>, vector<16xf32>,
        %max3A_578 = arith.maximumf %get3A_549, %get3A_553 : vector<16xf32>
        %min3A_579 = arith.minimumf %get3A_549, %get3A_553 : vector<16xf32>
        %max3A_580 = arith.maximumf %get3A_557, %get3A_561 : vector<16xf32>
        %min3A_581 = arith.minimumf %get3A_557, %get3A_561 : vector<16xf32>
        %max3A_582 = arith.maximumf %max3A_578, %max3A_580 : vector<16xf32>
        %min3A_583 = arith.minimumf %max3A_578, %max3A_580 : vector<16xf32>
        %max3A_584 = arith.maximumf %min3A_579, %min3A_581 : vector<16xf32>
        %max3A_585 = arith.maximumf %min3A_583, %max3A_584 : vector<16xf32>
        %max3A_586 = arith.maximumf %get3A_565, %get3A_569 : vector<16xf32>
        %min3A_587 = arith.minimumf %get3A_565, %get3A_569 : vector<16xf32>
        %max3A_588 = arith.maximumf %get3A_573, %get3A_577 : vector<16xf32>
        %min3A_589 = arith.minimumf %get3A_573, %get3A_577 : vector<16xf32>
        %max3A_590 = arith.maximumf %max3A_586, %max3A_588 : vector<16xf32>
        %min3A_591 = arith.minimumf %max3A_586, %max3A_588 : vector<16xf32>
        %max3A_592 = arith.maximumf %min3A_587, %min3A_589 : vector<16xf32>
        %max3A_593 = arith.maximumf %min3A_591, %max3A_592 : vector<16xf32>
        %max3A_594 = arith.maximumf %max3A_582, %max3A_590 : vector<16xf32>
        %min3A_595 = arith.minimumf %max3A_582, %max3A_590 : vector<16xf32>
        %max3A_596 = arith.maximumf %max3A_585, %max3A_593 : vector<16xf32>
        %max3A_597 = arith.maximumf %min3A_595, %max3A_596 : vector<16xf32>
        %max3A_598 = arith.maximumf %max3A_529, %max3A_597 : vector<16xf32>
        %max3A_599 = arith.maximumf %max3A_530, %max3A_594 : vector<16xf32>
        %min3A_600 = arith.minimumf %max3A_530, %max3A_594 : vector<16xf32>
        %max3A_601 = arith.maximumf %max3A_532, %min3A_600 : vector<16xf32>
        %min3A_602 = arith.minimumf %max3A_532, %min3A_600 : vector<16xf32>
        %max3A_603 = arith.maximumf %max3A_534, %min3A_602 : vector<16xf32>
        %min3A_604 = arith.minimumf %max3A_534, %min3A_602 : vector<16xf32>
        %max3A_605 = arith.maximumf %max3A_536, %min3A_604 : vector<16xf32>
        %min3A_606 = arith.minimumf %max3A_536, %min3A_604 : vector<16xf32>
        scf.yield %max3A_599, %max3A_601, %max3A_603, %max3A_605, %max3A_598 : vector<16xf32>, vector<16xf32>, vector<16xf32>, vector<16xf32>, vector<16xf32>
      }
      %scan3A_279 = arith.constant 32 : i32
      %masked_sort3A_280 = arith.constant dense<true> : vector<16xi1>
      %masked_sort3A_281, %masked_sort3A_282, %masked_sort3A_283 = tpu.sort %scan3A_278#0, %scan3A_278#0 masked %masked_sort3A_280 {descending = true} : (vector<16xf32>, vector<16xf32>, vector<16xi1>) -> (vector<16xi1>, vector<16xf32>, vector<16xf32>)
      %masked_sort3A_284 = arith.constant dense<true> : vector<16xi1>
      %masked_sort3A_285, %masked_sort3A_286, %masked_sort3A_287 = tpu.sort %scan3A_278#1, %scan3A_278#1 masked %masked_sort3A_284 {descending = true} : (vector<16xf32>, vector<16xf32>, vector<16xi1>) -> (vector<16xi1>, vector<16xf32>, vector<16xf32>)
      %masked_sort3A_288 = arith.constant dense<true> : vector<16xi1>
      %masked_sort3A_289, %masked_sort3A_290, %masked_sort3A_291 = tpu.sort %scan3A_278#2, %scan3A_278#2 masked %masked_sort3A_288 {descending = true} : (vector<16xf32>, vector<16xf32>, vector<16xi1>) -> (vector<16xi1>, vector<16xf32>, vector<16xf32>)
      %masked_sort3A_292 = arith.constant dense<true> : vector<16xi1>
      %masked_sort3A_293, %masked_sort3A_294, %masked_sort3A_295 = tpu.sort %scan3A_278#3, %scan3A_278#3 masked %masked_sort3A_292 {descending = true} : (vector<16xf32>, vector<16xf32>, vector<16xi1>) -> (vector<16xi1>, vector<16xf32>, vector<16xf32>)
      %rev3A_296 = arith.constant 15 : i32
      %rev3A_297 = vector.broadcast %rev3A_296 : i32 to vector<16xi32>
      %rev3A_298 = tpu.iota {dimensions = array<i32: 0>} : vector<16xi32>
      %rev3A_299 = arith.subi %rev3A_297, %rev3A_298 : vector<16xi32>
      %rev3A_300 = tpu.dynamic_gather %masked_sort3A_286[%rev3A_299] in [0] : vector<16xf32>, vector<16xi32> -> vector<16xf32>
      %select_n3A_301 = arith.select %lt3A_4, %masked_sort3A_282, %rev3A_300 : vector<16xi1>, vector<16xf32>
      %masked_sort3A_302 = arith.constant dense<true> : vector<16xi1>
      %masked_sort3A_303, %masked_sort3A_304, %masked_sort3A_305 = tpu.sort %select_n3A_301, %select_n3A_301 masked %masked_sort3A_302 {descending = true} : (vector<16xf32>, vector<16xf32>, vector<16xi1>) -> (vector<16xi1>, vector<16xf32>, vector<16xf32>)
      %rev3A_306 = arith.constant 15 : i32
      %rev3A_307 = vector.broadcast %rev3A_306 : i32 to vector<16xi32>
      %rev3A_308 = tpu.iota {dimensions = array<i32: 0>} : vector<16xi32>
      %rev3A_309 = arith.subi %rev3A_307, %rev3A_308 : vector<16xi32>
      %rev3A_310 = tpu.dynamic_gather %masked_sort3A_294[%rev3A_309] in [0] : vector<16xf32>, vector<16xi32> -> vector<16xf32>
      %select_n3A_311 = arith.select %lt3A_4, %masked_sort3A_290, %rev3A_310 : vector<16xi1>, vector<16xf32>
      %masked_sort3A_312 = arith.constant dense<true> : vector<16xi1>
      %masked_sort3A_313, %masked_sort3A_314, %masked_sort3A_315 = tpu.sort %select_n3A_311, %select_n3A_311 masked %masked_sort3A_312 {descending = true} : (vector<16xf32>, vector<16xf32>, vector<16xi1>) -> (vector<16xi1>, vector<16xf32>, vector<16xf32>)
      %rev3A_316 = arith.constant 15 : i32
      %rev3A_317 = vector.broadcast %rev3A_316 : i32 to vector<16xi32>
      %rev3A_318 = tpu.iota {dimensions = array<i32: 0>} : vector<16xi32>
      %rev3A_319 = arith.subi %rev3A_317, %rev3A_318 : vector<16xi32>
      %rev3A_320 = tpu.dynamic_gather %masked_sort3A_314[%rev3A_319] in [0] : vector<16xf32>, vector<16xi32> -> vector<16xf32>
      %select_n3A_321 = arith.select %lt3A_4, %masked_sort3A_304, %rev3A_320 : vector<16xi1>, vector<16xf32>
      %masked_sort3A_322 = arith.constant dense<true> : vector<16xi1>
      %masked_sort3A_323, %masked_sort3A_324, %masked_sort3A_325 = tpu.sort %select_n3A_321, %select_n3A_321 masked %masked_sort3A_322 {descending = true} : (vector<16xf32>, vector<16xf32>, vector<16xi1>) -> (vector<16xi1>, vector<16xf32>, vector<16xf32>)
      %swap3A_326 = arith.constant 0 : index
      %swap3A_327 = tpu.vector_load %arg8[%swap3A_326] {strides = array<i32>} : memref<16xf32, #tpu.memory_space<vmem>>, vector<16xf32>,
      tpu.vector_store %arg8[%swap3A_326], %masked_sort3A_324 {strides = array<i32>} : memref<16xf32, #tpu.memory_space<vmem>>, vector<16xf32>,
      %gather3A_328 = tpu.vector_load_idx %arg8[%broadcast_in_dim3A_5] : memref<16xf32, #tpu.memory_space<vmem>>[vector<16xi32>], vector<16xf32>,
      %gt3A_329 = arith.cmpf ogt, %scan3A_278#3, %gather3A_328 : vector<16xf32>
      %gt3A_330 = arith.cmpf ogt, %scan3A_278#4, %gather3A_328 : vector<16xf32>
      %or3A_331 = arith.ori %gt3A_329, %gt3A_330 : vector<16xi1>
      %reduce_or3A_332 = arith.constant 1.000000e+00 : f32
      %reduce_or3A_333 = arith.constant 0.000000e+00 : f32
      %reduce_or3A_334 = vector.broadcast %reduce_or3A_332 : f32 to vector<16xf32>
      %reduce_or3A_335 = vector.broadcast %reduce_or3A_333 : f32 to vector<16xf32>
      %reduce_or3A_336 = arith.select %or3A_331, %reduce_or3A_334, %reduce_or3A_335 : vector<16xi1>, vector<16xf32>
      %reduce_or3A_337 = arith.constant true
      %reduce_or3A_338 = vector.broadcast %reduce_or3A_337 : i1 to vector<16xi1>
      %reduce_or3A_339 = tpu.scan <max>, %reduce_or3A_336 masked %reduce_or3A_338 : vector<16xf32>, vector<16xi1> -> vector<16xf32>
      %reduce_or3A_340 = vector.extract %reduce_or3A_339[15] : f32 from vector<16xf32>
      %reduce_or3A_341 = arith.constant 0.000000e+00 : f32
      %reduce_or3A_342 = arith.cmpf ogt, %reduce_or3A_340, %reduce_or3A_341 : f32
      %convert_element_type3A_343 = arith.extui %reduce_or3A_342 : i1 to i32
      %cond3A_344 = arith.constant 0 : i32
      %cond3A_345 = arith.cmpi ne, %convert_element_type3A_343, %cond3A_344 : i32
      %cond3A_346 = scf.if %cond3A_345 -> (vector<16xf32>) {
        %scan3A_465 = arith.constant 0 : i32
        %scan3A_466 = arith.constant 128 : i32
        %scan3A_467 = arith.addi %scan3A_465, %scan3A_466 : i32
        %scan3A_468 = arith.constant 1 : i32
        %scan3A_469:8 = scf.for %scan3A_573 = %scan3A_465 to %scan3A_467 step %scan3A_468 iter_args(%scan3A_574 = %broadcast_in_dim3A_7, %scan3A_575 = %broadcast_in_dim3A_7, %scan3A_576 = %broadcast_in_dim3A_7, %scan3A_577 = %broadcast_in_dim3A_7, %scan3A_578 = %broadcast_in_dim3A_7, %scan3A_579 = %broadcast_in_dim3A_7, %scan3A_580 = %broadcast_in_dim3A_7, %scan3A_581 = %broadcast_in_dim3A_7) -> (vector<16xf32>, vector<16xf32>, vector<16xf32>, vector<16xf32>, vector<16xf32>, vector<16xf32>, vector<16xf32>, vector<16xf32>)  : i32 {
          %mul3A_582 = arith.constant 4 : i32
          %mul3A_583 = arith.muli %scan3A_573, %mul3A_582 : i32
          %add3A_584 = arith.constant 0 : i32
          %add3A_585 = arith.addi %mul3A_583, %add3A_584 : i32
          %mul3A_586 = arith.constant 16 : i32
          %mul3A_587 = arith.muli %add3A_585, %mul3A_586 : i32
          %get3A = arith.index_cast %mul3A_587 : i32 to index
          %get3A_588 = tpu.vector_load %arg6[%get3A] {strides = array<i32>} : memref<8192xf32, #tpu.memory_space<vmem>>, vector<16xf32>,
          %max3A = arith.maximumf %scan3A_574, %get3A_588 : vector<16xf32>
          %min3A_589 = arith.minimumf %scan3A_574, %get3A_588 : vector<16xf32>
          %max3A_590 = arith.maximumf %scan3A_575, %min3A_589 : vector<16xf32>
          %min3A_591 = arith.minimumf %scan3A_575, %min3A_589 : vector<16xf32>
          %max3A_592 = arith.maximumf %scan3A_576, %min3A_591 : vector<16xf32>
          %min3A_593 = arith.minimumf %scan3A_576, %min3A_591 : vector<16xf32>
          %max3A_594 = arith.maximumf %scan3A_577, %min3A_593 : vector<16xf32>
          %min3A_595 = arith.minimumf %scan3A_577, %min3A_593 : vector<16xf32>
          %max3A_596 = arith.maximumf %scan3A_578, %min3A_595 : vector<16xf32>
          %min3A_597 = arith.minimumf %scan3A_578, %min3A_595 : vector<16xf32>
          %max3A_598 = arith.maximumf %scan3A_579, %min3A_597 : vector<16xf32>
          %min3A_599 = arith.minimumf %scan3A_579, %min3A_597 : vector<16xf32>
          %max3A_600 = arith.maximumf %scan3A_580, %min3A_599 : vector<16xf32>
          %min3A_601 = arith.minimumf %scan3A_580, %min3A_599 : vector<16xf32>
          %max3A_602 = arith.maximumf %scan3A_581, %min3A_601 : vector<16xf32>
          %min3A_603 = arith.minimumf %scan3A_581, %min3A_601 : vector<16xf32>
          %mul3A_604 = arith.constant 4 : i32
          %mul3A_605 = arith.muli %scan3A_573, %mul3A_604 : i32
          %add3A_606 = arith.constant 1 : i32
          %add3A_607 = arith.addi %mul3A_605, %add3A_606 : i32
          %mul3A_608 = arith.constant 16 : i32
          %mul3A_609 = arith.muli %add3A_607, %mul3A_608 : i32
          %get3A_610 = arith.index_cast %mul3A_609 : i32 to index
          %get3A_611 = tpu.vector_load %arg6[%get3A_610] {strides = array<i32>} : memref<8192xf32, #tpu.memory_space<vmem>>, vector<16xf32>,
          %max3A_612 = arith.maximumf %max3A, %get3A_611 : vector<16xf32>
          %min3A_613 = arith.minimumf %max3A, %get3A_611 : vector<16xf32>
          %max3A_614 = arith.maximumf %max3A_590, %min3A_613 : vector<16xf32>
          %min3A_615 = arith.minimumf %max3A_590, %min3A_613 : vector<16xf32>
          %max3A_616 = arith.maximumf %max3A_592, %min3A_615 : vector<16xf32>
          %min3A_617 = arith.minimumf %max3A_592, %min3A_615 : vector<16xf32>
          %max3A_618 = arith.maximumf %max3A_594, %min3A_617 : vector<16xf32>
          %min3A_619 = arith.minimumf %max3A_594, %min3A_617 : vector<16xf32>
          %max3A_620 = arith.maximumf %max3A_596, %min3A_619 : vector<16xf32>
          %min3A_621 = arith.minimumf %max3A_596, %min3A_619 : vector<16xf32>
          %max3A_622 = arith.maximumf %max3A_598, %min3A_621 : vector<16xf32>
          %min3A_623 = arith.minimumf %max3A_598, %min3A_621 : vector<16xf32>
          %max3A_624 = arith.maximumf %max3A_600, %min3A_623 : vector<16xf32>
          %min3A_625 = arith.minimumf %max3A_600, %min3A_623 : vector<16xf32>
          %max3A_626 = arith.maximumf %max3A_602, %min3A_625 : vector<16xf32>
          %min3A_627 = arith.minimumf %max3A_602, %min3A_625 : vector<16xf32>
          %mul3A_628 = arith.constant 4 : i32
          %mul3A_629 = arith.muli %scan3A_573, %mul3A_628 : i32
          %add3A_630 = arith.constant 2 : i32
          %add3A_631 = arith.addi %mul3A_629, %add3A_630 : i32
          %mul3A_632 = arith.constant 16 : i32
          %mul3A_633 = arith.muli %add3A_631, %mul3A_632 : i32
          %get3A_634 = arith.index_cast %mul3A_633 : i32 to index
          %get3A_635 = tpu.vector_load %arg6[%get3A_634] {strides = array<i32>} : memref<8192xf32, #tpu.memory_space<vmem>>, vector<16xf32>,
          %max3A_636 = arith.maximumf %max3A_612, %get3A_635 : vector<16xf32>
          %min3A_637 = arith.minimumf %max3A_612, %get3A_635 : vector<16xf32>
          %max3A_638 = arith.maximumf %max3A_614, %min3A_637 : vector<16xf32>
          %min3A_639 = arith.minimumf %max3A_614, %min3A_637 : vector<16xf32>
          %max3A_640 = arith.maximumf %max3A_616, %min3A_639 : vector<16xf32>
          %min3A_641 = arith.minimumf %max3A_616, %min3A_639 : vector<16xf32>
          %max3A_642 = arith.maximumf %max3A_618, %min3A_641 : vector<16xf32>
          %min3A_643 = arith.minimumf %max3A_618, %min3A_641 : vector<16xf32>
          %max3A_644 = arith.maximumf %max3A_620, %min3A_643 : vector<16xf32>
          %min3A_645 = arith.minimumf %max3A_620, %min3A_643 : vector<16xf32>
          %max3A_646 = arith.maximumf %max3A_622, %min3A_645 : vector<16xf32>
          %min3A_647 = arith.minimumf %max3A_622, %min3A_645 : vector<16xf32>
          %max3A_648 = arith.maximumf %max3A_624, %min3A_647 : vector<16xf32>
          %min3A_649 = arith.minimumf %max3A_624, %min3A_647 : vector<16xf32>
          %max3A_650 = arith.maximumf %max3A_626, %min3A_649 : vector<16xf32>
          %min3A_651 = arith.minimumf %max3A_626, %min3A_649 : vector<16xf32>
          %mul3A_652 = arith.constant 4 : i32
          %mul3A_653 = arith.muli %scan3A_573, %mul3A_652 : i32
          %add3A_654 = arith.constant 3 : i32
          %add3A_655 = arith.addi %mul3A_653, %add3A_654 : i32
          %mul3A_656 = arith.constant 16 : i32
          %mul3A_657 = arith.muli %add3A_655, %mul3A_656 : i32
          %get3A_658 = arith.index_cast %mul3A_657 : i32 to index
          %get3A_659 = tpu.vector_load %arg6[%get3A_658] {strides = array<i32>} : memref<8192xf32, #tpu.memory_space<vmem>>, vector<16xf32>,
          %max3A_660 = arith.maximumf %max3A_636, %get3A_659 : vector<16xf32>
          %min3A_661 = arith.minimumf %max3A_636, %get3A_659 : vector<16xf32>
          %max3A_662 = arith.maximumf %max3A_638, %min3A_661 : vector<16xf32>
          %min3A_663 = arith.minimumf %max3A_638, %min3A_661 : vector<16xf32>
          %max3A_664 = arith.maximumf %max3A_640, %min3A_663 : vector<16xf32>
          %min3A_665 = arith.minimumf %max3A_640, %min3A_663 : vector<16xf32>
          %max3A_666 = arith.maximumf %max3A_642, %min3A_665 : vector<16xf32>
          %min3A_667 = arith.minimumf %max3A_642, %min3A_665 : vector<16xf32>
          %max3A_668 = arith.maximumf %max3A_644, %min3A_667 : vector<16xf32>
          %min3A_669 = arith.minimumf %max3A_644, %min3A_667 : vector<16xf32>
          %max3A_670 = arith.maximumf %max3A_646, %min3A_669 : vector<16xf32>
          %min3A_671 = arith.minimumf %max3A_646, %min3A_669 : vector<16xf32>
          %max3A_672 = arith.maximumf %max3A_648, %min3A_671 : vector<16xf32>
          %min3A_673 = arith.minimumf %max3A_648, %min3A_671 : vector<16xf32>
          %max3A_674 = arith.maximumf %max3A_650, %min3A_673 : vector<16xf32>
          %min3A_675 = arith.minimumf %max3A_650, %min3A_673 : vector<16xf32>
          scf.yield %max3A_660, %max3A_662, %max3A_664, %max3A_666, %max3A_668, %max3A_670, %max3A_672, %max3A_674 : vector<16xf32>, vector<16xf32>, vector<16xf32>, vector<16xf32>, vector<16xf32>, vector<16xf32>, vector<16xf32>, vector<16xf32>
        }
        %scan3A_470 = arith.constant 128 : i32
        %masked_sort3A_471 = arith.constant dense<true> : vector<16xi1>
        %masked_sort3A_472, %masked_sort3A_473, %masked_sort3A_474 = tpu.sort %scan3A_469#0, %scan3A_469#0 masked %masked_sort3A_471 {descending = true} : (vector<16xf32>, vector<16xf32>, vector<16xi1>) -> (vector<16xi1>, vector<16xf32>, vector<16xf32>)
        %masked_sort3A_475 = arith.constant dense<true> : vector<16xi1>
        %masked_sort3A_476, %masked_sort3A_477, %masked_sort3A_478 = tpu.sort %scan3A_469#1, %scan3A_469#1 masked %masked_sort3A_475 {descending = true} : (vector<16xf32>, vector<16xf32>, vector<16xi1>) -> (vector<16xi1>, vector<16xf32>, vector<16xf32>)
        %masked_sort3A_479 = arith.constant dense<true> : vector<16xi1>
        %masked_sort3A_480, %masked_sort3A_481, %masked_sort3A_482 = tpu.sort %scan3A_469#2, %scan3A_469#2 masked %masked_sort3A_479 {descending = true} : (vector<16xf32>, vector<16xf32>, vector<16xi1>) -> (vector<16xi1>, vector<16xf32>, vector<16xf32>)
        %masked_sort3A_483 = arith.constant dense<true> : vector<16xi1>
        %masked_sort3A_484, %masked_sort3A_485, %masked_sort3A_486 = tpu.sort %scan3A_469#3, %scan3A_469#3 masked %masked_sort3A_483 {descending = true} : (vector<16xf32>, vector<16xf32>, vector<16xi1>) -> (vector<16xi1>, vector<16xf32>, vector<16xf32>)
        %masked_sort3A_487 = arith.constant dense<true> : vector<16xi1>
        %masked_sort3A_488, %masked_sort3A_489, %masked_sort3A_490 = tpu.sort %scan3A_469#4, %scan3A_469#4 masked %masked_sort3A_487 {descending = true} : (vector<16xf32>, vector<16xf32>, vector<16xi1>) -> (vector<16xi1>, vector<16xf32>, vector<16xf32>)
        %masked_sort3A_491 = arith.constant dense<true> : vector<16xi1>
        %masked_sort3A_492, %masked_sort3A_493, %masked_sort3A_494 = tpu.sort %scan3A_469#5, %scan3A_469#5 masked %masked_sort3A_491 {descending = true} : (vector<16xf32>, vector<16xf32>, vector<16xi1>) -> (vector<16xi1>, vector<16xf32>, vector<16xf32>)
        %masked_sort3A_495 = arith.constant dense<true> : vector<16xi1>
        %masked_sort3A_496, %masked_sort3A_497, %masked_sort3A_498 = tpu.sort %scan3A_469#6, %scan3A_469#6 masked %masked_sort3A_495 {descending = true} : (vector<16xf32>, vector<16xf32>, vector<16xi1>) -> (vector<16xi1>, vector<16xf32>, vector<16xf32>)
        %masked_sort3A_499 = arith.constant dense<true> : vector<16xi1>
        %masked_sort3A_500, %masked_sort3A_501, %masked_sort3A_502 = tpu.sort %scan3A_469#7, %scan3A_469#7 masked %masked_sort3A_499 {descending = true} : (vector<16xf32>, vector<16xf32>, vector<16xi1>) -> (vector<16xi1>, vector<16xf32>, vector<16xf32>)
        %rev3A_503 = arith.constant 15 : i32
        %rev3A_504 = vector.broadcast %rev3A_503 : i32 to vector<16xi32>
        %rev3A_505 = tpu.iota {dimensions = array<i32: 0>} : vector<16xi32>
        %rev3A_506 = arith.subi %rev3A_504, %rev3A_505 : vector<16xi32>
        %rev3A_507 = tpu.dynamic_gather %masked_sort3A_477[%rev3A_506] in [0] : vector<16xf32>, vector<16xi32> -> vector<16xf32>
        %select_n3A_508 = arith.select %lt3A_4, %masked_sort3A_473, %rev3A_507 : vector<16xi1>, vector<16xf32>
        %masked_sort3A_509 = arith.constant dense<true> : vector<16xi1>
        %masked_sort3A_510, %masked_sort3A_511, %masked_sort3A_512 = tpu.sort %select_n3A_508, %select_n3A_508 masked %masked_sort3A_509 {descending = true} : (vector<16xf32>, vector<16xf32>, vector<16xi1>) -> (vector<16xi1>, vector<16xf32>, vector<16xf32>)
        %rev3A_513 = arith.constant 15 : i32
        %rev3A_514 = vector.broadcast %rev3A_513 : i32 to vector<16xi32>
        %rev3A_515 = tpu.iota {dimensions = array<i32: 0>} : vector<16xi32>
        %rev3A_516 = arith.subi %rev3A_514, %rev3A_515 : vector<16xi32>
        %rev3A_517 = tpu.dynamic_gather %masked_sort3A_485[%rev3A_516] in [0] : vector<16xf32>, vector<16xi32> -> vector<16xf32>
        %select_n3A_518 = arith.select %lt3A_4, %masked_sort3A_481, %rev3A_517 : vector<16xi1>, vector<16xf32>
        %masked_sort3A_519 = arith.constant dense<true> : vector<16xi1>
        %masked_sort3A_520, %masked_sort3A_521, %masked_sort3A_522 = tpu.sort %select_n3A_518, %select_n3A_518 masked %masked_sort3A_519 {descending = true} : (vector<16xf32>, vector<16xf32>, vector<16xi1>) -> (vector<16xi1>, vector<16xf32>, vector<16xf32>)
        %rev3A_523 = arith.constant 15 : i32
        %rev3A_524 = vector.broadcast %rev3A_523 : i32 to vector<16xi32>
        %rev3A_525 = tpu.iota {dimensions = array<i32: 0>} : vector<16xi32>
        %rev3A_526 = arith.subi %rev3A_524, %rev3A_525 : vector<16xi32>
        %rev3A_527 = tpu.dynamic_gather %masked_sort3A_493[%rev3A_526] in [0] : vector<16xf32>, vector<16xi32> -> vector<16xf32>
        %select_n3A_528 = arith.select %lt3A_4, %masked_sort3A_489, %rev3A_527 : vector<16xi1>, vector<16xf32>
        %masked_sort3A_529 = arith.constant dense<true> : vector<16xi1>
        %masked_sort3A_530, %masked_sort3A_531, %masked_sort3A_532 = tpu.sort %select_n3A_528, %select_n3A_528 masked %masked_sort3A_529 {descending = true} : (vector<16xf32>, vector<16xf32>, vector<16xi1>) -> (vector<16xi1>, vector<16xf32>, vector<16xf32>)
        %rev3A_533 = arith.constant 15 : i32
        %rev3A_534 = vector.broadcast %rev3A_533 : i32 to vector<16xi32>
        %rev3A_535 = tpu.iota {dimensions = array<i32: 0>} : vector<16xi32>
        %rev3A_536 = arith.subi %rev3A_534, %rev3A_535 : vector<16xi32>
        %rev3A_537 = tpu.dynamic_gather %masked_sort3A_501[%rev3A_536] in [0] : vector<16xf32>, vector<16xi32> -> vector<16xf32>
        %select_n3A_538 = arith.select %lt3A_4, %masked_sort3A_497, %rev3A_537 : vector<16xi1>, vector<16xf32>
        %masked_sort3A_539 = arith.constant dense<true> : vector<16xi1>
        %masked_sort3A_540, %masked_sort3A_541, %masked_sort3A_542 = tpu.sort %select_n3A_538, %select_n3A_538 masked %masked_sort3A_539 {descending = true} : (vector<16xf32>, vector<16xf32>, vector<16xi1>) -> (vector<16xi1>, vector<16xf32>, vector<16xf32>)
        %rev3A_543 = arith.constant 15 : i32
        %rev3A_544 = vector.broadcast %rev3A_543 : i32 to vector<16xi32>
        %rev3A_545 = tpu.iota {dimensions = array<i32: 0>} : vector<16xi32>
        %rev3A_546 = arith.subi %rev3A_544, %rev3A_545 : vector<16xi32>
        %rev3A_547 = tpu.dynamic_gather %masked_sort3A_521[%rev3A_546] in [0] : vector<16xf32>, vector<16xi32> -> vector<16xf32>
        %select_n3A_548 = arith.select %lt3A_4, %masked_sort3A_511, %rev3A_547 : vector<16xi1>, vector<16xf32>
        %masked_sort3A_549 = arith.constant dense<true> : vector<16xi1>
        %masked_sort3A_550, %masked_sort3A_551, %masked_sort3A_552 = tpu.sort %select_n3A_548, %select_n3A_548 masked %masked_sort3A_549 {descending = true} : (vector<16xf32>, vector<16xf32>, vector<16xi1>) -> (vector<16xi1>, vector<16xf32>, vector<16xf32>)
        %rev3A_553 = arith.constant 15 : i32
        %rev3A_554 = vector.broadcast %rev3A_553 : i32 to vector<16xi32>
        %rev3A_555 = tpu.iota {dimensions = array<i32: 0>} : vector<16xi32>
        %rev3A_556 = arith.subi %rev3A_554, %rev3A_555 : vector<16xi32>
        %rev3A_557 = tpu.dynamic_gather %masked_sort3A_541[%rev3A_556] in [0] : vector<16xf32>, vector<16xi32> -> vector<16xf32>
        %select_n3A_558 = arith.select %lt3A_4, %masked_sort3A_531, %rev3A_557 : vector<16xi1>, vector<16xf32>
        %masked_sort3A_559 = arith.constant dense<true> : vector<16xi1>
        %masked_sort3A_560, %masked_sort3A_561, %masked_sort3A_562 = tpu.sort %select_n3A_558, %select_n3A_558 masked %masked_sort3A_559 {descending = true} : (vector<16xf32>, vector<16xf32>, vector<16xi1>) -> (vector<16xi1>, vector<16xf32>, vector<16xf32>)
        %rev3A_563 = arith.constant 15 : i32
        %rev3A_564 = vector.broadcast %rev3A_563 : i32 to vector<16xi32>
        %rev3A_565 = tpu.iota {dimensions = array<i32: 0>} : vector<16xi32>
        %rev3A_566 = arith.subi %rev3A_564, %rev3A_565 : vector<16xi32>
        %rev3A_567 = tpu.dynamic_gather %masked_sort3A_561[%rev3A_566] in [0] : vector<16xf32>, vector<16xi32> -> vector<16xf32>
        %select_n3A_568 = arith.select %lt3A_4, %masked_sort3A_551, %rev3A_567 : vector<16xi1>, vector<16xf32>
        %masked_sort3A_569 = arith.constant dense<true> : vector<16xi1>
        %masked_sort3A_570, %masked_sort3A_571, %masked_sort3A_572 = tpu.sort %select_n3A_568, %select_n3A_568 masked %masked_sort3A_569 {descending = true} : (vector<16xf32>, vector<16xf32>, vector<16xi1>) -> (vector<16xi1>, vector<16xf32>, vector<16xf32>)
        scf.yield %masked_sort3A_571 : vector<16xf32>
      } else {
        scf.yield %masked_sort3A_324 : vector<16xf32>
      }
      %mul3A_347 = arith.constant 8 : i32
      %mul3A_348 = arith.muli %add3A_273, %mul3A_347 : i32
      %swap3A_349 = arith.index_cast %mul3A_348 : i32 to index
      %swap3A_350 = tpu.vector_load %arg9[%swap3A_349] masked %lt3A_4 {strides = array<i32>} : memref<776xf32, #tpu.memory_space<vmem>>, vector<16xf32>, vector<16xi1>
      tpu.vector_store %arg9[%swap3A_349], %cond3A_346 masked %lt3A_4 {strides = array<i32>} : memref<776xf32, #tpu.memory_space<vmem>>, vector<16xf32>, vector<16xi1>
      %add3A_351 = arith.constant 2 : i32
      %add3A_352 = arith.addi %mul3A_71, %add3A_351 : i32
      %add3A_353 = arith.constant 4 : i32
      %add3A_354 = arith.addi %add3A_352, %add3A_353 : i32
      %min3A_355 = arith.constant 95 : i32
      %min3A_356 = arith.minsi %add3A_354, %min3A_355 : i32
      %add3A_357 = arith.addi %mul3A_2, %min3A_356 : i32
      %dma_start3A_358 = arith.constant 0 : i32
      %dma_start3A_359 = tpu.memref_slice %arg2[%add3A_357, %dma_start3A_358] : memref<3072x8192xf32, #tpu.memory_space<hbm>> -> memref<1x8192xf32, #tpu.memory_space<hbm>>
      %dma_start3A_360 = tpu.memref_squeeze %dma_start3A_359 : memref<1x8192xf32, #tpu.memory_space<hbm>> -> memref<8192xf32, #tpu.memory_space<hbm>>
      %dma_start3A_361 = arith.constant 0 : i32
      %dma_start3A_362 = tpu.memref_slice %arg2[%add3A_357, %dma_start3A_361] : memref<3072x8192xf32, #tpu.memory_space<hbm>> -> memref<1x8192xf32, #tpu.memory_space<hbm>>
      %dma_start3A_363 = tpu.memref_squeeze %dma_start3A_362 : memref<1x8192xf32, #tpu.memory_space<hbm>> -> memref<8192xf32, #tpu.memory_space<hbm>>
      tpu.enqueue_dma source(%dma_start3A_363 : memref<8192xf32, #tpu.memory_space<hbm>>) target(%arg6 : memref<8192xf32, #tpu.memory_space<vmem>>) target_semaphore(%arg12 : memref<!tpu.dma_semaphore, #tpu.memory_space<semaphore_mem>>)
      %add3A_364 = arith.addi %mul3A_2, %mul3A_71 : i32
      %add3A_365 = arith.constant 3 : i32
      %add3A_366 = arith.addi %add3A_364, %add3A_365 : i32
      %dma_wait3A_367 = arith.constant 0 : i32
      %dma_wait3A_368 = tpu.memref_slice %arg2[%add3A_366, %dma_wait3A_367] : memref<3072x8192xf32, #tpu.memory_space<hbm>> -> memref<1x8192xf32, #tpu.memory_space<hbm>>
      %dma_wait3A_369 = tpu.memref_squeeze %dma_wait3A_368 : memref<1x8192xf32, #tpu.memory_space<hbm>> -> memref<8192xf32, #tpu.memory_space<hbm>>
      %dma_wait3A_370 = arith.constant 0 : i32
      %dma_wait3A_371 = tpu.memref_slice %arg2[%add3A_366, %dma_wait3A_370] : memref<3072x8192xf32, #tpu.memory_space<hbm>> -> memref<1x8192xf32, #tpu.memory_space<hbm>>
      %dma_wait3A_372 = tpu.memref_squeeze %dma_wait3A_371 : memref<1x8192xf32, #tpu.memory_space<hbm>> -> memref<8192xf32, #tpu.memory_space<hbm>>
      tpu.wait_dma2 semaphore(%arg13 : memref<!tpu.dma_semaphore, #tpu.memory_space<semaphore_mem>>) src(%dma_wait3A_372 : memref<8192xf32, #tpu.memory_space<hbm>>) dst(%arg7 : memref<8192xf32, #tpu.memory_space<vmem>>)
      %add3A_373 = arith.constant 3 : i32
      %add3A_374 = arith.addi %mul3A_71, %add3A_373 : i32
      %scan3A_375 = arith.constant 0 : i32
      %scan3A_376 = arith.constant 32 : i32
      %scan3A_377 = arith.addi %scan3A_375, %scan3A_376 : i32
      %scan3A_378 = arith.constant 1 : i32
      %scan3A_379:5 = scf.for %scan3A_465 = %scan3A_375 to %scan3A_377 step %scan3A_378 iter_args(%scan3A_466 = %broadcast_in_dim3A_7, %scan3A_467 = %broadcast_in_dim3A_7, %scan3A_468 = %broadcast_in_dim3A_7, %scan3A_469 = %broadcast_in_dim3A_7, %scan3A_470 = %broadcast_in_dim3A_7) -> (vector<16xf32>, vector<16xf32>, vector<16xf32>, vector<16xf32>, vector<16xf32>)  : i32 {
        %mul3A_471 = arith.constant 2 : i32
        %mul3A_472 = arith.muli %mul3A_471, %scan3A_465 : i32
        %add3A_473 = arith.constant 0 : i32
        %add3A_474 = arith.addi %mul3A_472, %add3A_473 : i32
        %mul3A_475 = arith.constant 8 : i32
        %mul3A_476 = arith.muli %add3A_474, %mul3A_475 : i32
        %mul3A_477 = arith.constant 16 : i32
        %mul3A_478 = arith.muli %mul3A_476, %mul3A_477 : i32
        %add3A_479 = arith.constant 0 : i32
        %add3A_480 = arith.addi %mul3A_478, %add3A_479 : i32
        %get3A = arith.index_cast %add3A_480 : i32 to index
        %get3A_481 = tpu.vector_load %arg7[%get3A] {strides = array<i32>} : memref<8192xf32, #tpu.memory_space<vmem>>, vector<16xf32>,
        %add3A_482 = arith.constant 16 : i32
        %add3A_483 = arith.addi %mul3A_478, %add3A_482 : i32
        %get3A_484 = arith.index_cast %add3A_483 : i32 to index
        %get3A_485 = tpu.vector_load %arg7[%get3A_484] {strides = array<i32>} : memref<8192xf32, #tpu.memory_space<vmem>>, vector<16xf32>,
        %add3A_486 = arith.constant 32 : i32
        %add3A_487 = arith.addi %mul3A_478, %add3A_486 : i32
        %get3A_488 = arith.index_cast %add3A_487 : i32 to index
        %get3A_489 = tpu.vector_load %arg7[%get3A_488] {strides = array<i32>} : memref<8192xf32, #tpu.memory_space<vmem>>, vector<16xf32>,
        %add3A_490 = arith.constant 48 : i32
        %add3A_491 = arith.addi %mul3A_478, %add3A_490 : i32
        %get3A_492 = arith.index_cast %add3A_491 : i32 to index
        %get3A_493 = tpu.vector_load %arg7[%get3A_492] {strides = array<i32>} : memref<8192xf32, #tpu.memory_space<vmem>>, vector<16xf32>,
        %add3A_494 = arith.constant 64 : i32
        %add3A_495 = arith.addi %mul3A_478, %add3A_494 : i32
        %get3A_496 = arith.index_cast %add3A_495 : i32 to index
        %get3A_497 = tpu.vector_load %arg7[%get3A_496] {strides = array<i32>} : memref<8192xf32, #tpu.memory_space<vmem>>, vector<16xf32>,
        %add3A_498 = arith.constant 80 : i32
        %add3A_499 = arith.addi %mul3A_478, %add3A_498 : i32
        %get3A_500 = arith.index_cast %add3A_499 : i32 to index
        %get3A_501 = tpu.vector_load %arg7[%get3A_500] {strides = array<i32>} : memref<8192xf32, #tpu.memory_space<vmem>>, vector<16xf32>,
        %add3A_502 = arith.constant 96 : i32
        %add3A_503 = arith.addi %mul3A_478, %add3A_502 : i32
        %get3A_504 = arith.index_cast %add3A_503 : i32 to index
        %get3A_505 = tpu.vector_load %arg7[%get3A_504] {strides = array<i32>} : memref<8192xf32, #tpu.memory_space<vmem>>, vector<16xf32>,
        %add3A_506 = arith.constant 112 : i32
        %add3A_507 = arith.addi %mul3A_478, %add3A_506 : i32
        %get3A_508 = arith.index_cast %add3A_507 : i32 to index
        %get3A_509 = tpu.vector_load %arg7[%get3A_508] {strides = array<i32>} : memref<8192xf32, #tpu.memory_space<vmem>>, vector<16xf32>,
        %max3A = arith.maximumf %get3A_481, %get3A_485 : vector<16xf32>
        %min3A_510 = arith.minimumf %get3A_481, %get3A_485 : vector<16xf32>
        %max3A_511 = arith.maximumf %get3A_489, %get3A_493 : vector<16xf32>
        %min3A_512 = arith.minimumf %get3A_489, %get3A_493 : vector<16xf32>
        %max3A_513 = arith.maximumf %max3A, %max3A_511 : vector<16xf32>
        %min3A_514 = arith.minimumf %max3A, %max3A_511 : vector<16xf32>
        %max3A_515 = arith.maximumf %min3A_510, %min3A_512 : vector<16xf32>
        %max3A_516 = arith.maximumf %min3A_514, %max3A_515 : vector<16xf32>
        %max3A_517 = arith.maximumf %get3A_497, %get3A_501 : vector<16xf32>
        %min3A_518 = arith.minimumf %get3A_497, %get3A_501 : vector<16xf32>
        %max3A_519 = arith.maximumf %get3A_505, %get3A_509 : vector<16xf32>
        %min3A_520 = arith.minimumf %get3A_505, %get3A_509 : vector<16xf32>
        %max3A_521 = arith.maximumf %max3A_517, %max3A_519 : vector<16xf32>
        %min3A_522 = arith.minimumf %max3A_517, %max3A_519 : vector<16xf32>
        %max3A_523 = arith.maximumf %min3A_518, %min3A_520 : vector<16xf32>
        %max3A_524 = arith.maximumf %min3A_522, %max3A_523 : vector<16xf32>
        %max3A_525 = arith.maximumf %max3A_513, %max3A_521 : vector<16xf32>
        %min3A_526 = arith.minimumf %max3A_513, %max3A_521 : vector<16xf32>
        %max3A_527 = arith.maximumf %max3A_516, %max3A_524 : vector<16xf32>
        %max3A_528 = arith.maximumf %min3A_526, %max3A_527 : vector<16xf32>
        %max3A_529 = arith.maximumf %scan3A_470, %max3A_528 : vector<16xf32>
        %max3A_530 = arith.maximumf %scan3A_466, %max3A_525 : vector<16xf32>
        %min3A_531 = arith.minimumf %scan3A_466, %max3A_525 : vector<16xf32>
        %max3A_532 = arith.maximumf %scan3A_467, %min3A_531 : vector<16xf32>
        %min3A_533 = arith.minimumf %scan3A_467, %min3A_531 : vector<16xf32>
        %max3A_534 = arith.maximumf %scan3A_468, %min3A_533 : vector<16xf32>
        %min3A_535 = arith.minimumf %scan3A_468, %min3A_533 : vector<16xf32>
        %max3A_536 = arith.maximumf %scan3A_469, %min3A_535 : vector<16xf32>
        %min3A_537 = arith.minimumf %scan3A_469, %min3A_535 : vector<16xf32>
        %mul3A_538 = arith.constant 2 : i32
        %mul3A_539 = arith.muli %mul3A_538, %scan3A_465 : i32
        %add3A_540 = arith.constant 1 : i32
        %add3A_541 = arith.addi %mul3A_539, %add3A_540 : i32
        %mul3A_542 = arith.constant 8 : i32
        %mul3A_543 = arith.muli %add3A_541, %mul3A_542 : i32
        %mul3A_544 = arith.constant 16 : i32
        %mul3A_545 = arith.muli %mul3A_543, %mul3A_544 : i32
        %add3A_546 = arith.constant 0 : i32
        %add3A_547 = arith.addi %mul3A_545, %add3A_546 : i32
        %get3A_548 = arith.index_cast %add3A_547 : i32 to index
        %get3A_549 = tpu.vector_load %arg7[%get3A_548] {strides = array<i32>} : memref<8192xf32, #tpu.memory_space<vmem>>, vector<16xf32>,
        %add3A_550 = arith.constant 16 : i32
        %add3A_551 = arith.addi %mul3A_545, %add3A_550 : i32
        %get3A_552 = arith.index_cast %add3A_551 : i32 to index
        %get3A_553 = tpu.vector_load %arg7[%get3A_552] {strides = array<i32>} : memref<8192xf32, #tpu.memory_space<vmem>>, vector<16xf32>,
        %add3A_554 = arith.constant 32 : i32
        %add3A_555 = arith.addi %mul3A_545, %add3A_554 : i32
        %get3A_556 = arith.index_cast %add3A_555 : i32 to index
        %get3A_557 = tpu.vector_load %arg7[%get3A_556] {strides = array<i32>} : memref<8192xf32, #tpu.memory_space<vmem>>, vector<16xf32>,
        %add3A_558 = arith.constant 48 : i32
        %add3A_559 = arith.addi %mul3A_545, %add3A_558 : i32
        %get3A_560 = arith.index_cast %add3A_559 : i32 to index
        %get3A_561 = tpu.vector_load %arg7[%get3A_560] {strides = array<i32>} : memref<8192xf32, #tpu.memory_space<vmem>>, vector<16xf32>,
        %add3A_562 = arith.constant 64 : i32
        %add3A_563 = arith.addi %mul3A_545, %add3A_562 : i32
        %get3A_564 = arith.index_cast %add3A_563 : i32 to index
        %get3A_565 = tpu.vector_load %arg7[%get3A_564] {strides = array<i32>} : memref<8192xf32, #tpu.memory_space<vmem>>, vector<16xf32>,
        %add3A_566 = arith.constant 80 : i32
        %add3A_567 = arith.addi %mul3A_545, %add3A_566 : i32
        %get3A_568 = arith.index_cast %add3A_567 : i32 to index
        %get3A_569 = tpu.vector_load %arg7[%get3A_568] {strides = array<i32>} : memref<8192xf32, #tpu.memory_space<vmem>>, vector<16xf32>,
        %add3A_570 = arith.constant 96 : i32
        %add3A_571 = arith.addi %mul3A_545, %add3A_570 : i32
        %get3A_572 = arith.index_cast %add3A_571 : i32 to index
        %get3A_573 = tpu.vector_load %arg7[%get3A_572] {strides = array<i32>} : memref<8192xf32, #tpu.memory_space<vmem>>, vector<16xf32>,
        %add3A_574 = arith.constant 112 : i32
        %add3A_575 = arith.addi %mul3A_545, %add3A_574 : i32
        %get3A_576 = arith.index_cast %add3A_575 : i32 to index
        %get3A_577 = tpu.vector_load %arg7[%get3A_576] {strides = array<i32>} : memref<8192xf32, #tpu.memory_space<vmem>>, vector<16xf32>,
        %max3A_578 = arith.maximumf %get3A_549, %get3A_553 : vector<16xf32>
        %min3A_579 = arith.minimumf %get3A_549, %get3A_553 : vector<16xf32>
        %max3A_580 = arith.maximumf %get3A_557, %get3A_561 : vector<16xf32>
        %min3A_581 = arith.minimumf %get3A_557, %get3A_561 : vector<16xf32>
        %max3A_582 = arith.maximumf %max3A_578, %max3A_580 : vector<16xf32>
        %min3A_583 = arith.minimumf %max3A_578, %max3A_580 : vector<16xf32>
        %max3A_584 = arith.maximumf %min3A_579, %min3A_581 : vector<16xf32>
        %max3A_585 = arith.maximumf %min3A_583, %max3A_584 : vector<16xf32>
        %max3A_586 = arith.maximumf %get3A_565, %get3A_569 : vector<16xf32>
        %min3A_587 = arith.minimumf %get3A_565, %get3A_569 : vector<16xf32>
        %max3A_588 = arith.maximumf %get3A_573, %get3A_577 : vector<16xf32>
        %min3A_589 = arith.minimumf %get3A_573, %get3A_577 : vector<16xf32>
        %max3A_590 = arith.maximumf %max3A_586, %max3A_588 : vector<16xf32>
        %min3A_591 = arith.minimumf %max3A_586, %max3A_588 : vector<16xf32>
        %max3A_592 = arith.maximumf %min3A_587, %min3A_589 : vector<16xf32>
        %max3A_593 = arith.maximumf %min3A_591, %max3A_592 : vector<16xf32>
        %max3A_594 = arith.maximumf %max3A_582, %max3A_590 : vector<16xf32>
        %min3A_595 = arith.minimumf %max3A_582, %max3A_590 : vector<16xf32>
        %max3A_596 = arith.maximumf %max3A_585, %max3A_593 : vector<16xf32>
        %max3A_597 = arith.maximumf %min3A_595, %max3A_596 : vector<16xf32>
        %max3A_598 = arith.maximumf %max3A_529, %max3A_597 : vector<16xf32>
        %max3A_599 = arith.maximumf %max3A_530, %max3A_594 : vector<16xf32>
        %min3A_600 = arith.minimumf %max3A_530, %max3A_594 : vector<16xf32>
        %max3A_601 = arith.maximumf %max3A_532, %min3A_600 : vector<16xf32>
        %min3A_602 = arith.minimumf %max3A_532, %min3A_600 : vector<16xf32>
        %max3A_603 = arith.maximumf %max3A_534, %min3A_602 : vector<16xf32>
        %min3A_604 = arith.minimumf %max3A_534, %min3A_602 : vector<16xf32>
        %max3A_605 = arith.maximumf %max3A_536, %min3A_604 : vector<16xf32>
        %min3A_606 = arith.minimumf %max3A_536, %min3A_604 : vector<16xf32>
        scf.yield %max3A_599, %max3A_601, %max3A_603, %max3A_605, %max3A_598 : vector<16xf32>, vector<16xf32>, vector<16xf32>, vector<16xf32>, vector<16xf32>
      }
      %scan3A_380 = arith.constant 32 : i32
      %masked_sort3A_381 = arith.constant dense<true> : vector<16xi1>
      %masked_sort3A_382, %masked_sort3A_383, %masked_sort3A_384 = tpu.sort %scan3A_379#0, %scan3A_379#0 masked %masked_sort3A_381 {descending = true} : (vector<16xf32>, vector<16xf32>, vector<16xi1>) -> (vector<16xi1>, vector<16xf32>, vector<16xf32>)
      %masked_sort3A_385 = arith.constant dense<true> : vector<16xi1>
      %masked_sort3A_386, %masked_sort3A_387, %masked_sort3A_388 = tpu.sort %scan3A_379#1, %scan3A_379#1 masked %masked_sort3A_385 {descending = true} : (vector<16xf32>, vector<16xf32>, vector<16xi1>) -> (vector<16xi1>, vector<16xf32>, vector<16xf32>)
      %masked_sort3A_389 = arith.constant dense<true> : vector<16xi1>
      %masked_sort3A_390, %masked_sort3A_391, %masked_sort3A_392 = tpu.sort %scan3A_379#2, %scan3A_379#2 masked %masked_sort3A_389 {descending = true} : (vector<16xf32>, vector<16xf32>, vector<16xi1>) -> (vector<16xi1>, vector<16xf32>, vector<16xf32>)
      %masked_sort3A_393 = arith.constant dense<true> : vector<16xi1>
      %masked_sort3A_394, %masked_sort3A_395, %masked_sort3A_396 = tpu.sort %scan3A_379#3, %scan3A_379#3 masked %masked_sort3A_393 {descending = true} : (vector<16xf32>, vector<16xf32>, vector<16xi1>) -> (vector<16xi1>, vector<16xf32>, vector<16xf32>)
      %rev3A_397 = arith.constant 15 : i32
      %rev3A_398 = vector.broadcast %rev3A_397 : i32 to vector<16xi32>
      %rev3A_399 = tpu.iota {dimensions = array<i32: 0>} : vector<16xi32>
      %rev3A_400 = arith.subi %rev3A_398, %rev3A_399 : vector<16xi32>
      %rev3A_401 = tpu.dynamic_gather %masked_sort3A_387[%rev3A_400] in [0] : vector<16xf32>, vector<16xi32> -> vector<16xf32>
      %select_n3A_402 = arith.select %lt3A_4, %masked_sort3A_383, %rev3A_401 : vector<16xi1>, vector<16xf32>
      %masked_sort3A_403 = arith.constant dense<true> : vector<16xi1>
      %masked_sort3A_404, %masked_sort3A_405, %masked_sort3A_406 = tpu.sort %select_n3A_402, %select_n3A_402 masked %masked_sort3A_403 {descending = true} : (vector<16xf32>, vector<16xf32>, vector<16xi1>) -> (vector<16xi1>, vector<16xf32>, vector<16xf32>)
      %rev3A_407 = arith.constant 15 : i32
      %rev3A_408 = vector.broadcast %rev3A_407 : i32 to vector<16xi32>
      %rev3A_409 = tpu.iota {dimensions = array<i32: 0>} : vector<16xi32>
      %rev3A_410 = arith.subi %rev3A_408, %rev3A_409 : vector<16xi32>
      %rev3A_411 = tpu.dynamic_gather %masked_sort3A_395[%rev3A_410] in [0] : vector<16xf32>, vector<16xi32> -> vector<16xf32>
      %select_n3A_412 = arith.select %lt3A_4, %masked_sort3A_391, %rev3A_411 : vector<16xi1>, vector<16xf32>
      %masked_sort3A_413 = arith.constant dense<true> : vector<16xi1>
      %masked_sort3A_414, %masked_sort3A_415, %masked_sort3A_416 = tpu.sort %select_n3A_412, %select_n3A_412 masked %masked_sort3A_413 {descending = true} : (vector<16xf32>, vector<16xf32>, vector<16xi1>) -> (vector<16xi1>, vector<16xf32>, vector<16xf32>)
      %rev3A_417 = arith.constant 15 : i32
      %rev3A_418 = vector.broadcast %rev3A_417 : i32 to vector<16xi32>
      %rev3A_419 = tpu.iota {dimensions = array<i32: 0>} : vector<16xi32>
      %rev3A_420 = arith.subi %rev3A_418, %rev3A_419 : vector<16xi32>
      %rev3A_421 = tpu.dynamic_gather %masked_sort3A_415[%rev3A_420] in [0] : vector<16xf32>, vector<16xi32> -> vector<16xf32>
      %select_n3A_422 = arith.select %lt3A_4, %masked_sort3A_405, %rev3A_421 : vector<16xi1>, vector<16xf32>
      %masked_sort3A_423 = arith.constant dense<true> : vector<16xi1>
      %masked_sort3A_424, %masked_sort3A_425, %masked_sort3A_426 = tpu.sort %select_n3A_422, %select_n3A_422 masked %masked_sort3A_423 {descending = true} : (vector<16xf32>, vector<16xf32>, vector<16xi1>) -> (vector<16xi1>, vector<16xf32>, vector<16xf32>)
      %swap3A_427 = arith.constant 0 : index
      %swap3A_428 = tpu.vector_load %arg8[%swap3A_427] {strides = array<i32>} : memref<16xf32, #tpu.memory_space<vmem>>, vector<16xf32>,
      tpu.vector_store %arg8[%swap3A_427], %masked_sort3A_425 {strides = array<i32>} : memref<16xf32, #tpu.memory_space<vmem>>, vector<16xf32>,
      %gather3A_429 = tpu.vector_load_idx %arg8[%broadcast_in_dim3A_5] : memref<16xf32, #tpu.memory_space<vmem>>[vector<16xi32>], vector<16xf32>,
      %gt3A_430 = arith.cmpf ogt, %scan3A_379#3, %gather3A_429 : vector<16xf32>
      %gt3A_431 = arith.cmpf ogt, %scan3A_379#4, %gather3A_429 : vector<16xf32>
      %or3A_432 = arith.ori %gt3A_430, %gt3A_431 : vector<16xi1>
      %reduce_or3A_433 = arith.constant 1.000000e+00 : f32
      %reduce_or3A_434 = arith.constant 0.000000e+00 : f32
      %reduce_or3A_435 = vector.broadcast %reduce_or3A_433 : f32 to vector<16xf32>
      %reduce_or3A_436 = vector.broadcast %reduce_or3A_434 : f32 to vector<16xf32>
      %reduce_or3A_437 = arith.select %or3A_432, %reduce_or3A_435, %reduce_or3A_436 : vector<16xi1>, vector<16xf32>
      %reduce_or3A_438 = arith.constant true
      %reduce_or3A_439 = vector.broadcast %reduce_or3A_438 : i1 to vector<16xi1>
      %reduce_or3A_440 = tpu.scan <max>, %reduce_or3A_437 masked %reduce_or3A_439 : vector<16xf32>, vector<16xi1> -> vector<16xf32>
      %reduce_or3A_441 = vector.extract %reduce_or3A_440[15] : f32 from vector<16xf32>
      %reduce_or3A_442 = arith.constant 0.000000e+00 : f32
      %reduce_or3A_443 = arith.cmpf ogt, %reduce_or3A_441, %reduce_or3A_442 : f32
      %convert_element_type3A_444 = arith.extui %reduce_or3A_443 : i1 to i32
      %cond3A_445 = arith.constant 0 : i32
      %cond3A_446 = arith.cmpi ne, %convert_element_type3A_444, %cond3A_445 : i32
      %cond3A_447 = scf.if %cond3A_446 -> (vector<16xf32>) {
        %scan3A_465 = arith.constant 0 : i32
        %scan3A_466 = arith.constant 128 : i32
        %scan3A_467 = arith.addi %scan3A_465, %scan3A_466 : i32
        %scan3A_468 = arith.constant 1 : i32
        %scan3A_469:8 = scf.for %scan3A_573 = %scan3A_465 to %scan3A_467 step %scan3A_468 iter_args(%scan3A_574 = %broadcast_in_dim3A_7, %scan3A_575 = %broadcast_in_dim3A_7, %scan3A_576 = %broadcast_in_dim3A_7, %scan3A_577 = %broadcast_in_dim3A_7, %scan3A_578 = %broadcast_in_dim3A_7, %scan3A_579 = %broadcast_in_dim3A_7, %scan3A_580 = %broadcast_in_dim3A_7, %scan3A_581 = %broadcast_in_dim3A_7) -> (vector<16xf32>, vector<16xf32>, vector<16xf32>, vector<16xf32>, vector<16xf32>, vector<16xf32>, vector<16xf32>, vector<16xf32>)  : i32 {
          %mul3A_582 = arith.constant 4 : i32
          %mul3A_583 = arith.muli %scan3A_573, %mul3A_582 : i32
          %add3A_584 = arith.constant 0 : i32
          %add3A_585 = arith.addi %mul3A_583, %add3A_584 : i32
          %mul3A_586 = arith.constant 16 : i32
          %mul3A_587 = arith.muli %add3A_585, %mul3A_586 : i32
          %get3A = arith.index_cast %mul3A_587 : i32 to index
          %get3A_588 = tpu.vector_load %arg7[%get3A] {strides = array<i32>} : memref<8192xf32, #tpu.memory_space<vmem>>, vector<16xf32>,
          %max3A = arith.maximumf %scan3A_574, %get3A_588 : vector<16xf32>
          %min3A_589 = arith.minimumf %scan3A_574, %get3A_588 : vector<16xf32>
          %max3A_590 = arith.maximumf %scan3A_575, %min3A_589 : vector<16xf32>
          %min3A_591 = arith.minimumf %scan3A_575, %min3A_589 : vector<16xf32>
          %max3A_592 = arith.maximumf %scan3A_576, %min3A_591 : vector<16xf32>
          %min3A_593 = arith.minimumf %scan3A_576, %min3A_591 : vector<16xf32>
          %max3A_594 = arith.maximumf %scan3A_577, %min3A_593 : vector<16xf32>
          %min3A_595 = arith.minimumf %scan3A_577, %min3A_593 : vector<16xf32>
          %max3A_596 = arith.maximumf %scan3A_578, %min3A_595 : vector<16xf32>
          %min3A_597 = arith.minimumf %scan3A_578, %min3A_595 : vector<16xf32>
          %max3A_598 = arith.maximumf %scan3A_579, %min3A_597 : vector<16xf32>
          %min3A_599 = arith.minimumf %scan3A_579, %min3A_597 : vector<16xf32>
          %max3A_600 = arith.maximumf %scan3A_580, %min3A_599 : vector<16xf32>
          %min3A_601 = arith.minimumf %scan3A_580, %min3A_599 : vector<16xf32>
          %max3A_602 = arith.maximumf %scan3A_581, %min3A_601 : vector<16xf32>
          %min3A_603 = arith.minimumf %scan3A_581, %min3A_601 : vector<16xf32>
          %mul3A_604 = arith.constant 4 : i32
          %mul3A_605 = arith.muli %scan3A_573, %mul3A_604 : i32
          %add3A_606 = arith.constant 1 : i32
          %add3A_607 = arith.addi %mul3A_605, %add3A_606 : i32
          %mul3A_608 = arith.constant 16 : i32
          %mul3A_609 = arith.muli %add3A_607, %mul3A_608 : i32
          %get3A_610 = arith.index_cast %mul3A_609 : i32 to index
          %get3A_611 = tpu.vector_load %arg7[%get3A_610] {strides = array<i32>} : memref<8192xf32, #tpu.memory_space<vmem>>, vector<16xf32>,
          %max3A_612 = arith.maximumf %max3A, %get3A_611 : vector<16xf32>
          %min3A_613 = arith.minimumf %max3A, %get3A_611 : vector<16xf32>
          %max3A_614 = arith.maximumf %max3A_590, %min3A_613 : vector<16xf32>
          %min3A_615 = arith.minimumf %max3A_590, %min3A_613 : vector<16xf32>
          %max3A_616 = arith.maximumf %max3A_592, %min3A_615 : vector<16xf32>
          %min3A_617 = arith.minimumf %max3A_592, %min3A_615 : vector<16xf32>
          %max3A_618 = arith.maximumf %max3A_594, %min3A_617 : vector<16xf32>
          %min3A_619 = arith.minimumf %max3A_594, %min3A_617 : vector<16xf32>
          %max3A_620 = arith.maximumf %max3A_596, %min3A_619 : vector<16xf32>
          %min3A_621 = arith.minimumf %max3A_596, %min3A_619 : vector<16xf32>
          %max3A_622 = arith.maximumf %max3A_598, %min3A_621 : vector<16xf32>
          %min3A_623 = arith.minimumf %max3A_598, %min3A_621 : vector<16xf32>
          %max3A_624 = arith.maximumf %max3A_600, %min3A_623 : vector<16xf32>
          %min3A_625 = arith.minimumf %max3A_600, %min3A_623 : vector<16xf32>
          %max3A_626 = arith.maximumf %max3A_602, %min3A_625 : vector<16xf32>
          %min3A_627 = arith.minimumf %max3A_602, %min3A_625 : vector<16xf32>
          %mul3A_628 = arith.constant 4 : i32
          %mul3A_629 = arith.muli %scan3A_573, %mul3A_628 : i32
          %add3A_630 = arith.constant 2 : i32
          %add3A_631 = arith.addi %mul3A_629, %add3A_630 : i32
          %mul3A_632 = arith.constant 16 : i32
          %mul3A_633 = arith.muli %add3A_631, %mul3A_632 : i32
          %get3A_634 = arith.index_cast %mul3A_633 : i32 to index
          %get3A_635 = tpu.vector_load %arg7[%get3A_634] {strides = array<i32>} : memref<8192xf32, #tpu.memory_space<vmem>>, vector<16xf32>,
          %max3A_636 = arith.maximumf %max3A_612, %get3A_635 : vector<16xf32>
          %min3A_637 = arith.minimumf %max3A_612, %get3A_635 : vector<16xf32>
          %max3A_638 = arith.maximumf %max3A_614, %min3A_637 : vector<16xf32>
          %min3A_639 = arith.minimumf %max3A_614, %min3A_637 : vector<16xf32>
          %max3A_640 = arith.maximumf %max3A_616, %min3A_639 : vector<16xf32>
          %min3A_641 = arith.minimumf %max3A_616, %min3A_639 : vector<16xf32>
          %max3A_642 = arith.maximumf %max3A_618, %min3A_641 : vector<16xf32>
          %min3A_643 = arith.minimumf %max3A_618, %min3A_641 : vector<16xf32>
          %max3A_644 = arith.maximumf %max3A_620, %min3A_643 : vector<16xf32>
          %min3A_645 = arith.minimumf %max3A_620, %min3A_643 : vector<16xf32>
          %max3A_646 = arith.maximumf %max3A_622, %min3A_645 : vector<16xf32>
          %min3A_647 = arith.minimumf %max3A_622, %min3A_645 : vector<16xf32>
          %max3A_648 = arith.maximumf %max3A_624, %min3A_647 : vector<16xf32>
          %min3A_649 = arith.minimumf %max3A_624, %min3A_647 : vector<16xf32>
          %max3A_650 = arith.maximumf %max3A_626, %min3A_649 : vector<16xf32>
          %min3A_651 = arith.minimumf %max3A_626, %min3A_649 : vector<16xf32>
          %mul3A_652 = arith.constant 4 : i32
          %mul3A_653 = arith.muli %scan3A_573, %mul3A_652 : i32
          %add3A_654 = arith.constant 3 : i32
          %add3A_655 = arith.addi %mul3A_653, %add3A_654 : i32
          %mul3A_656 = arith.constant 16 : i32
          %mul3A_657 = arith.muli %add3A_655, %mul3A_656 : i32
          %get3A_658 = arith.index_cast %mul3A_657 : i32 to index
          %get3A_659 = tpu.vector_load %arg7[%get3A_658] {strides = array<i32>} : memref<8192xf32, #tpu.memory_space<vmem>>, vector<16xf32>,
          %max3A_660 = arith.maximumf %max3A_636, %get3A_659 : vector<16xf32>
          %min3A_661 = arith.minimumf %max3A_636, %get3A_659 : vector<16xf32>
          %max3A_662 = arith.maximumf %max3A_638, %min3A_661 : vector<16xf32>
          %min3A_663 = arith.minimumf %max3A_638, %min3A_661 : vector<16xf32>
          %max3A_664 = arith.maximumf %max3A_640, %min3A_663 : vector<16xf32>
          %min3A_665 = arith.minimumf %max3A_640, %min3A_663 : vector<16xf32>
          %max3A_666 = arith.maximumf %max3A_642, %min3A_665 : vector<16xf32>
          %min3A_667 = arith.minimumf %max3A_642, %min3A_665 : vector<16xf32>
          %max3A_668 = arith.maximumf %max3A_644, %min3A_667 : vector<16xf32>
          %min3A_669 = arith.minimumf %max3A_644, %min3A_667 : vector<16xf32>
          %max3A_670 = arith.maximumf %max3A_646, %min3A_669 : vector<16xf32>
          %min3A_671 = arith.minimumf %max3A_646, %min3A_669 : vector<16xf32>
          %max3A_672 = arith.maximumf %max3A_648, %min3A_671 : vector<16xf32>
          %min3A_673 = arith.minimumf %max3A_648, %min3A_671 : vector<16xf32>
          %max3A_674 = arith.maximumf %max3A_650, %min3A_673 : vector<16xf32>
          %min3A_675 = arith.minimumf %max3A_650, %min3A_673 : vector<16xf32>
          scf.yield %max3A_660, %max3A_662, %max3A_664, %max3A_666, %max3A_668, %max3A_670, %max3A_672, %max3A_674 : vector<16xf32>, vector<16xf32>, vector<16xf32>, vector<16xf32>, vector<16xf32>, vector<16xf32>, vector<16xf32>, vector<16xf32>
        }
        %scan3A_470 = arith.constant 128 : i32
        %masked_sort3A_471 = arith.constant dense<true> : vector<16xi1>
        %masked_sort3A_472, %masked_sort3A_473, %masked_sort3A_474 = tpu.sort %scan3A_469#0, %scan3A_469#0 masked %masked_sort3A_471 {descending = true} : (vector<16xf32>, vector<16xf32>, vector<16xi1>) -> (vector<16xi1>, vector<16xf32>, vector<16xf32>)
        %masked_sort3A_475 = arith.constant dense<true> : vector<16xi1>
        %masked_sort3A_476, %masked_sort3A_477, %masked_sort3A_478 = tpu.sort %scan3A_469#1, %scan3A_469#1 masked %masked_sort3A_475 {descending = true} : (vector<16xf32>, vector<16xf32>, vector<16xi1>) -> (vector<16xi1>, vector<16xf32>, vector<16xf32>)
        %masked_sort3A_479 = arith.constant dense<true> : vector<16xi1>
        %masked_sort3A_480, %masked_sort3A_481, %masked_sort3A_482 = tpu.sort %scan3A_469#2, %scan3A_469#2 masked %masked_sort3A_479 {descending = true} : (vector<16xf32>, vector<16xf32>, vector<16xi1>) -> (vector<16xi1>, vector<16xf32>, vector<16xf32>)
        %masked_sort3A_483 = arith.constant dense<true> : vector<16xi1>
        %masked_sort3A_484, %masked_sort3A_485, %masked_sort3A_486 = tpu.sort %scan3A_469#3, %scan3A_469#3 masked %masked_sort3A_483 {descending = true} : (vector<16xf32>, vector<16xf32>, vector<16xi1>) -> (vector<16xi1>, vector<16xf32>, vector<16xf32>)
        %masked_sort3A_487 = arith.constant dense<true> : vector<16xi1>
        %masked_sort3A_488, %masked_sort3A_489, %masked_sort3A_490 = tpu.sort %scan3A_469#4, %scan3A_469#4 masked %masked_sort3A_487 {descending = true} : (vector<16xf32>, vector<16xf32>, vector<16xi1>) -> (vector<16xi1>, vector<16xf32>, vector<16xf32>)
        %masked_sort3A_491 = arith.constant dense<true> : vector<16xi1>
        %masked_sort3A_492, %masked_sort3A_493, %masked_sort3A_494 = tpu.sort %scan3A_469#5, %scan3A_469#5 masked %masked_sort3A_491 {descending = true} : (vector<16xf32>, vector<16xf32>, vector<16xi1>) -> (vector<16xi1>, vector<16xf32>, vector<16xf32>)
        %masked_sort3A_495 = arith.constant dense<true> : vector<16xi1>
        %masked_sort3A_496, %masked_sort3A_497, %masked_sort3A_498 = tpu.sort %scan3A_469#6, %scan3A_469#6 masked %masked_sort3A_495 {descending = true} : (vector<16xf32>, vector<16xf32>, vector<16xi1>) -> (vector<16xi1>, vector<16xf32>, vector<16xf32>)
        %masked_sort3A_499 = arith.constant dense<true> : vector<16xi1>
        %masked_sort3A_500, %masked_sort3A_501, %masked_sort3A_502 = tpu.sort %scan3A_469#7, %scan3A_469#7 masked %masked_sort3A_499 {descending = true} : (vector<16xf32>, vector<16xf32>, vector<16xi1>) -> (vector<16xi1>, vector<16xf32>, vector<16xf32>)
        %rev3A_503 = arith.constant 15 : i32
        %rev3A_504 = vector.broadcast %rev3A_503 : i32 to vector<16xi32>
        %rev3A_505 = tpu.iota {dimensions = array<i32: 0>} : vector<16xi32>
        %rev3A_506 = arith.subi %rev3A_504, %rev3A_505 : vector<16xi32>
        %rev3A_507 = tpu.dynamic_gather %masked_sort3A_477[%rev3A_506] in [0] : vector<16xf32>, vector<16xi32> -> vector<16xf32>
        %select_n3A_508 = arith.select %lt3A_4, %masked_sort3A_473, %rev3A_507 : vector<16xi1>, vector<16xf32>
        %masked_sort3A_509 = arith.constant dense<true> : vector<16xi1>
        %masked_sort3A_510, %masked_sort3A_511, %masked_sort3A_512 = tpu.sort %select_n3A_508, %select_n3A_508 masked %masked_sort3A_509 {descending = true} : (vector<16xf32>, vector<16xf32>, vector<16xi1>) -> (vector<16xi1>, vector<16xf32>, vector<16xf32>)
        %rev3A_513 = arith.constant 15 : i32
        %rev3A_514 = vector.broadcast %rev3A_513 : i32 to vector<16xi32>
        %rev3A_515 = tpu.iota {dimensions = array<i32: 0>} : vector<16xi32>
        %rev3A_516 = arith.subi %rev3A_514, %rev3A_515 : vector<16xi32>
        %rev3A_517 = tpu.dynamic_gather %masked_sort3A_485[%rev3A_516] in [0] : vector<16xf32>, vector<16xi32> -> vector<16xf32>
        %select_n3A_518 = arith.select %lt3A_4, %masked_sort3A_481, %rev3A_517 : vector<16xi1>, vector<16xf32>
        %masked_sort3A_519 = arith.constant dense<true> : vector<16xi1>
        %masked_sort3A_520, %masked_sort3A_521, %masked_sort3A_522 = tpu.sort %select_n3A_518, %select_n3A_518 masked %masked_sort3A_519 {descending = true} : (vector<16xf32>, vector<16xf32>, vector<16xi1>) -> (vector<16xi1>, vector<16xf32>, vector<16xf32>)
        %rev3A_523 = arith.constant 15 : i32
        %rev3A_524 = vector.broadcast %rev3A_523 : i32 to vector<16xi32>
        %rev3A_525 = tpu.iota {dimensions = array<i32: 0>} : vector<16xi32>
        %rev3A_526 = arith.subi %rev3A_524, %rev3A_525 : vector<16xi32>
        %rev3A_527 = tpu.dynamic_gather %masked_sort3A_493[%rev3A_526] in [0] : vector<16xf32>, vector<16xi32> -> vector<16xf32>
        %select_n3A_528 = arith.select %lt3A_4, %masked_sort3A_489, %rev3A_527 : vector<16xi1>, vector<16xf32>
        %masked_sort3A_529 = arith.constant dense<true> : vector<16xi1>
        %masked_sort3A_530, %masked_sort3A_531, %masked_sort3A_532 = tpu.sort %select_n3A_528, %select_n3A_528 masked %masked_sort3A_529 {descending = true} : (vector<16xf32>, vector<16xf32>, vector<16xi1>) -> (vector<16xi1>, vector<16xf32>, vector<16xf32>)
        %rev3A_533 = arith.constant 15 : i32
        %rev3A_534 = vector.broadcast %rev3A_533 : i32 to vector<16xi32>
        %rev3A_535 = tpu.iota {dimensions = array<i32: 0>} : vector<16xi32>
        %rev3A_536 = arith.subi %rev3A_534, %rev3A_535 : vector<16xi32>
        %rev3A_537 = tpu.dynamic_gather %masked_sort3A_501[%rev3A_536] in [0] : vector<16xf32>, vector<16xi32> -> vector<16xf32>
        %select_n3A_538 = arith.select %lt3A_4, %masked_sort3A_497, %rev3A_537 : vector<16xi1>, vector<16xf32>
        %masked_sort3A_539 = arith.constant dense<true> : vector<16xi1>
        %masked_sort3A_540, %masked_sort3A_541, %masked_sort3A_542 = tpu.sort %select_n3A_538, %select_n3A_538 masked %masked_sort3A_539 {descending = true} : (vector<16xf32>, vector<16xf32>, vector<16xi1>) -> (vector<16xi1>, vector<16xf32>, vector<16xf32>)
        %rev3A_543 = arith.constant 15 : i32
        %rev3A_544 = vector.broadcast %rev3A_543 : i32 to vector<16xi32>
        %rev3A_545 = tpu.iota {dimensions = array<i32: 0>} : vector<16xi32>
        %rev3A_546 = arith.subi %rev3A_544, %rev3A_545 : vector<16xi32>
        %rev3A_547 = tpu.dynamic_gather %masked_sort3A_521[%rev3A_546] in [0] : vector<16xf32>, vector<16xi32> -> vector<16xf32>
        %select_n3A_548 = arith.select %lt3A_4, %masked_sort3A_511, %rev3A_547 : vector<16xi1>, vector<16xf32>
        %masked_sort3A_549 = arith.constant dense<true> : vector<16xi1>
        %masked_sort3A_550, %masked_sort3A_551, %masked_sort3A_552 = tpu.sort %select_n3A_548, %select_n3A_548 masked %masked_sort3A_549 {descending = true} : (vector<16xf32>, vector<16xf32>, vector<16xi1>) -> (vector<16xi1>, vector<16xf32>, vector<16xf32>)
        %rev3A_553 = arith.constant 15 : i32
        %rev3A_554 = vector.broadcast %rev3A_553 : i32 to vector<16xi32>
        %rev3A_555 = tpu.iota {dimensions = array<i32: 0>} : vector<16xi32>
        %rev3A_556 = arith.subi %rev3A_554, %rev3A_555 : vector<16xi32>
        %rev3A_557 = tpu.dynamic_gather %masked_sort3A_541[%rev3A_556] in [0] : vector<16xf32>, vector<16xi32> -> vector<16xf32>
        %select_n3A_558 = arith.select %lt3A_4, %masked_sort3A_531, %rev3A_557 : vector<16xi1>, vector<16xf32>
        %masked_sort3A_559 = arith.constant dense<true> : vector<16xi1>
        %masked_sort3A_560, %masked_sort3A_561, %masked_sort3A_562 = tpu.sort %select_n3A_558, %select_n3A_558 masked %masked_sort3A_559 {descending = true} : (vector<16xf32>, vector<16xf32>, vector<16xi1>) -> (vector<16xi1>, vector<16xf32>, vector<16xf32>)
        %rev3A_563 = arith.constant 15 : i32
        %rev3A_564 = vector.broadcast %rev3A_563 : i32 to vector<16xi32>
        %rev3A_565 = tpu.iota {dimensions = array<i32: 0>} : vector<16xi32>
        %rev3A_566 = arith.subi %rev3A_564, %rev3A_565 : vector<16xi32>
        %rev3A_567 = tpu.dynamic_gather %masked_sort3A_561[%rev3A_566] in [0] : vector<16xf32>, vector<16xi32> -> vector<16xf32>
        %select_n3A_568 = arith.select %lt3A_4, %masked_sort3A_551, %rev3A_567 : vector<16xi1>, vector<16xf32>
        %masked_sort3A_569 = arith.constant dense<true> : vector<16xi1>
        %masked_sort3A_570, %masked_sort3A_571, %masked_sort3A_572 = tpu.sort %select_n3A_568, %select_n3A_568 masked %masked_sort3A_569 {descending = true} : (vector<16xf32>, vector<16xf32>, vector<16xi1>) -> (vector<16xi1>, vector<16xf32>, vector<16xf32>)
        scf.yield %masked_sort3A_571 : vector<16xf32>
      } else {
        scf.yield %masked_sort3A_425 : vector<16xf32>
      }
      %mul3A_448 = arith.constant 8 : i32
      %mul3A_449 = arith.muli %add3A_374, %mul3A_448 : i32
      %swap3A_450 = arith.index_cast %mul3A_449 : i32 to index
      %swap3A_451 = tpu.vector_load %arg9[%swap3A_450] masked %lt3A_4 {strides = array<i32>} : memref<776xf32, #tpu.memory_space<vmem>>, vector<16xf32>, vector<16xi1>
      tpu.vector_store %arg9[%swap3A_450], %cond3A_447 masked %lt3A_4 {strides = array<i32>} : memref<776xf32, #tpu.memory_space<vmem>>, vector<16xf32>, vector<16xi1>
      %add3A_452 = arith.constant 3 : i32
      %add3A_453 = arith.addi %mul3A_71, %add3A_452 : i32
      %add3A_454 = arith.constant 4 : i32
      %add3A_455 = arith.addi %add3A_453, %add3A_454 : i32
      %min3A_456 = arith.constant 95 : i32
      %min3A_457 = arith.minsi %add3A_455, %min3A_456 : i32
      %add3A_458 = arith.addi %mul3A_2, %min3A_457 : i32
      %dma_start3A_459 = arith.constant 0 : i32
      %dma_start3A_460 = tpu.memref_slice %arg2[%add3A_458, %dma_start3A_459] : memref<3072x8192xf32, #tpu.memory_space<hbm>> -> memref<1x8192xf32, #tpu.memory_space<hbm>>
      %dma_start3A_461 = tpu.memref_squeeze %dma_start3A_460 : memref<1x8192xf32, #tpu.memory_space<hbm>> -> memref<8192xf32, #tpu.memory_space<hbm>>
      %dma_start3A_462 = arith.constant 0 : i32
      %dma_start3A_463 = tpu.memref_slice %arg2[%add3A_458, %dma_start3A_462] : memref<3072x8192xf32, #tpu.memory_space<hbm>> -> memref<1x8192xf32, #tpu.memory_space<hbm>>
      %dma_start3A_464 = tpu.memref_squeeze %dma_start3A_463 : memref<1x8192xf32, #tpu.memory_space<hbm>> -> memref<8192xf32, #tpu.memory_space<hbm>>
      tpu.enqueue_dma source(%dma_start3A_464 : memref<8192xf32, #tpu.memory_space<hbm>>) target(%arg7 : memref<8192xf32, #tpu.memory_space<vmem>>) target_semaphore(%arg13 : memref<!tpu.dma_semaphore, #tpu.memory_space<semaphore_mem>>)
    }
    %scan3A_43 = arith.constant 24 : i32
    %dma_wait3A = arith.constant 0 : i32
    %dma_wait3A_44 = tpu.memref_slice %arg2[%mul3A_2, %dma_wait3A] : memref<3072x8192xf32, #tpu.memory_space<hbm>> -> memref<1x8192xf32, #tpu.memory_space<hbm>>
    %dma_wait3A_45 = tpu.memref_squeeze %dma_wait3A_44 : memref<1x8192xf32, #tpu.memory_space<hbm>> -> memref<8192xf32, #tpu.memory_space<hbm>>
    %dma_wait3A_46 = arith.constant 0 : i32
    %dma_wait3A_47 = tpu.memref_slice %arg2[%mul3A_2, %dma_wait3A_46] : memref<3072x8192xf32, #tpu.memory_space<hbm>> -> memref<1x8192xf32, #tpu.memory_space<hbm>>
    %dma_wait3A_48 = tpu.memref_squeeze %dma_wait3A_47 : memref<1x8192xf32, #tpu.memory_space<hbm>> -> memref<8192xf32, #tpu.memory_space<hbm>>
    tpu.wait_dma2 semaphore(%arg10 : memref<!tpu.dma_semaphore, #tpu.memory_space<semaphore_mem>>) src(%dma_wait3A_48 : memref<8192xf32, #tpu.memory_space<hbm>>) dst(%arg4 : memref<8192xf32, #tpu.memory_space<vmem>>)
    %dma_wait3A_49 = arith.constant 0 : i32
    %dma_wait3A_50 = tpu.memref_slice %arg2[%mul3A_2, %dma_wait3A_49] : memref<3072x8192xf32, #tpu.memory_space<hbm>> -> memref<1x8192xf32, #tpu.memory_space<hbm>>
    %dma_wait3A_51 = tpu.memref_squeeze %dma_wait3A_50 : memref<1x8192xf32, #tpu.memory_space<hbm>> -> memref<8192xf32, #tpu.memory_space<hbm>>
    %dma_wait3A_52 = arith.constant 0 : i32
    %dma_wait3A_53 = tpu.memref_slice %arg2[%mul3A_2, %dma_wait3A_52] : memref<3072x8192xf32, #tpu.memory_space<hbm>> -> memref<1x8192xf32, #tpu.memory_space<hbm>>
    %dma_wait3A_54 = tpu.memref_squeeze %dma_wait3A_53 : memref<1x8192xf32, #tpu.memory_space<hbm>> -> memref<8192xf32, #tpu.memory_space<hbm>>
    tpu.wait_dma2 semaphore(%arg11 : memref<!tpu.dma_semaphore, #tpu.memory_space<semaphore_mem>>) src(%dma_wait3A_54 : memref<8192xf32, #tpu.memory_space<hbm>>) dst(%arg5 : memref<8192xf32, #tpu.memory_space<vmem>>)
    %dma_wait3A_55 = arith.constant 0 : i32
    %dma_wait3A_56 = tpu.memref_slice %arg2[%mul3A_2, %dma_wait3A_55] : memref<3072x8192xf32, #tpu.memory_space<hbm>> -> memref<1x8192xf32, #tpu.memory_space<hbm>>
    %dma_wait3A_57 = tpu.memref_squeeze %dma_wait3A_56 : memref<1x8192xf32, #tpu.memory_space<hbm>> -> memref<8192xf32, #tpu.memory_space<hbm>>
    %dma_wait3A_58 = arith.constant 0 : i32
    %dma_wait3A_59 = tpu.memref_slice %arg2[%mul3A_2, %dma_wait3A_58] : memref<3072x8192xf32, #tpu.memory_space<hbm>> -> memref<1x8192xf32, #tpu.memory_space<hbm>>
    %dma_wait3A_60 = tpu.memref_squeeze %dma_wait3A_59 : memref<1x8192xf32, #tpu.memory_space<hbm>> -> memref<8192xf32, #tpu.memory_space<hbm>>
    tpu.wait_dma2 semaphore(%arg12 : memref<!tpu.dma_semaphore, #tpu.memory_space<semaphore_mem>>) src(%dma_wait3A_60 : memref<8192xf32, #tpu.memory_space<hbm>>) dst(%arg6 : memref<8192xf32, #tpu.memory_space<vmem>>)
    %dma_wait3A_61 = arith.constant 0 : i32
    %dma_wait3A_62 = tpu.memref_slice %arg2[%mul3A_2, %dma_wait3A_61] : memref<3072x8192xf32, #tpu.memory_space<hbm>> -> memref<1x8192xf32, #tpu.memory_space<hbm>>
    %dma_wait3A_63 = tpu.memref_squeeze %dma_wait3A_62 : memref<1x8192xf32, #tpu.memory_space<hbm>> -> memref<8192xf32, #tpu.memory_space<hbm>>
    %dma_wait3A_64 = arith.constant 0 : i32
    %dma_wait3A_65 = tpu.memref_slice %arg2[%mul3A_2, %dma_wait3A_64] : memref<3072x8192xf32, #tpu.memory_space<hbm>> -> memref<1x8192xf32, #tpu.memory_space<hbm>>
    %dma_wait3A_66 = tpu.memref_squeeze %dma_wait3A_65 : memref<1x8192xf32, #tpu.memory_space<hbm>> -> memref<8192xf32, #tpu.memory_space<hbm>>
    tpu.wait_dma2 semaphore(%arg13 : memref<!tpu.dma_semaphore, #tpu.memory_space<semaphore_mem>>) src(%dma_wait3A_66 : memref<8192xf32, #tpu.memory_space<hbm>>) dst(%arg7 : memref<8192xf32, #tpu.memory_space<vmem>>)
    %mul3A_67 = arith.constant 8 : i32
    %mul3A_68 = arith.muli %mul3A_2, %mul3A_67 : i32
    "tpu.region"() ({
      %run_scoped3A = tpu.sem_alloc : memref<!tpu.dma_semaphore, #tpu.memory_space<semaphore_mem>>
      %dma_start3A_69 = arith.constant 0 : i32
      %dma_start3A_70 = tpu.memref_slice %arg9[%dma_start3A_69] : memref<776xf32, #tpu.memory_space<vmem>> -> memref<768xf32, #tpu.memory_space<vmem>>
      %dma_start3A_71 = tpu.memref_slice %arg3[%mul3A_68] : memref<24576xf32, #tpu.memory_space<hbm>> -> memref<768xf32, #tpu.memory_space<hbm>>
      %dma_start3A_72 = tpu.memref_slice %arg3[%mul3A_68] : memref<24576xf32, #tpu.memory_space<hbm>> -> memref<768xf32, #tpu.memory_space<hbm>>
      %dma_start3A_73 = arith.constant 0 : i32
      %dma_start3A_74 = tpu.memref_slice %arg9[%dma_start3A_73] : memref<776xf32, #tpu.memory_space<vmem>> -> memref<768xf32, #tpu.memory_space<vmem>>
      tpu.enqueue_dma source(%dma_start3A_74 : memref<768xf32, #tpu.memory_space<vmem>>) target(%dma_start3A_72 : memref<768xf32, #tpu.memory_space<hbm>>) target_semaphore(%run_scoped3A : memref<!tpu.dma_semaphore, #tpu.memory_space<semaphore_mem>>)
      %dma_wait3A_75 = arith.constant 0 : i32
      %dma_wait3A_76 = tpu.memref_slice %arg9[%dma_wait3A_75] : memref<776xf32, #tpu.memory_space<vmem>> -> memref<768xf32, #tpu.memory_space<vmem>>
      %dma_wait3A_77 = tpu.memref_slice %arg3[%mul3A_68] : memref<24576xf32, #tpu.memory_space<hbm>> -> memref<768xf32, #tpu.memory_space<hbm>>
      %dma_wait3A_78 = tpu.memref_slice %arg3[%mul3A_68] : memref<24576xf32, #tpu.memory_space<hbm>> -> memref<768xf32, #tpu.memory_space<hbm>>
      %dma_wait3A_79 = arith.constant 0 : i32
      %dma_wait3A_80 = tpu.memref_slice %arg9[%dma_wait3A_79] : memref<776xf32, #tpu.memory_space<vmem>> -> memref<768xf32, #tpu.memory_space<vmem>>
      tpu.wait_dma2 semaphore(%run_scoped3A : memref<!tpu.dma_semaphore, #tpu.memory_space<semaphore_mem>>) src(%dma_wait3A_80 : memref<768xf32, #tpu.memory_space<vmem>>) dst(%dma_wait3A_78 : memref<768xf32, #tpu.memory_space<hbm>>)
      tpu.yield
    }) : () -> ()
    return
  }
}

</mosaic_0001>

<sc_bundles>
// kernel: kernel.3.cloned.1.call-start
scs
__scs_entry_jumppad:
0x0: {  	(pc) =	sbr.rel $0x88, $3  }
0x1: {  	(tag) =	ssettag $0x0;
	lr =	simm.s32 $0x1  }
0x2: {  	[smem:$0x3FA0] =	sst lr;
	_ =	strace $0xD0000000  }
0x3: {  	_ = 	snop  }
0x4: {  	_ = 	snop  }
0x5: {  	_ = 	snop  }
0x6: {  	_ = 	snop  }
0x7: {  	_ = 	snop  }
__scs_overlays_trampoline_lowered:
0x8: {  	[smem:$0x3FAF] =	sst s0  }
0x9: {  	[smem:$0x3FB0] =	sst s1  }
0xa: {  	[smem:$0x3FB1] =	sst s2  }
0xb: {  	[smem:$0x3FB2] =	sst s3  }
0xc: {  	[smem:$0x3FB3] =	sst s4  }
0xd: {  	[smem:$0x3FB4] =	sst s5  }
0xe: {  	[smem:$0x3FB5] =	sst s6  }
0xf: {  	[smem:$0x3FB6] =	sst s7  }
0x10: {  	[smem:$0x3FB7] =	sst s8  }
0x11: {  	[smem:$0x3FB8] =	sst s9;
	s0 =	simm.s32 @!p0 $0x0  }
0x12: {  	s1 =	sld [smem:$0x3F9E];
	s0 =	simm.s32 @p0 $0x1  }
0x13: {  	[smem:$0x3FB9] =	sst s0;
	s0 =	simm.s32 @!p1 $0x0  }
0x14: {  	s2 =	sld [smem:$0x3F9D];
	s0 =	simm.s32 @p1 $0x1  }
0x15: {  	[smem:$0x3FBA] =	sst s0;
	s0 =	simm.s32 @!p2 $0x0  }
0x16: {  	s3 =	sld [smem:$0x3FDB];
	s0 =	simm.s32 @p2 $0x1  }
0x17: {  	s4 =	simm.s32 $0x1BF5;
	[smem:$0x3FBC] =	sst s0  }
0x18: {  	s0 =	sld [smem:$0x3F9F];
	_ =	swait.ge [sflag:s4], $0x0  }
0x19: {  	s7 =	sld [smem:$0x3FA0]  }
0x1a: {  	s8 =	sadd.s32 $0xFFFFE003, lr  }
0x1b: {  	s9 =	sadd.s32 $0xFFFFFEF7, lr;
	s5 =	simm.s32 $0xFFFFFFFF;
	p2 =	slt.u32 s8, $0xFFFFF086  }
0x1c: {  	p1 =	slt.u32 s9, $0xF7A;
	s5 =	simm.s32 @!p2 $0x0  }
0x1d: {  	s5 =	simm.s32 @p1 $0x1;
	p0 =	seq.s32 s7, s2  }
0x1e: {  	s7 =	smul.u32 @!p0 $0xF7A, s2;
	p2 =	seq.s32 @!p0 s5, $0x0  }
0x1f: {  	s9 =	smul.u32 $0xF7A, s1;
	s8 =	simm.s32 @!p0 $0x1BF5;
	p2 =	por !p2, p0  }
0x20: {  	[sflag:s8] =	ssyncset.s32 @!p0 $0xFFFFF086;
	s6 =	sadd.s32 @!p0 s3, s7;
	s7 =	simm.s32 @!p0 $0x108  }
0x21: {  	s3 =	sadd.s32 s3, s9;
	s6 =	sadd.s32 @!p0 $0x88, s6;
	s7 =	simm.s32 @p2 $0x1082  }
0x22: {  	[simem:s7], [sflag:s8] =	dma.local @!p0 [hbm:s6], $0xF7A  }
0x23: {  	s9 =	sor.u32 $0xD0000000, s2;
	s6 =	simm.s32 $0x108;
	_ =	swait.ge @!p0 [sflag:s8], $0x0  }
0x24: {  	s3 =	sadd.s32 $0x88, s3;
	s6 =	simm.s32 @!p1 $0x1082;
	[sflag:s4] =	ssyncset.s32 $0xFFFFF086  }
0x25: {  	[simem:s6], [sflag:s4] =	dma.local [hbm:s3], $0xF7A  }
0x26: {  	[smem:$0x3FA0] =	sst s1;
	(tag) =	ssettag s2;
	_ =	strace s9  }
0x27: {  	s1 =	sld [smem:$0x3FB0]  }
0x28: {  	s2 =	sld [smem:$0x3FB1]  }
0x29: {  	s4 =	sld [smem:$0x3FB3]  }
0x2a: {  	p0 =	seq.s32 s5, $0x0;
	s5 =	sld [smem:$0x3FB4]  }
0x2b: {  	s6 =	sld [smem:$0x3FB5]  }
0x2c: {  	s7 =	sld [smem:$0x3FB6]  }
0x2d: {  	s3 =	simm.s32 $0x108;
	s8 =	sld [smem:$0x3FB7]  }
0x2e: {  	s3 =	simm.s32 @!p0 $0x1082;
	s9 =	sld [smem:$0x3FB8]  }
0x2f: {  	lr =	sadd.s32 s0, s3;
	s0 =	sld [smem:$0x3FAF]  }
0x30: {  	s3 =	sld [smem:$0x3FB2]  }
0x31: {  	[smem:$0x3FBB] =	sst s10  }
0x32: {  	s10 =	sld [smem:$0x3FB9];
	_ =	sdelay $0x3  }
0x33: {  	p0 =	seq.s32 s10, $0x1;
	s10 =	sld [smem:$0x3FBB];
	_ =	sdelay $0x3  }
0x34: {  	[smem:$0x3FBB] =	sst s10  }
0x35: {  	s10 =	sld [smem:$0x3FBA];
	_ =	sdelay $0x3  }
0x36: {  	p1 =	seq.s32 s10, $0x1;
	s10 =	sld [smem:$0x3FBB];
	_ =	sdelay $0x3  }
0x37: {  	[smem:$0x3FBB] =	sst s10  }
0x38: {  	s10 =	sld [smem:$0x3FBC]  }
0x39: {  	_ = 	snop;
	(pc) =	sbr.ind lr, $3  }
0x3a: {  	_ = 	snop  }
0x3b: {  	_ = 	snop  }
0x3c: {  	p2 =	seq.s32 s10, $0x1;
	s10 =	sld [smem:$0x3FBB]  }
0x3d: {  	_ =	shalt  }
0x3e: {  	_ =	shalt  }
0x3f: {  	_ =	shalt  }
0x40: {  	_ =	shalt  }
0x41: {  	_ =	shalt  }
0x42: {  	_ =	shalt  }
0x43: {  	_ =	shalt  }
0x44: {  	_ =	shalt  }
0x45: {  	_ =	shalt  }
0x46: {  	_ =	shalt  }
0x47: {  	_ =	shalt  }
0x48: {  	_ =	shalt  }
0x49: {  	_ =	shalt  }
0x4a: {  	_ =	shalt  }
0x4b: {  	_ =	shalt  }
0x4c: {  	_ =	shalt  }
0x4d: {  	_ =	shalt  }
0x4e: {  	_ =	shalt  }
0x4f: {  	_ =	shalt  }
0x50: {  	_ =	shalt  }
0x51: {  	_ =	shalt  }
0x52: {  	_ =	shalt  }
0x53: {  	_ =	shalt  }
0x54: {  	_ =	shalt  }
0x55: {  	_ =	shalt  }
0x56: {  	_ =	shalt  }
0x57: {  	_ =	shalt  }
0x58: {  	_ =	shalt  }
0x59: {  	_ =	shalt  }
0x5a: {  	_ =	shalt  }
0x5b: {  	_ =	shalt  }
0x5c: {  	_ =	shalt  }
0x5d: {  	_ =	shalt  }
0x5e: {  	_ =	shalt  }
0x5f: {  	_ =	shalt  }
0x60: {  	_ =	shalt  }
0x61: {  	_ =	shalt  }
0x62: {  	_ =	shalt  }
0x63: {  	_ =	shalt  }
0x64: {  	_ =	shalt  }
0x65: {  	_ =	shalt  }
0x66: {  	_ =	shalt  }
0x67: {  	_ =	shalt  }
0x68: {  	_ =	shalt  }
0x69: {  	_ =	shalt  }
0x6a: {  	_ =	shalt  }
0x6b: {  	_ =	shalt  }
0x6c: {  	_ =	shalt  }
0x6d: {  	_ =	shalt  }
0x6e: {  	_ =	shalt  }
0x6f: {  	_ =	shalt  }
0x70: {  	_ =	shalt  }
0x71: {  	_ =	shalt  }
0x72: {  	_ =	shalt  }
0x73: {  	_ =	shalt  }
0x74: {  	_ =	shalt  }
0x75: {  	_ =	shalt  }
0x76: {  	_ =	shalt  }
0x77: {  	_ =	shalt  }
0x78: {  	_ =	shalt  }
0x79: {  	_ =	shalt  }
0x7a: {  	_ =	shalt  }
0x7b: {  	_ =	shalt  }
0x7c: {  	_ =	shalt  }
0x7d: {  	_ =	shalt  }
0x7e: {  	_ =	shalt  }
0x7f: {  	_ =	shalt  }
0x80: {  	_ =	shalt  }
0x81: {  	_ =	shalt  }
0x82: {  	_ =	shalt  }
0x83: {  	_ =	shalt  }
0x84: {  	_ =	shalt  }
0x85: {  	_ =	shalt  }
0x86: {  	_ =	shalt  }
0x87: {  	_ =	shalt  }
.Lfunc_end0:
.L_simem_size_0:
called_computation_lowered:
.L_overlay_start_0:
0x88: {  	s2 =	sld [smem:$0x3FD9]  }
0x89: {  	s3 =	sld [smem:$0x3FFE];
	_ =	sdelay $0x1  }
0x8a: {  	s1 =	srdreg.scid  }
0x8b: {  	s0 =	sand.u32 $0x1, s1  }
0x8c: {  	s18 =	sshll.u32 s0, $0xA;
	s2 =	sadd.s32 s3, s2  }
0x8d: {  	s2 =	sadd.s32 s2, s18  }
0x8e: {  	[smem:$0x3FC7] =	sst s2  }
0x8f: {  	_ = 	snop  }
0x90: {  	s2 =	sld [smem:$0x3FC9]  }
0x91: {  	s19 =	sld [smem:$0x3FD0];
	(tm) =	ssettm $0x1  }
0x92: {  	s4 =	sld [smem:$0x3FFB];
	_ =	sdelay $0x3  }
0x93: {  	_ =	strace s4  }
0x94: {  	s4 =	sld [smem:$0x3FFC];
	_ =	sdelay $0x3  }
0x95: {  	_ =	strace s4  }
0x96: {  	s4 =	sld [smem:$0x3FFD];
	_ =	sdelay $0x3  }
0x97: {  	_ =	strace s4  }
0x98: {  	_ =	strace $0x8FFFFFFF  }
0x99: {  	s20 =	sld [smem:$0x3FDB];
	_ =	sdelay $0x1  }
0x9a: {  	s5 =	simm.s32 $_scs_section_size  }
0x9b: {  	s6 =	simm.s32 $_size__tile_overlayer_lowered;
	s7 =	simm.s32 $_tile_overlayer_lowered  }
0x9c: {  	s23 =	simm.s32 $0x1BFF;
	s22 =	sshll.u32 s7, $0x1;
	s4 =	sadd.s32 s5, s20  }
0x9d: {  	s8 =	simm.s32 $0x0;
	s21 =	sshll.u32 s6, $0x1;
	s6 =	sadd.s32 s22, s4  }
0x9e: {  	[timem:s8], [sflag:s23] =	dma.local [hbm:s6], s21  }
0x9f: {  	_ =	swait.ge [sflag:s23], s21  }
0xa0: {  	s5 =	ssub.s32 $0x0, s21;
	[sflag:s23] =	ssyncset.done $0x0  }
0xa1: {  	[sflag:s23] =	ssyncadd.s32 s5;
	_ =	sdelay $0x1  }
0xa2: {  	s24 =	simm.s32 $0x1B8B  }
0xa3: {  	_ =	swait.ge [sflag:s24], $0x1  }
0xa4: {  	[sflag:s24] =	ssyncset.done $0x0  }
0xa5: {  	s25 =	simm.s32 $0x1B8E;
	[sflag:s24] =	ssyncadd.s32 $0xFFFFFFFF  }
0xa6: {  	s26 =	simm.s32 $execute0_lowered;
	[smem:$0x3FD2] =	sst s25  }
0xa7: {  	s5 =	sshll.u32 s26, $0x1;
	_ =	strace $0x80000046;
	[dreg:$0x1] =	wrdreg $0xFFFFFFFF  }
0xa8: {  	s28 =	simm.s32 $_size_execute0_lowered;
	s4 =	sadd.s32 s4, s5;
	[dreg:$0x0] =	wrdreg $0x0  }
0xa9: {  	s5 =	sshll.u32 s28, $0x1;
	[dreg:$0x2] =	wrdreg s4  }
0xaa: {  	[dreg:$0x3] =	wrdreg s5  }
0xab: {  	[dreg:$0x4] =	wrdreg $0xC0  }
0xac: {  	_ =	task [dreg:s8], $0x5FFFF  }
0xad: {  	[dreg:$0x1] =	wrdreg $0xFFFFFFFF  }
0xae: {  	[dreg:$0x0] =	wrdreg $0x60  }
0xaf: {  	[dreg:$0x2] =	wrdreg s2  }
0xb0: {  	[dreg:$0x3] =	wrdreg s19  }
0xb1: {  	[dreg:$0x4] =	wrdreg $0x9  }
0xb2: {  	_ =	task.clear_ibuf [dreg:s8], $0x5FFFF;
	_ =	strace $0x90000046  }
0xb3: {  	s29 =	simm.s32 $0x9;
	_ =	strace $0x80000048  }
0xb4: {  	_ =	swait.ge [sflag:s29], $0x1  }
0xb5: {  	[sflag:s29] =	ssyncadd.s32 $0xFFFFFFFF  }
0xb6: {  	_ =	strace $0x90000048  }
0xb7: {  	_ =	sfence  }
0xb8: {  	s30 =	sld [smem:$0x0];
	_ =	sdelay $0x2  }
0xb9: {  	s31 =	sshll.u32 s1, $0xD;
	s1 =	sshrl.u32 s1, $0x2  }
0xba: {  	s3 =	sand.u32 $0x4000, s31;
	s1 =	sadd.s32 s1, s30  }
0xbb: {  	s0 =	sor.u32 s3, s0;
	s1 =	sshll.u32 s1, $0x11  }
0xbc: {  	s0 =	sor.u32 s1, s0  }
0xbd: {  	s0 =	sadd.s32 $0x8F2B, s0  }
0xbe: {  	[sflag:s0] =	ssyncadd.remote.s32 $0x1  }
0xbf: {  	_ =	sfence.sel $0xFFFF  }
0xc0: {  	[dreg:$0x0] =	wrdreg $0xFFFFFFFF;
	(pc) =	sbr.abs _section_cstart, $3  }
0xc1: {  	[dreg:$0x1] =	wrdreg $0xFFFFFFFF  }
0xc2: {  	_ =	task.clear_ibuf [dreg:s8], $0x2FFFF;
	_ =	strace $0x9FFFFFFF  }
0xc3: {  	(tm) =	ssettm $0x7FFFFFFF  }
tec
execute0_lowered:
.L_overlay_start_1:
0x0: {  	(tag) =	ssettag $0x1  }
0x1: {  	s2 =	rddreg [dreg:$0x0]  }
0x2: {  	s1 =	srdreg.scid;
	s0 =	stileid.u32  }
0x3: {  	s9 =	rddreg [dreg:$0x1];
	s3 =	simm.s32 $0x0;
	s11 =	simm.s32 $0x80  }
0x4: {  	s12 =	simm.s32 $0x400;
	s13 =	simm.s32 $0x2000;
	s14 =	simm.s32 $0x4000  }
0x5: {  	s15 =	simm.s32 $0x6000;
	s16 =	simm.s32 $0x1;
	s17 =	simm.s32 $0x8000  }
0x6: {  	s18 =	simm.s32 $0x2;
	s4 =	sand.u32 $0x1, s1;
	s5 =	sshll.u32 s0, $0x1  }
0x7: {  	s19 =	simm.s32 $0x3;
	s20 =	simm.s32 $0x4;
	s5 =	sor.u32 s4, s5  }
0x8: {  	s21 =	simm.s32 $0x8080;
	s22 =	simm.s32 $0x5;
	s6 =	smul.u32 $0x18000, s5  }
.Ltmp0:
0x9: {  	s1 =	rddreg [dreg:$0x2];
	s4 =	ssub.s32 $0x2, s4;
	(pc) =	sbr.rel .LBB2_1-.Ltmp0, $4  }
0xa: {  	v0 =	vlaneseq.u32;
	s23 =	simm.s32 $0x0;
	[smem:$0x7FF] =	sst s3;
	s7 =	sshrl.u32 s4, $0x1  }
0xb: {  	v0 =	vmul.u32 $0xFFFFFFFF, v0;
	s10 =	ssub.s32 s4, s7;
	s4 =	smul.u32 $0x60, s5;
	s5 =	sadd.s32 s2, s6  }
0xc: {  	vm0 =	vmmov $0xff;
	_ =	strace $0x80000047;
	s10 =	smax.u32 s10, $0x1;
	s6 =	sadd.s32 $0x10, s5  }
0xd: {  	v1 =	vimm.s32 $0x7;
	v2 =	vimm.f32 $0.0e+00;
	v0 =	vadd.s32 $0xF, v0;
	s7 =	sadd.s32 $0x20, s5;
	s8 =	sadd.s32 $0x30, s5;
	s9 =	sadd.s32 s9, s4  }
.LBB2_27:
0xe: {  	_ =	swait.ge [sflag:s16], $0x2000  }
0xf: {  	[sflag:s16] =	ssyncset.done $0x0  }
0x10: {  	[sflag:s16] =	ssyncadd.s32 $0xFFFFE000  }
0x11: {  	_ =	swait.ge [sflag:s18], $0x2000  }
0x12: {  	[sflag:s18] =	ssyncset.done $0x0  }
0x13: {  	[sflag:s18] =	ssyncadd.s32 $0xFFFFE000  }
0x14: {  	_ =	swait.ge [sflag:s19], $0x2000  }
0x15: {  	[sflag:s19] =	ssyncset.done $0x0  }
0x16: {  	[sflag:s19] =	ssyncadd.s32 $0xFFFFE000  }
0x17: {  	s23 =	sadd.s32 $0x1, s23;
	_ =	swait.ge [sflag:s20], $0x2000  }
0x18: {  	p0 =	sne.s32 s23, s10;
	[sflag:s20] =	ssyncset.done $0x0  }
.Ltmp1:
0x19: {  	[sflag:s20] =	ssyncadd.s32 $0xFFFFE000;
	(pc) =	sbr.rel @!p0 .LBB2_28-.Ltmp1, $4  }
0x1a: {  	[hbm4b:s9+s3] =	stream.linear.scatter [tilespmem:s21], [sflag:$0x5], $0x300, $0x38;
	[tilespmem:$0x8400] =	vst v63  }
0x1b: {  	_ =	swait.ge [sflag:s22], $0x300  }
0x1c: {  	[sflag:s22] =	ssyncset.done $0x0  }
0x1d: {  	[sflag:s22] =	ssyncadd.s32 $0xFFFFFD00  }
.LBB2_1:
0x1e: {  	[tilespmem:s3], [sflag:$0x1] =	stream.strided.gather [hbm4b:s5+s11], $0x2000, s12, s11, $0x38;
	[tilespmem:$0x8400] =	vst v63  }
0x1f: {  	_ = 	snop  }
0x20: {  	[tilespmem:s13], [sflag:$0x2] =	stream.strided.gather [hbm4b:s6+s11], $0x2000, s12, s11, $0x38;
	[tilespmem:$0x8400] =	vst v63  }
.Ltmp2:
0x21: {  	_ = 	snop;
	(pc) =	sbr.rel .LBB2_2-.Ltmp2, $4  }
0x22: {  	_ = 	snop  }
0x23: {  	[tilespmem:s14], [sflag:$0x3] =	stream.strided.gather [hbm4b:s7+s11], $0x2000, s12, s11, $0x38;
	[tilespmem:$0x8400] =	vst v63  }
0x24: {  	s24 =	simm.s32 $0x0  }
0x25: {  	[tilespmem:s15], [sflag:$0x4] =	stream.strided.gather [hbm4b:s8+s11], $0x2000, s12, s11, $0x38;
	[tilespmem:$0x8400] =	vst v63  }
.LBB2_26:
0x26: {  	s25 =	smin.u32 s25, $0x58;
	s24 =	sadd.s32 $0x1, s24  }
0x27: {  	s25 =	sadd.s32 $0x7, s25;
	p0 =	sne.s32 s24, $0x18  }
.Ltmp3:
0x28: {  	s28 =	sadd.s32 s4, s25;
	s25 =	sshll.u32 s25, $0x4;
	(pc) =	sbr.rel @!p0 .LBB2_27-.Ltmp3, $4  }
0x29: {  	s28 =	sshll.u32 s28, $0xA;
	s25 =	sand.u32 $0x70, s25  }
0x2a: {  	s28 =	sand.u32 $0x7FE000, s28;
	s25 =	sadd.s32 s2, s25  }
0x2b: {  	[tilespmem:s26+$0x8098] =	vst.msk $0xff, v3;
	s25 =	sadd.s32 s28, s25  }
0x2c: {  	[tilespmem:s15], [sflag:$0x4] =	stream.strided.gather [hbm4b:s25+s11], $0x2000, s12, s11, $0x38;
	[tilespmem:$0x8400] =	vst v63  }
.LBB2_2:
0x2d: {  	_ =	swait.ge [sflag:s16], $0x2000  }
0x2e: {  	[sflag:s16] =	ssyncset.done $0x0  }
0x2f: {  	s25 =	simm.s32 $0x0;
	[sflag:s16] =	ssyncadd.s32 $0xFFFFE000  }
0x30: {  	v3 =	vld [tilespmem:s25+$0x50]  }
0x31: {  	v5 =	vld [tilespmem:s25+$0x30]  }
0x32: {  	v4 =	vld [tilespmem:s25+$0xD0]  }
0x33: {  	v7 =	vld [tilespmem:s25+$0xF0]  }
0x34: {  	v8 =	vld [tilespmem:s25+$0x90]  }
0x35: {  	v9 =	vld [tilespmem:s25+$0x70]  }
0x36: {  	v11 =	vld [tilespmem:s25+$0xA0]  }
0x37: {  	v10 =	vld [tilespmem:s25+$0x10]  }
0x38: {  	v12 =	vld [tilespmem:s25+$0x40]  }
0x39: {  	v13 =	vld [tilespmem:s25+$0x80]  }
0x3a: {  	v14 =	vld [tilespmem:s25+$0x0]  }
0x3b: {  	v15 =	vld [tilespmem:s25+$0xE0]  }
0x3c: {  	v16 =	vld [tilespmem:s25+$0x20]  }
0x3d: {  	v17 =	vld [tilespmem:s25+$0xB0]  }
0x3e: {  	v18 =	vld [tilespmem:s25+$0xC0]  }
0x3f: {  	v19 =	vld [tilespmem:s25+$0x60]  }
0x40: {  	v6 =	vimm.f32 $-Inf;
	v20 =	vmin.f32 v12, v3;
	v21 =	vmax.f32 v13, v8  }
0x41: {  	v22 =	vmax.f32 v14, v10;
	v10 =	vmin.f32 v14, v10;
	v13 =	vmin.f32 v13, v8  }
0x42: {  	s26 =	simm.s32 $0x100;
	v8 =	vmin.f32 v15, v7;
	v14 =	vmin.f32 v16, v5;
	v24 =	vmin.f32 v11, v17  }
0x43: {  	v28 =	vld [tilespmem:s26+$0x10];
	v23 =	vmin.f32 v18, v4;
	v18 =	vmax.f32 v18, v4;
	v12 =	vmax.f32 v12, v3  }
0x44: {  	v29 =	vld [tilespmem:s26+$0x80];
	v25 =	vmax.f32 v19, v9;
	v7 =	vmax.f32 v15, v7;
	v5 =	vmax.f32 v16, v5  }
0x45: {  	v27 =	vld [tilespmem:s26+$0xE0];
	v9 =	vmin.f32 v19, v9;
	v11 =	vmax.f32 v11, v17;
	v14 =	vmax.f32 v10, v14  }
0x46: {  	v4 =	vld [tilespmem:s26+$0x30];
	v15 =	vmax.f32 v23, v8;
	v23 =	vmax.f32 v12, v25;
	v26 =	vmax.f32 v18, v7  }
0x47: {  	v3 =	vld [tilespmem:s26+$0xD0];
	v7 =	vmin.f32 v18, v7;
	v16 =	vmax.f32 v22, v5;
	v9 =	vmax.f32 v20, v9  }
0x48: {  	v19 =	vld [tilespmem:s26+$0x40];
	v18 =	vmax.f32 v21, v11;
	v5 =	vmin.f32 v22, v5;
	v12 =	vmin.f32 v12, v25  }
0x49: {  	v10 =	vld [tilespmem:s26+$0x50];
	v13 =	vmax.f32 v13, v24;
	v11 =	vmin.f32 v21, v11;
	v17 =	vmax.f32 v16, v23  }
0x4a: {  	v8 =	vld [tilespmem:s26+$0xF0];
	v7 =	vmax.f32 v7, v15;
	v15 =	vmin.f32 v16, v23;
	v5 =	vmax.f32 v5, v14  }
0x4b: {  	v20 =	vld [tilespmem:s26+$0x90];
	v9 =	vmax.f32 v12, v9;
	v11 =	vmax.f32 v11, v13;
	v13 =	vmax.f32 v18, v26  }
0x4c: {  	v14 =	vld [tilespmem:s26+$0x0];
	v18 =	vmin.f32 v18, v26;
	v22 =	vmin.f32 v6, v17;
	v9 =	vmax.f32 v5, v9  }
0x4d: {  	v16 =	vmax.f32 v6, v17;
	v17 =	vmax.f32 v11, v7;
	v7 =	vld [tilespmem:s26+$0xA0];
	v23 =	vmin.f32 v6, v22  }
0x4e: {  	v12 =	vmax.f32 v16, v13;
	v9 =	vmax.f32 v15, v9;
	v15 =	vmin.f32 v16, v13;
	v16 =	vld [tilespmem:s26+$0xC0]  }
0x4f: {  	v21 =	vmax.f32 v6, v22;
	v26 =	vmax.f32 v18, v17;
	v17 =	vld [tilespmem:s26+$0x20];
	v30 =	vmax.f32 v6, v23  }
0x50: {  	v18 =	vld [tilespmem:s26+$0xB0];
	v24 =	vmax.f32 v6, v9;
	v13 =	vmax.f32 v21, v15;
	v31 =	vmin.f32 v21, v15  }
0x51: {  	v5 =	vld [tilespmem:s26+$0x70];
	v11 =	vmin.f32 v19, v10;
	v9 =	vmax.f32 v29, v20;
	v22 =	vmin.f32 v30, v31  }
0x52: {  	v21 =	vld [tilespmem:s26+$0x60];
	v15 =	vmax.f32 v14, v28;
	v25 =	vmin.f32 v14, v28;
	v14 =	vmin.f32 v29, v20  }
0x53: {  	s25 =	simm.s32 $0x800;
	v28 =	vmin.f32 v27, v8;
	v20 =	vmax.f32 v30, v31;
	v29 =	vimm.f32 $-Inf  }
.LBB2_3:
0x54: {  	s26 =	sshra.s32 s25, $0x2;
	p0 =	sne.s32 s25, $0x7C00;
	s25 =	sadd.s32 $0x400, s25;
	v23 =	vmin.f32 v6, v23;
	v24 =	vmax.f32 v24, v26;
	v6 =	vmov v20  }
0x55: {  	v30 =	vmin.f32 v17, v4;
	v32 =	vmin.f32 v16, v3;
	v26 =	vld [tilespmem:s26+$0x50];
	v31 =	vmin.f32 v7, v18  }
0x56: {  	v16 =	vmax.f32 v16, v3;
	v25 =	vmax.f32 v25, v30;
	v28 =	vmax.f32 v32, v28;
	v33 =	vld [tilespmem:s26+$0x30]  }
0x57: {  	v30 =	vmax.f32 v19, v10;
	v10 =	vmax.f32 v27, v8;
	v3 =	vld [tilespmem:s26+$0xD0];
	v32 =	vmax.f32 v21, v5  }
0x58: {  	v27 =	vmax.f32 v29, v23;
	v34 =	vmax.f32 v16, v10;
	v8 =	vld [tilespmem:s26+$0xF0];
	v19 =	vmax.f32 v30, v32  }
0x59: {  	v17 =	vmax.f32 v17, v4;
	v16 =	vmin.f32 v16, v10;
	v23 =	vmin.f32 v21, v5;
	v35 =	vld [tilespmem:s26+$0x90]  }
0x5a: {  	v18 =	vmax.f32 v7, v18;
	v21 =	vmax.f32 v15, v17;
	v11 =	vmax.f32 v11, v23;
	v5 =	vld [tilespmem:s26+$0x70];
	v10 =	vmovc v26  }
0x5b: {  	v36 =	vmax.f32 v9, v18;
	v28 =	vmax.f32 v16, v28;
	v26 =	vmax.f32 v21, v19;
	v7 =	vld [tilespmem:s26+$0xA0];
	v4 =	vmovc v33  }
0x5c: {  	v15 =	vmin.f32 v15, v17;
	v21 =	vmin.f32 v21, v19;
	v37 =	vmin.f32 v12, v26;
	v33 =	vld [tilespmem:s26+$0x10]  }
0x5d: {  	v14 =	vmax.f32 v14, v31;
	v16 =	vmin.f32 v30, v32;
	v23 =	vmin.f32 v13, v37;
	v19 =	vld [tilespmem:s26+$0x40]  }
0x5e: {  	v9 =	vmin.f32 v9, v18;
	v15 =	vmax.f32 v15, v25;
	v11 =	vmax.f32 v16, v11;
	v30 =	vld [tilespmem:s26+$0x80]  }
0x5f: {  	v29 =	vmax.f32 v27, v22;
	v9 =	vmax.f32 v9, v14;
	v14 =	vmax.f32 v36, v34;
	v16 =	vld [tilespmem:s26+$0xC0]  }
0x60: {  	v9 =	vmax.f32 v9, v28;
	v15 =	vmax.f32 v15, v11;
	v18 =	vmax.f32 v12, v26;
	v22 =	vld [tilespmem:s26+$0x0]  }
0x61: {  	v25 =	vmin.f32 v36, v34;
	v12 =	vmax.f32 v18, v14;
	v20 =	vmax.f32 v20, v23;
	v27 =	vld [tilespmem:s26+$0xE0]  }
.Ltmp4:
0x62: {  	v15 =	vmax.f32 v21, v15;
	v14 =	vmin.f32 v18, v14;
	v17 =	vld [tilespmem:s26+$0x20];
	v11 =	vmin.f32 v19, v10;
	(pc) =	sbr.rel @p0 .LBB2_3-.Ltmp4, $4  }
0x63: {  	v26 =	vmax.f32 v25, v9;
	v24 =	vmax.f32 v24, v15;
	v15 =	vmax.f32 v13, v37;
	v18 =	vld [tilespmem:s26+$0xB0]  }
0x64: {  	v13 =	vmax.f32 v15, v14;
	v31 =	vmin.f32 v15, v14;
	v9 =	vmax.f32 v30, v35  }
0x65: {  	v21 =	vld [tilespmem:s26+$0x60];
	v15 =	vmax.f32 v22, v33;
	v25 =	vmin.f32 v22, v33;
	v22 =	vmin.f32 v20, v31  }
0x66: {  	v14 =	vmin.f32 v30, v35;
	v20 =	vmax.f32 v20, v31;
	v28 =	vmin.f32 v27, v8  }
0x67: {  	_ =	sdelay $0x1  }
0x68: {  	v6 =	vmin.f32 v6, v23;
	v42 =	vmax.f32 v16, v3;
	v10 =	vmax.f32 v19, v10  }
0x69: {  	v8 =	vmax.f32 v27, v8;
	v44 =	vmax.f32 v17, v4;
	v43 =	vmax.f32 v21, v5  }
0x6a: {  	v31 =	vmax.f32 v15, v44;
	v32 =	vmax.f32 v7, v18;
	v30 =	vmax.f32 v10, v43  }
0x6b: {  	v33 =	vmax.f32 v42, v8;
	v35 =	vmax.f32 v9, v32;
	v34 =	vmax.f32 v31, v30  }
0x6c: {  	v6 =	vmax.f32 v29, v6;
	v45 =	vmax.f32 v35, v33;
	v36 =	vmax.f32 v12, v34  }
0x6d: {  	v6 =	vmax.f32 v6, v22;
	v46 =	vmin.f32 v12, v34;
	v47 =	vmax.f32 v36, v45  }
0x6e: {  	v29 =	vmin.f32 v36, v45;
	v34 =	vmin.f32 v13, v46;
	v12 =	vmax.f32 v13, v46  }
0x6f: {  	v13 =	vmax.f32 v12, v29;
	v12 =	vmin.f32 v12, v29;
	v48 =	vmax.f32 v20, v34  }
0x70: {  	v49 =	vmin.f32 v20, v34;
	(xrf1) =	vsort.dscd.msk.f32 $0xffff, v47, v47;
	v50 =	vmin.f32 v48, v12  }
0x71: {  	v12 =	vmax.f32 v48, v12;
	v6 =	vmax.f32 v6, v49;
	(xrf1) =	vsort.dscd.msk.f32 $0xffff, v13, v13  }
0x72: {  	v6 =	vmax.f32 v6, v50;
	(xrf1) =	vsort.dscd.msk.f32 $0xffff, v12, v12  }
0x73: {  	(xrf1) =	vsort.dscd.msk.f32 $0xffff, v6, v6;
	_ =	sdelay $0xa  }
0x74: {  	v51, _, _ =	vpop (xrf1)  }
0x75: {  	v13, _, _ =	vpop (xrf1)  }
0x76: {  	v52, _, _ =	vpop (xrf1)  }
0x77: {  	v13 =	vperm.xlane v13, v0;
	v53, _, _ =	vpop (xrf1)  }
0x78: {  	v22 =	vperm.xlane v53, v0  }
0x79: {  	v12 =	vsel vm0, v51, v13  }
0x7a: {  	(xrf1) =	vsort.dscd.msk.f32 $0xffff, v12, v12;
	v54 =	vsel vm0, v52, v22  }
0x7b: {  	(xrf1) =	vsort.dscd.msk.f32 $0xffff, v54, v54;
	_ =	sdelay $0xc  }
0x7c: {  	v55, _, _ =	vpop (xrf1)  }
0x7d: {  	v56, _, _ =	vpop (xrf1)  }
0x7e: {  	v13 =	vperm.xlane v56, v0;
	_ =	sdelay $0x1  }
0x7f: {  	v12 =	vsel vm0, v55, v13  }
0x80: {  	(xrf1) =	vsort.dscd.msk.f32 $0xffff, v12, v12;
	_ =	sdelay $0x9  }
0x81: {  	v3 =	vmin.f32 v16, v3  }
0x82: {  	v3 =	vmax.f32 v3, v28  }
0x83: {  	v57 =	vmax.f32 v24, v26;
	v4 =	vmin.f32 v17, v4  }
0x84: {  	v58 =	vmin.f32 v7, v18;
	v8 =	vmin.f32 v42, v8;
	v4 =	vmax.f32 v25, v4  }
0x85: {  	v59 =	vmin.f32 v15, v44;
	v8 =	vmax.f32 v8, v3;
	v5 =	vmin.f32 v21, v5;
	v3, _, _ =	vpop (xrf1)  }
0x86: {  	v7 =	vmax.f32 v14, v58;
	v5 =	vmax.f32 v11, v5;
	v10 =	vmin.f32 v10, v43;
	[tilespmem:$0x8000] =	vst v3  }
0x87: {  	v4 =	vmax.f32 v59, v4;
	v60 =	vmin.f32 v9, v32;
	v5 =	vmax.f32 v10, v5;
	v61 =	vld.idx.msk [tilespmem:v1+s17+$0x0], $0xffff  }
0x88: {  	v7 =	vmax.f32 v60, v7;
	v62 =	vmin.f32 v31, v30;
	v4 =	vmax.f32 v4, v5  }
0x89: {  	v63 =	vmin.f32 v35, v33;
	v5 =	vmax.f32 v7, v8;
	v4 =	vmax.f32 v62, v4  }
0x8a: {  	v5 =	vmax.f32 v63, v5;
	v4 =	vmax.f32 v57, v4  }
0x8b: {  	v4 =	vmax.f32 v4, v5  }
0x8c: {  	vm1 =	vgt.f32 v6, v61;
	vm2 =	vgt.f32 v4, v61  }
0x8d: {  	vm1 =	vmor vm1, vm2  }
0x8e: {  	v4 =	vsel vm1, $0x3F800000, v2  }
0x8f: {  	(xrf0) =	vmax.scan.msk.f32 $0xffff, v4;
	_ =	sdelay $0x5  }
0x90: {  	v4, _, _ =	vpop (xrf0)  }
0x91: {  	(v2sf) =	vpush v4, $0xF;
	_ =	sdelay $0xe  }
0x92: {  	s25 =	spop (v2sf)  }
0x93: {  	p0 =	sgt.f32 s25, $0.0e+00  }
.Ltmp5:
0x94: {  	_ = 	snop;
	(pc) =	sbr.rel @!p0 .LBB2_8-.Ltmp5, $1  }
0x95: {  	_ =	sdelay $0x3  }
0x96: {  	s25 =	simm.s32 $0x0  }
0x97: {  	v4 =	vld [tilespmem:s25+$0x0];
	_ =	sdelay $0x1  }
0x98: {  	v5 =	vld [tilespmem:s25+$0x10]  }
0x99: {  	v6 =	vld [tilespmem:s25+$0x20]  }
0x9a: {  	v3 =	vimm.f32 $-Inf  }
0x9b: {  	v7 =	vmin.f32 v3, v4  }
0x9c: {  	v4 =	vmax.f32 v3, v4;
	v8 =	vmax.f32 v3, v7  }
0x9d: {  	v7 =	vmin.f32 v3, v7;
	v9 =	vmax.f32 v4, v5;
	v4 =	vmin.f32 v4, v5  }
0x9e: {  	v12 =	vld [tilespmem:s25+$0x30];
	v5 =	vmax.f32 v3, v7;
	v11 =	vmax.f32 v9, v6;
	v10 =	vmin.f32 v8, v4  }
0x9f: {  	v7 =	vmin.f32 v3, v7;
	v4 =	vmax.f32 v8, v4;
	v6 =	vmin.f32 v9, v6  }
0xa0: {  	v8 =	vmax.f32 v5, v10;
	v5 =	vmin.f32 v5, v10;
	v9 =	vmax.f32 v3, v7  }
0xa1: {  	v7 =	vmin.f32 v3, v7;
	v16 =	vmax.f32 v4, v6;
	v4 =	vmin.f32 v4, v6  }
0xa2: {  	v6 =	vmax.f32 v3, v7;
	v10 =	vmax.f32 v9, v5;
	v13 =	vmax.f32 v8, v4  }
0xa3: {  	v4 =	vmin.f32 v8, v4;
	v8 =	vmin.f32 v11, v12;
	v9 =	vmin.f32 v9, v5  }
0xa4: {  	v17 =	vmax.f32 v10, v4;
	v10 =	vmin.f32 v10, v4;
	v4 =	vmin.f32 v3, v7  }
0xa5: {  	v7 =	vmax.f32 v11, v12;
	v12 =	vmin.f32 v16, v8;
	v11 =	vmax.f32 v6, v9  }
0xa6: {  	v5 =	vmax.f32 v13, v12;
	v18 =	vmin.f32 v13, v12;
	v15 =	vmin.f32 v3, v4  }
0xa7: {  	v12 =	vmin.f32 v6, v9;
	v14 =	vmax.f32 v11, v10;
	v9 =	vmax.f32 v16, v8  }
0xa8: {  	v16 =	vmax.f32 v3, v4;
	v8 =	vimm.f32 $-Inf;
	v13 =	vmin.f32 v17, v18  }
0xa9: {  	s25 =	simm.s32 $0x100;
	v6 =	vmax.f32 v17, v18;
	v17 =	vmin.f32 v3, v15;
	v4 =	vmax.f32 v14, v13  }
.LBB2_6:
0xaa: {  	s26 =	sshra.s32 s25, $0x2;
	p0 =	sne.s32 s25, $0x7F00;
	s25 =	sadd.s32 $0x100, s25;
	v3 =	vmax.f32 v3, v15;
	v15 =	vmin.f32 v16, v12;
	v10 =	vmin.f32 v11, v10  }
0xab: {  	v8 =	vmax.f32 v8, v17;
	v12 =	vmax.f32 v16, v12;
	v13 =	vmin.f32 v14, v13;
	v11 =	vld [tilespmem:s26+$0x0]  }
0xac: {  	v16 =	vmax.f32 v3, v15;
	v3 =	vmin.f32 v3, v15;
	v15 =	vmax.f32 v12, v10;
	v14 =	vld [tilespmem:s26+$0x10]  }
0xad: {  	v3 =	vmax.f32 v8, v3;
	v8 =	vmin.f32 v12, v10;
	v18 =	vmax.f32 v15, v13;
	v17 =	vld [tilespmem:s26+$0x20]  }
0xae: {  	v12 =	vmin.f32 v15, v13;
	v10 =	vmax.f32 v16, v8;
	v8 =	vmin.f32 v16, v8  }
0xaf: {  	v8 =	vmax.f32 v3, v8;
	v3 =	vmax.f32 v10, v12;
	v10 =	vmin.f32 v10, v12  }
0xb0: {  	v8 =	vmax.f32 v8, v10;
	v12 =	vmax.f32 v7, v11;
	v7 =	vmin.f32 v7, v11  }
0xb1: {  	v10 =	vmax.f32 v9, v7;
	v7 =	vmin.f32 v9, v7;
	v9 =	vmax.f32 v12, v14  }
0xb2: {  	v12 =	vmin.f32 v12, v14;
	v11 =	vmax.f32 v5, v7;
	v13 =	vmax.f32 v9, v17;
	v14 =	vld [tilespmem:s26+$0x30]  }
0xb3: {  	v5 =	vmin.f32 v5, v7;
	v7 =	vmax.f32 v10, v12;
	v10 =	vmin.f32 v10, v12  }
0xb4: {  	v9 =	vmin.f32 v9, v17;
	v12 =	vmax.f32 v11, v10;
	v10 =	vmin.f32 v11, v10  }
0xb5: {  	v11 =	vmax.f32 v6, v5;
	v5 =	vmin.f32 v6, v5;
	v6 =	vmax.f32 v7, v9  }
0xb6: {  	v7 =	vmin.f32 v7, v9;
	v16 =	vmax.f32 v4, v5;
	v15 =	vmax.f32 v11, v10  }
0xb7: {  	v9 =	vmax.f32 v12, v7;
	v7 =	vmin.f32 v12, v7;
	v17 =	vmin.f32 v13, v14  }
0xb8: {  	v12 =	vmin.f32 v11, v10;
	v19 =	vmax.f32 v15, v7;
	v10 =	vmin.f32 v15, v7  }
.Ltmp6:
0xb9: {  	v4 =	vmin.f32 v4, v5;
	v7 =	vmax.f32 v13, v14;
	v13 =	vmin.f32 v6, v17;
	(pc) =	sbr.rel @p0 .LBB2_6-.Ltmp6, $4  }
0xba: {  	v11 =	vmax.f32 v16, v12;
	v5 =	vmax.f32 v9, v13;
	v20 =	vmin.f32 v9, v13  }
0xbb: {  	v15 =	vmin.f32 v18, v4;
	v12 =	vmin.f32 v16, v12;
	v13 =	vmin.f32 v19, v20  }
0xbc: {  	v14 =	vmax.f32 v11, v10;
	v9 =	vmax.f32 v6, v17;
	v6 =	vmax.f32 v19, v20  }
0xbd: {  	v16 =	vmax.f32 v18, v4;
	v17 =	vmin.f32 v3, v15;
	v4 =	vmax.f32 v14, v13  }
0xbe: {  	v3 =	vmax.f32 v3, v15;
	v50 =	vmin.f32 v16, v12;
	v10 =	vmin.f32 v11, v10  }
0xbf: {  	v8 =	vmax.f32 v8, v17;
	v51 =	vmax.f32 v16, v12;
	v52 =	vmin.f32 v14, v13  }
0xc0: {  	(xrf1) =	vsort.dscd.msk.f32 $0xffff, v7, v7;
	v53 =	vmax.f32 v3, v50;
	v3 =	vmin.f32 v3, v50  }
0xc1: {  	v54 =	vmax.f32 v51, v10;
	(xrf1) =	vsort.dscd.msk.f32 $0xffff, v9, v9;
	v55 =	vmin.f32 v51, v10  }
0xc2: {  	v3 =	vmax.f32 v8, v3;
	v56 =	vmax.f32 v54, v52;
	(xrf1) =	vsort.dscd.msk.f32 $0xffff, v5, v5  }
0xc3: {  	v5 =	vmax.f32 v53, v55;
	v8 =	vmin.f32 v53, v55;
	(xrf1) =	vsort.dscd.msk.f32 $0xffff, v6, v6  }
0xc4: {  	v57 =	vmin.f32 v54, v52;
	v3 =	vmax.f32 v3, v8;
	(xrf1) =	vsort.dscd.msk.f32 $0xffff, v4, v4  }
0xc5: {  	v4 =	vmax.f32 v5, v57;
	v5 =	vmin.f32 v5, v57;
	(xrf1) =	vsort.dscd.msk.f32 $0xffff, v56, v56  }
0xc6: {  	v3 =	vmax.f32 v3, v5;
	(xrf1) =	vsort.dscd.msk.f32 $0xffff, v4, v4  }
0xc7: {  	(xrf1) =	vsort.dscd.msk.f32 $0xffff, v3, v3;
	_ =	sdelay $0x6  }
0xc8: {  	v3, _, _ =	vpop (xrf1)  }
0xc9: {  	v4, _, _ =	vpop (xrf1)  }
0xca: {  	v5, _, _ =	vpop (xrf1)  }
0xcb: {  	v58, _, _ =	vpop (xrf1)  }
0xcc: {  	v59, _, _ =	vpop (xrf1)  }
0xcd: {  	v4 =	vperm.xlane v4, v0;
	v60, _, _ =	vpop (xrf1)  }
0xce: {  	v6 =	vperm.xlane v58, v0;
	v61, _, _ =	vpop (xrf1)  }
0xcf: {  	v3 =	vsel vm0, v3, v4;
	v4 =	vperm.xlane v60, v0;
	v62, _, _ =	vpop (xrf1)  }
0xd0: {  	(xrf1) =	vsort.dscd.msk.f32 $0xffff, v3, v3;
	v3 =	vsel vm0, v5, v6;
	v5 =	vperm.xlane v62, v0  }
0xd1: {  	(xrf1) =	vsort.dscd.msk.f32 $0xffff, v3, v3;
	v3 =	vsel vm0, v59, v4  }
0xd2: {  	(xrf1) =	vsort.dscd.msk.f32 $0xffff, v3, v3;
	v3 =	vsel vm0, v61, v5  }
0xd3: {  	(xrf1) =	vsort.dscd.msk.f32 $0xffff, v3, v3;
	_ =	sdelay $0xa  }
0xd4: {  	v3, _, _ =	vpop (xrf1)  }
0xd5: {  	v4, _, _ =	vpop (xrf1)  }
0xd6: {  	v5, _, _ =	vpop (xrf1)  }
0xd7: {  	v4 =	vperm.xlane v4, v0;
	v63, _, _ =	vpop (xrf1)  }
0xd8: {  	v6 =	vperm.xlane v63, v0  }
0xd9: {  	v3 =	vsel vm0, v3, v4  }
0xda: {  	(xrf1) =	vsort.dscd.msk.f32 $0xffff, v3, v3;
	v3 =	vsel vm0, v5, v6  }
0xdb: {  	(xrf1) =	vsort.dscd.msk.f32 $0xffff, v3, v3;
	_ =	sdelay $0xc  }
0xdc: {  	v3, _, _ =	vpop (xrf1)  }
0xdd: {  	v4, _, _ =	vpop (xrf1)  }
0xde: {  	v4 =	vperm.xlane v4, v0;
	_ =	sdelay $0x1  }
0xdf: {  	v3 =	vsel vm0, v3, v4  }
0xe0: {  	(xrf1) =	vsort.dscd.msk.f32 $0xffff, v3, v3;
	_ =	sdelay $0xd  }
0xe1: {  	v3, _, _ =	vpop (xrf1)  }
.LBB2_8:
0xe2: {  	s25 =	sshll.u32 s24, $0x2  }
0xe3: {  	s26 =	smin.u32 s25, $0x5B  }
0xe4: {  	s26 =	sadd.s32 $0x4, s26  }
0xe5: {  	s28 =	sadd.s32 s4, s26;
	s26 =	sshll.u32 s26, $0x4  }
0xe6: {  	s29 =	sshll.u32 s24, $0x5;
	s28 =	sshll.u32 s28, $0xA;
	s30 =	sand.u32 $0x70, s26  }
0xe7: {  	s26 =	sand.u32 $0x3FFFFFE0, s29;
	s28 =	sand.u32 $0x7FE000, s28;
	s31 =	sadd.s32 s2, s30  }
0xe8: {  	[tilespmem:s26+$0x8080] =	vst.msk $0xff, v3;
	s30 =	simm.s32 $0x0;
	s28 =	sadd.s32 s28, s31  }
0xe9: {  	[tilespmem:s30], [sflag:$0x1] =	stream.strided.gather [hbm4b:s28+s11], $0x2000, s12, s11, $0x38;
	[tilespmem:$0x8400] =	vst v63  }
0xea: {  	_ =	swait.ge [sflag:s18], $0x2000  }
0xeb: {  	[sflag:s18] =	ssyncset.done $0x0  }
0xec: {  	s28 =	simm.s32 $0x0;
	[sflag:s18] =	ssyncadd.s32 $0xFFFFE000  }
0xed: {  	v3 =	vld [tilespmem:s28+$0x2050]  }
0xee: {  	v5 =	vld [tilespmem:s28+$0x2030]  }
0xef: {  	v4 =	vld [tilespmem:s28+$0x20D0]  }
0xf0: {  	v7 =	vld [tilespmem:s28+$0x20F0]  }
0xf1: {  	v8 =	vld [tilespmem:s28+$0x2090]  }
0xf2: {  	v9 =	vld [tilespmem:s28+$0x2070]  }
0xf3: {  	v11 =	vld [tilespmem:s28+$0x20A0]  }
0xf4: {  	v10 =	vld [tilespmem:s28+$0x2010]  }
0xf5: {  	v12 =	vld [tilespmem:s28+$0x2040]  }
0xf6: {  	v13 =	vld [tilespmem:s28+$0x2080]  }
0xf7: {  	v14 =	vld [tilespmem:s28+$0x2000]  }
0xf8: {  	v15 =	vld [tilespmem:s28+$0x20E0]  }
0xf9: {  	v16 =	vld [tilespmem:s28+$0x2020]  }
0xfa: {  	v17 =	vld [tilespmem:s28+$0x20B0]  }
0xfb: {  	v18 =	vld [tilespmem:s28+$0x20C0]  }
0xfc: {  	v19 =	vld [tilespmem:s28+$0x2060]  }
0xfd: {  	v6 =	vimm.f32 $-Inf;
	v20 =	vmin.f32 v12, v3;
	v21 =	vmax.f32 v13, v8  }
0xfe: {  	v22 =	vmax.f32 v14, v10;
	v10 =	vmin.f32 v14, v10;
	v13 =	vmin.f32 v13, v8  }
0xff: {  	s31 =	simm.s32 $0x100;
	v8 =	vmin.f32 v15, v7;
	v14 =	vmin.f32 v16, v5;
	v24 =	vmin.f32 v11, v17  }
0x100: {  	v28 =	vld [tilespmem:s31+$0x2010];
	v23 =	vmin.f32 v18, v4;
	v18 =	vmax.f32 v18, v4;
	v12 =	vmax.f32 v12, v3  }
0x101: {  	v29 =	vld [tilespmem:s31+$0x2080];
	v25 =	vmax.f32 v19, v9;
	v7 =	vmax.f32 v15, v7;
	v5 =	vmax.f32 v16, v5  }
0x102: {  	v27 =	vld [tilespmem:s31+$0x20E0];
	v9 =	vmin.f32 v19, v9;
	v11 =	vmax.f32 v11, v17;
	v14 =	vmax.f32 v10, v14  }
0x103: {  	v4 =	vld [tilespmem:s31+$0x2030];
	v15 =	vmax.f32 v23, v8;
	v23 =	vmax.f32 v12, v25;
	v26 =	vmax.f32 v18, v7  }
0x104: {  	v3 =	vld [tilespmem:s31+$0x20D0];
	v7 =	vmin.f32 v18, v7;
	v16 =	vmax.f32 v22, v5;
	v9 =	vmax.f32 v20, v9  }
0x105: {  	v19 =	vld [tilespmem:s31+$0x2040];
	v18 =	vmax.f32 v21, v11;
	v5 =	vmin.f32 v22, v5;
	v12 =	vmin.f32 v12, v25  }
0x106: {  	v10 =	vld [tilespmem:s31+$0x2050];
	v13 =	vmax.f32 v13, v24;
	v11 =	vmin.f32 v21, v11;
	v17 =	vmax.f32 v16, v23  }
0x107: {  	v8 =	vld [tilespmem:s31+$0x20F0];
	v7 =	vmax.f32 v7, v15;
	v15 =	vmin.f32 v16, v23;
	v5 =	vmax.f32 v5, v14  }
0x108: {  	v20 =	vld [tilespmem:s31+$0x2090];
	v9 =	vmax.f32 v12, v9;
	v11 =	vmax.f32 v11, v13;
	v13 =	vmax.f32 v18, v26  }
0x109: {  	v14 =	vld [tilespmem:s31+$0x2000];
	v18 =	vmin.f32 v18, v26;
	v22 =	vmin.f32 v6, v17;
	v9 =	vmax.f32 v5, v9  }
0x10a: {  	v16 =	vmax.f32 v6, v17;
	v17 =	vmax.f32 v11, v7;
	v7 =	vld [tilespmem:s31+$0x20A0];
	v23 =	vmin.f32 v6, v22  }
0x10b: {  	v12 =	vmax.f32 v16, v13;
	v9 =	vmax.f32 v15, v9;
	v15 =	vmin.f32 v16, v13;
	v16 =	vld [tilespmem:s31+$0x20C0]  }
0x10c: {  	v21 =	vmax.f32 v6, v22;
	v26 =	vmax.f32 v18, v17;
	v17 =	vld [tilespmem:s31+$0x2020];
	v30 =	vmax.f32 v6, v23  }
0x10d: {  	v18 =	vld [tilespmem:s31+$0x20B0];
	v24 =	vmax.f32 v6, v9;
	v13 =	vmax.f32 v21, v15;
	v31 =	vmin.f32 v21, v15  }
0x10e: {  	v5 =	vld [tilespmem:s31+$0x2070];
	v11 =	vmin.f32 v19, v10;
	v9 =	vmax.f32 v29, v20;
	v22 =	vmin.f32 v30, v31  }
0x10f: {  	v21 =	vld [tilespmem:s31+$0x2060];
	v15 =	vmax.f32 v14, v28;
	v25 =	vmin.f32 v14, v28;
	v14 =	vmin.f32 v29, v20  }
0x110: {  	s28 =	simm.s32 $0x800;
	v28 =	vmin.f32 v27, v8;
	v20 =	vmax.f32 v30, v31;
	v29 =	vimm.f32 $-Inf  }
.LBB2_9:
0x111: {  	s29 =	sshra.s32 s28, $0x2;
	p0 =	sne.s32 s28, $0x7C00;
	s28 =	sadd.s32 $0x400, s28;
	v23 =	vmin.f32 v6, v23;
	v24 =	vmax.f32 v24, v26;
	v6 =	vmov v20  }
0x112: {  	v30 =	vmin.f32 v17, v4;
	v32 =	vmin.f32 v16, v3;
	v26 =	vld [tilespmem:s29+$0x2050];
	v31 =	vmin.f32 v7, v18  }
0x113: {  	v16 =	vmax.f32 v16, v3;
	v25 =	vmax.f32 v25, v30;
	v28 =	vmax.f32 v32, v28;
	v33 =	vld [tilespmem:s29+$0x2030]  }
0x114: {  	v30 =	vmax.f32 v19, v10;
	v10 =	vmax.f32 v27, v8;
	v3 =	vld [tilespmem:s29+$0x20D0];
	v32 =	vmax.f32 v21, v5  }
0x115: {  	v27 =	vmax.f32 v29, v23;
	v34 =	vmax.f32 v16, v10;
	v8 =	vld [tilespmem:s29+$0x20F0];
	v19 =	vmax.f32 v30, v32  }
0x116: {  	v17 =	vmax.f32 v17, v4;
	v16 =	vmin.f32 v16, v10;
	v23 =	vmin.f32 v21, v5;
	v35 =	vld [tilespmem:s29+$0x2090]  }
0x117: {  	v18 =	vmax.f32 v7, v18;
	v21 =	vmax.f32 v15, v17;
	v11 =	vmax.f32 v11, v23;
	v5 =	vld [tilespmem:s29+$0x2070];
	v10 =	vmovc v26  }
0x118: {  	v36 =	vmax.f32 v9, v18;
	v28 =	vmax.f32 v16, v28;
	v26 =	vmax.f32 v21, v19;
	v7 =	vld [tilespmem:s29+$0x20A0];
	v4 =	vmovc v33  }
0x119: {  	v15 =	vmin.f32 v15, v17;
	v21 =	vmin.f32 v21, v19;
	v37 =	vmin.f32 v12, v26;
	v33 =	vld [tilespmem:s29+$0x2010]  }
0x11a: {  	v14 =	vmax.f32 v14, v31;
	v16 =	vmin.f32 v30, v32;
	v23 =	vmin.f32 v13, v37;
	v19 =	vld [tilespmem:s29+$0x2040]  }
0x11b: {  	v9 =	vmin.f32 v9, v18;
	v15 =	vmax.f32 v15, v25;
	v11 =	vmax.f32 v16, v11;
	v30 =	vld [tilespmem:s29+$0x2080]  }
0x11c: {  	v29 =	vmax.f32 v27, v22;
	v9 =	vmax.f32 v9, v14;
	v14 =	vmax.f32 v36, v34;
	v16 =	vld [tilespmem:s29+$0x20C0]  }
0x11d: {  	v9 =	vmax.f32 v9, v28;
	v15 =	vmax.f32 v15, v11;
	v18 =	vmax.f32 v12, v26;
	v22 =	vld [tilespmem:s29+$0x2000]  }
0x11e: {  	v25 =	vmin.f32 v36, v34;
	v12 =	vmax.f32 v18, v14;
	v20 =	vmax.f32 v20, v23;
	v27 =	vld [tilespmem:s29+$0x20E0]  }
.Ltmp7:
0x11f: {  	v15 =	vmax.f32 v21, v15;
	v14 =	vmin.f32 v18, v14;
	v17 =	vld [tilespmem:s29+$0x2020];
	v11 =	vmin.f32 v19, v10;
	(pc) =	sbr.rel @p0 .LBB2_9-.Ltmp7, $4  }
0x120: {  	v26 =	vmax.f32 v25, v9;
	v24 =	vmax.f32 v24, v15;
	v15 =	vmax.f32 v13, v37;
	v18 =	vld [tilespmem:s29+$0x20B0]  }
0x121: {  	v13 =	vmax.f32 v15, v14;
	v31 =	vmin.f32 v15, v14;
	v9 =	vmax.f32 v30, v35  }
0x122: {  	v21 =	vld [tilespmem:s29+$0x2060];
	v15 =	vmax.f32 v22, v33;
	v25 =	vmin.f32 v22, v33;
	v22 =	vmin.f32 v20, v31  }
0x123: {  	v14 =	vmin.f32 v30, v35;
	v20 =	vmax.f32 v20, v31;
	v28 =	vmin.f32 v27, v8  }
0x124: {  	_ =	sdelay $0x1  }
0x125: {  	v6 =	vmin.f32 v6, v23;
	v42 =	vmax.f32 v16, v3;
	v10 =	vmax.f32 v19, v10  }
0x126: {  	v8 =	vmax.f32 v27, v8;
	v44 =	vmax.f32 v17, v4;
	v43 =	vmax.f32 v21, v5  }
0x127: {  	v31 =	vmax.f32 v15, v44;
	v32 =	vmax.f32 v7, v18;
	v30 =	vmax.f32 v10, v43  }
0x128: {  	v33 =	vmax.f32 v42, v8;
	v35 =	vmax.f32 v9, v32;
	v34 =	vmax.f32 v31, v30  }
0x129: {  	v6 =	vmax.f32 v29, v6;
	v45 =	vmax.f32 v35, v33;
	v36 =	vmax.f32 v12, v34  }
0x12a: {  	v6 =	vmax.f32 v6, v22;
	v46 =	vmin.f32 v12, v34;
	v47 =	vmax.f32 v36, v45  }
0x12b: {  	v29 =	vmin.f32 v36, v45;
	v34 =	vmin.f32 v13, v46;
	v12 =	vmax.f32 v13, v46  }
0x12c: {  	v13 =	vmax.f32 v12, v29;
	v12 =	vmin.f32 v12, v29;
	v48 =	vmax.f32 v20, v34  }
0x12d: {  	v49 =	vmin.f32 v20, v34;
	(xrf1) =	vsort.dscd.msk.f32 $0xffff, v47, v47;
	v50 =	vmin.f32 v48, v12  }
0x12e: {  	v12 =	vmax.f32 v48, v12;
	v6 =	vmax.f32 v6, v49;
	(xrf1) =	vsort.dscd.msk.f32 $0xffff, v13, v13  }
0x12f: {  	v6 =	vmax.f32 v6, v50;
	(xrf1) =	vsort.dscd.msk.f32 $0xffff, v12, v12  }
0x130: {  	(xrf1) =	vsort.dscd.msk.f32 $0xffff, v6, v6;
	_ =	sdelay $0xa  }
0x131: {  	v51, _, _ =	vpop (xrf1)  }
0x132: {  	v13, _, _ =	vpop (xrf1)  }
0x133: {  	v52, _, _ =	vpop (xrf1)  }
0x134: {  	v13 =	vperm.xlane v13, v0;
	v53, _, _ =	vpop (xrf1)  }
0x135: {  	v22 =	vperm.xlane v53, v0  }
0x136: {  	v12 =	vsel vm0, v51, v13  }
0x137: {  	(xrf1) =	vsort.dscd.msk.f32 $0xffff, v12, v12;
	v54 =	vsel vm0, v52, v22  }
0x138: {  	(xrf1) =	vsort.dscd.msk.f32 $0xffff, v54, v54;
	_ =	sdelay $0xc  }
0x139: {  	v55, _, _ =	vpop (xrf1)  }
0x13a: {  	v56, _, _ =	vpop (xrf1)  }
0x13b: {  	v13 =	vperm.xlane v56, v0;
	_ =	sdelay $0x1  }
0x13c: {  	v12 =	vsel vm0, v55, v13  }
0x13d: {  	(xrf1) =	vsort.dscd.msk.f32 $0xffff, v12, v12;
	_ =	sdelay $0x9  }
0x13e: {  	v3 =	vmin.f32 v16, v3  }
0x13f: {  	v3 =	vmax.f32 v3, v28  }
0x140: {  	v57 =	vmax.f32 v24, v26;
	v4 =	vmin.f32 v17, v4  }
0x141: {  	v58 =	vmin.f32 v7, v18;
	v8 =	vmin.f32 v42, v8;
	v4 =	vmax.f32 v25, v4  }
0x142: {  	v59 =	vmin.f32 v15, v44;
	v8 =	vmax.f32 v8, v3;
	v5 =	vmin.f32 v21, v5;
	v3, _, _ =	vpop (xrf1)  }
0x143: {  	v7 =	vmax.f32 v14, v58;
	v5 =	vmax.f32 v11, v5;
	v10 =	vmin.f32 v10, v43;
	[tilespmem:$0x8000] =	vst v3  }
0x144: {  	v4 =	vmax.f32 v59, v4;
	v60 =	vmin.f32 v9, v32;
	v5 =	vmax.f32 v10, v5;
	v61 =	vld.idx.msk [tilespmem:v1+s17+$0x0], $0xffff  }
0x145: {  	v7 =	vmax.f32 v60, v7;
	v62 =	vmin.f32 v31, v30;
	v4 =	vmax.f32 v4, v5  }
0x146: {  	v63 =	vmin.f32 v35, v33;
	v5 =	vmax.f32 v7, v8;
	v4 =	vmax.f32 v62, v4  }
0x147: {  	v5 =	vmax.f32 v63, v5;
	v4 =	vmax.f32 v57, v4  }
0x148: {  	v4 =	vmax.f32 v4, v5  }
0x149: {  	vm1 =	vgt.f32 v6, v61;
	vm2 =	vgt.f32 v4, v61  }
0x14a: {  	vm1 =	vmor vm1, vm2  }
0x14b: {  	v4 =	vsel vm1, $0x3F800000, v2  }
0x14c: {  	(xrf0) =	vmax.scan.msk.f32 $0xffff, v4;
	_ =	sdelay $0x5  }
0x14d: {  	v4, _, _ =	vpop (xrf0)  }
0x14e: {  	(v2sf) =	vpush v4, $0xF;
	_ =	sdelay $0xe  }
0x14f: {  	s28 =	spop (v2sf)  }
0x150: {  	p0 =	sgt.f32 s28, $0.0e+00  }
.Ltmp8:
0x151: {  	_ = 	snop;
	(pc) =	sbr.rel @!p0 .LBB2_14-.Ltmp8, $1  }
0x152: {  	_ =	sdelay $0x3  }
0x153: {  	s28 =	simm.s32 $0x0  }
0x154: {  	v4 =	vld [tilespmem:s28+$0x2000];
	_ =	sdelay $0x1  }
0x155: {  	v5 =	vld [tilespmem:s28+$0x2010]  }
0x156: {  	v6 =	vld [tilespmem:s28+$0x2020]  }
0x157: {  	v3 =	vimm.f32 $-Inf  }
0x158: {  	v7 =	vmin.f32 v3, v4  }
0x159: {  	v4 =	vmax.f32 v3, v4;
	v8 =	vmax.f32 v3, v7  }
0x15a: {  	v7 =	vmin.f32 v3, v7;
	v9 =	vmax.f32 v4, v5;
	v4 =	vmin.f32 v4, v5  }
0x15b: {  	v12 =	vld [tilespmem:s28+$0x2030];
	v5 =	vmax.f32 v3, v7;
	v11 =	vmax.f32 v9, v6;
	v10 =	vmin.f32 v8, v4  }
0x15c: {  	v7 =	vmin.f32 v3, v7;
	v4 =	vmax.f32 v8, v4;
	v6 =	vmin.f32 v9, v6  }
0x15d: {  	v8 =	vmax.f32 v5, v10;
	v5 =	vmin.f32 v5, v10;
	v9 =	vmax.f32 v3, v7  }
0x15e: {  	v7 =	vmin.f32 v3, v7;
	v16 =	vmax.f32 v4, v6;
	v4 =	vmin.f32 v4, v6  }
0x15f: {  	v6 =	vmax.f32 v3, v7;
	v10 =	vmax.f32 v9, v5;
	v13 =	vmax.f32 v8, v4  }
0x160: {  	v4 =	vmin.f32 v8, v4;
	v8 =	vmin.f32 v11, v12;
	v9 =	vmin.f32 v9, v5  }
0x161: {  	v17 =	vmax.f32 v10, v4;
	v10 =	vmin.f32 v10, v4;
	v4 =	vmin.f32 v3, v7  }
0x162: {  	v7 =	vmax.f32 v11, v12;
	v12 =	vmin.f32 v16, v8;
	v11 =	vmax.f32 v6, v9  }
0x163: {  	v5 =	vmax.f32 v13, v12;
	v18 =	vmin.f32 v13, v12;
	v15 =	vmin.f32 v3, v4  }
0x164: {  	v12 =	vmin.f32 v6, v9;
	v14 =	vmax.f32 v11, v10;
	v9 =	vmax.f32 v16, v8  }
0x165: {  	v16 =	vmax.f32 v3, v4;
	v8 =	vimm.f32 $-Inf;
	v13 =	vmin.f32 v17, v18  }
0x166: {  	s28 =	simm.s32 $0x100;
	v6 =	vmax.f32 v17, v18;
	v17 =	vmin.f32 v3, v15;
	v4 =	vmax.f32 v14, v13  }
.LBB2_12:
0x167: {  	s29 =	sshra.s32 s28, $0x2;
	p0 =	sne.s32 s28, $0x7F00;
	s28 =	sadd.s32 $0x100, s28;
	v3 =	vmax.f32 v3, v15;
	v15 =	vmin.f32 v16, v12;
	v10 =	vmin.f32 v11, v10  }
0x168: {  	v8 =	vmax.f32 v8, v17;
	v12 =	vmax.f32 v16, v12;
	v13 =	vmin.f32 v14, v13;
	v11 =	vld [tilespmem:s29+$0x2000]  }
0x169: {  	v16 =	vmax.f32 v3, v15;
	v3 =	vmin.f32 v3, v15;
	v15 =	vmax.f32 v12, v10;
	v14 =	vld [tilespmem:s29+$0x2010]  }
0x16a: {  	v3 =	vmax.f32 v8, v3;
	v8 =	vmin.f32 v12, v10;
	v18 =	vmax.f32 v15, v13;
	v17 =	vld [tilespmem:s29+$0x2020]  }
0x16b: {  	v12 =	vmin.f32 v15, v13;
	v10 =	vmax.f32 v16, v8;
	v8 =	vmin.f32 v16, v8  }
0x16c: {  	v8 =	vmax.f32 v3, v8;
	v3 =	vmax.f32 v10, v12;
	v10 =	vmin.f32 v10, v12  }
0x16d: {  	v8 =	vmax.f32 v8, v10;
	v12 =	vmax.f32 v7, v11;
	v7 =	vmin.f32 v7, v11  }
0x16e: {  	v10 =	vmax.f32 v9, v7;
	v7 =	vmin.f32 v9, v7;
	v9 =	vmax.f32 v12, v14  }
0x16f: {  	v12 =	vmin.f32 v12, v14;
	v11 =	vmax.f32 v5, v7;
	v13 =	vmax.f32 v9, v17;
	v14 =	vld [tilespmem:s29+$0x2030]  }
0x170: {  	v5 =	vmin.f32 v5, v7;
	v7 =	vmax.f32 v10, v12;
	v10 =	vmin.f32 v10, v12  }
0x171: {  	v9 =	vmin.f32 v9, v17;
	v12 =	vmax.f32 v11, v10;
	v10 =	vmin.f32 v11, v10  }
0x172: {  	v11 =	vmax.f32 v6, v5;
	v5 =	vmin.f32 v6, v5;
	v6 =	vmax.f32 v7, v9  }
0x173: {  	v7 =	vmin.f32 v7, v9;
	v16 =	vmax.f32 v4, v5;
	v15 =	vmax.f32 v11, v10  }
0x174: {  	v9 =	vmax.f32 v12, v7;
	v7 =	vmin.f32 v12, v7;
	v17 =	vmin.f32 v13, v14  }
0x175: {  	v12 =	vmin.f32 v11, v10;
	v19 =	vmax.f32 v15, v7;
	v10 =	vmin.f32 v15, v7  }
.Ltmp9:
0x176: {  	v4 =	vmin.f32 v4, v5;
	v7 =	vmax.f32 v13, v14;
	v13 =	vmin.f32 v6, v17;
	(pc) =	sbr.rel @p0 .LBB2_12-.Ltmp9, $4  }
0x177: {  	v11 =	vmax.f32 v16, v12;
	v5 =	vmax.f32 v9, v13;
	v20 =	vmin.f32 v9, v13  }
0x178: {  	v15 =	vmin.f32 v18, v4;
	v12 =	vmin.f32 v16, v12;
	v13 =	vmin.f32 v19, v20  }
0x179: {  	v14 =	vmax.f32 v11, v10;
	v9 =	vmax.f32 v6, v17;
	v6 =	vmax.f32 v19, v20  }
0x17a: {  	v16 =	vmax.f32 v18, v4;
	v17 =	vmin.f32 v3, v15;
	v4 =	vmax.f32 v14, v13  }
0x17b: {  	v3 =	vmax.f32 v3, v15;
	v50 =	vmin.f32 v16, v12;
	v10 =	vmin.f32 v11, v10  }
0x17c: {  	v8 =	vmax.f32 v8, v17;
	v51 =	vmax.f32 v16, v12;
	v52 =	vmin.f32 v14, v13  }
0x17d: {  	(xrf1) =	vsort.dscd.msk.f32 $0xffff, v7, v7;
	v53 =	vmax.f32 v3, v50;
	v3 =	vmin.f32 v3, v50  }
0x17e: {  	v54 =	vmax.f32 v51, v10;
	(xrf1) =	vsort.dscd.msk.f32 $0xffff, v9, v9;
	v55 =	vmin.f32 v51, v10  }
0x17f: {  	v3 =	vmax.f32 v8, v3;
	v56 =	vmax.f32 v54, v52;
	(xrf1) =	vsort.dscd.msk.f32 $0xffff, v5, v5  }
0x180: {  	v5 =	vmax.f32 v53, v55;
	v8 =	vmin.f32 v53, v55;
	(xrf1) =	vsort.dscd.msk.f32 $0xffff, v6, v6  }
0x181: {  	v57 =	vmin.f32 v54, v52;
	v3 =	vmax.f32 v3, v8;
	(xrf1) =	vsort.dscd.msk.f32 $0xffff, v4, v4  }
0x182: {  	v4 =	vmax.f32 v5, v57;
	v5 =	vmin.f32 v5, v57;
	(xrf1) =	vsort.dscd.msk.f32 $0xffff, v56, v56  }
0x183: {  	v3 =	vmax.f32 v3, v5;
	(xrf1) =	vsort.dscd.msk.f32 $0xffff, v4, v4  }
0x184: {  	(xrf1) =	vsort.dscd.msk.f32 $0xffff, v3, v3;
	_ =	sdelay $0x6  }
0x185: {  	v3, _, _ =	vpop (xrf1)  }
0x186: {  	v4, _, _ =	vpop (xrf1)  }
0x187: {  	v5, _, _ =	vpop (xrf1)  }
0x188: {  	v58, _, _ =	vpop (xrf1)  }
0x189: {  	v59, _, _ =	vpop (xrf1)  }
0x18a: {  	v4 =	vperm.xlane v4, v0;
	v60, _, _ =	vpop (xrf1)  }
0x18b: {  	v6 =	vperm.xlane v58, v0;
	v61, _, _ =	vpop (xrf1)  }
0x18c: {  	v3 =	vsel vm0, v3, v4;
	v4 =	vperm.xlane v60, v0;
	v62, _, _ =	vpop (xrf1)  }
0x18d: {  	(xrf1) =	vsort.dscd.msk.f32 $0xffff, v3, v3;
	v3 =	vsel vm0, v5, v6;
	v5 =	vperm.xlane v62, v0  }
0x18e: {  	(xrf1) =	vsort.dscd.msk.f32 $0xffff, v3, v3;
	v3 =	vsel vm0, v59, v4  }
0x18f: {  	(xrf1) =	vsort.dscd.msk.f32 $0xffff, v3, v3;
	v3 =	vsel vm0, v61, v5  }
0x190: {  	(xrf1) =	vsort.dscd.msk.f32 $0xffff, v3, v3;
	_ =	sdelay $0xa  }
0x191: {  	v3, _, _ =	vpop (xrf1)  }
0x192: {  	v4, _, _ =	vpop (xrf1)  }
0x193: {  	v5, _, _ =	vpop (xrf1)  }
0x194: {  	v4 =	vperm.xlane v4, v0;
	v63, _, _ =	vpop (xrf1)  }
0x195: {  	v6 =	vperm.xlane v63, v0  }
0x196: {  	v3 =	vsel vm0, v3, v4  }
0x197: {  	(xrf1) =	vsort.dscd.msk.f32 $0xffff, v3, v3;
	v3 =	vsel vm0, v5, v6  }
0x198: {  	(xrf1) =	vsort.dscd.msk.f32 $0xffff, v3, v3;
	_ =	sdelay $0xc  }
0x199: {  	v3, _, _ =	vpop (xrf1)  }
0x19a: {  	v4, _, _ =	vpop (xrf1)  }
0x19b: {  	v4 =	vperm.xlane v4, v0;
	_ =	sdelay $0x1  }
0x19c: {  	v3 =	vsel vm0, v3, v4  }
0x19d: {  	(xrf1) =	vsort.dscd.msk.f32 $0xffff, v3, v3;
	_ =	sdelay $0xd  }
0x19e: {  	v3, _, _ =	vpop (xrf1)  }
.LBB2_14:
0x19f: {  	s28 =	smin.u32 s25, $0x5A  }
0x1a0: {  	s28 =	sadd.s32 $0x5, s28  }
0x1a1: {  	s29 =	sadd.s32 s4, s28;
	s28 =	sshll.u32 s28, $0x4  }
0x1a2: {  	s29 =	sshll.u32 s29, $0xA;
	s28 =	sand.u32 $0x70, s28  }
0x1a3: {  	s29 =	sand.u32 $0x7FE000, s29;
	s28 =	sadd.s32 s2, s28  }
0x1a4: {  	[tilespmem:s26+$0x8088] =	vst.msk $0xff, v3;
	s28 =	sadd.s32 s29, s28  }
0x1a5: {  	[tilespmem:s13], [sflag:$0x2] =	stream.strided.gather [hbm4b:s28+s11], $0x2000, s12, s11, $0x38;
	[tilespmem:$0x8400] =	vst v63  }
0x1a6: {  	_ =	swait.ge [sflag:s19], $0x2000  }
0x1a7: {  	[sflag:s19] =	ssyncset.done $0x0  }
0x1a8: {  	s28 =	simm.s32 $0x0;
	[sflag:s19] =	ssyncadd.s32 $0xFFFFE000  }
0x1a9: {  	v3 =	vld [tilespmem:s28+$0x4050]  }
0x1aa: {  	v5 =	vld [tilespmem:s28+$0x4030]  }
0x1ab: {  	v4 =	vld [tilespmem:s28+$0x40D0]  }
0x1ac: {  	v7 =	vld [tilespmem:s28+$0x40F0]  }
0x1ad: {  	v8 =	vld [tilespmem:s28+$0x4090]  }
0x1ae: {  	v9 =	vld [tilespmem:s28+$0x4070]  }
0x1af: {  	v11 =	vld [tilespmem:s28+$0x40A0]  }
0x1b0: {  	v10 =	vld [tilespmem:s28+$0x4010]  }
0x1b1: {  	v12 =	vld [tilespmem:s28+$0x4040]  }
0x1b2: {  	v13 =	vld [tilespmem:s28+$0x4080]  }
0x1b3: {  	v14 =	vld [tilespmem:s28+$0x4000]  }
0x1b4: {  	v15 =	vld [tilespmem:s28+$0x40E0]  }
0x1b5: {  	v16 =	vld [tilespmem:s28+$0x4020]  }
0x1b6: {  	v17 =	vld [tilespmem:s28+$0x40B0]  }
0x1b7: {  	v18 =	vld [tilespmem:s28+$0x40C0]  }
0x1b8: {  	v19 =	vld [tilespmem:s28+$0x4060]  }
0x1b9: {  	v6 =	vimm.f32 $-Inf;
	v20 =	vmin.f32 v12, v3;
	v21 =	vmax.f32 v13, v8  }
0x1ba: {  	v22 =	vmax.f32 v14, v10;
	v10 =	vmin.f32 v14, v10;
	v13 =	vmin.f32 v13, v8  }
0x1bb: {  	s31 =	simm.s32 $0x100;
	v8 =	vmin.f32 v15, v7;
	v14 =	vmin.f32 v16, v5;
	v24 =	vmin.f32 v11, v17  }
0x1bc: {  	v28 =	vld [tilespmem:s31+$0x4010];
	v23 =	vmin.f32 v18, v4;
	v18 =	vmax.f32 v18, v4;
	v12 =	vmax.f32 v12, v3  }
0x1bd: {  	v29 =	vld [tilespmem:s31+$0x4080];
	v25 =	vmax.f32 v19, v9;
	v7 =	vmax.f32 v15, v7;
	v5 =	vmax.f32 v16, v5  }
0x1be: {  	v27 =	vld [tilespmem:s31+$0x40E0];
	v9 =	vmin.f32 v19, v9;
	v11 =	vmax.f32 v11, v17;
	v14 =	vmax.f32 v10, v14  }
0x1bf: {  	v4 =	vld [tilespmem:s31+$0x4030];
	v15 =	vmax.f32 v23, v8;
	v23 =	vmax.f32 v12, v25;
	v26 =	vmax.f32 v18, v7  }
0x1c0: {  	v3 =	vld [tilespmem:s31+$0x40D0];
	v7 =	vmin.f32 v18, v7;
	v16 =	vmax.f32 v22, v5;
	v9 =	vmax.f32 v20, v9  }
0x1c1: {  	v19 =	vld [tilespmem:s31+$0x4040];
	v18 =	vmax.f32 v21, v11;
	v5 =	vmin.f32 v22, v5;
	v12 =	vmin.f32 v12, v25  }
0x1c2: {  	v10 =	vld [tilespmem:s31+$0x4050];
	v13 =	vmax.f32 v13, v24;
	v11 =	vmin.f32 v21, v11;
	v17 =	vmax.f32 v16, v23  }
0x1c3: {  	v8 =	vld [tilespmem:s31+$0x40F0];
	v7 =	vmax.f32 v7, v15;
	v15 =	vmin.f32 v16, v23;
	v5 =	vmax.f32 v5, v14  }
0x1c4: {  	v20 =	vld [tilespmem:s31+$0x4090];
	v9 =	vmax.f32 v12, v9;
	v11 =	vmax.f32 v11, v13;
	v13 =	vmax.f32 v18, v26  }
0x1c5: {  	v14 =	vld [tilespmem:s31+$0x4000];
	v18 =	vmin.f32 v18, v26;
	v22 =	vmin.f32 v6, v17;
	v9 =	vmax.f32 v5, v9  }
0x1c6: {  	v16 =	vmax.f32 v6, v17;
	v17 =	vmax.f32 v11, v7;
	v7 =	vld [tilespmem:s31+$0x40A0];
	v23 =	vmin.f32 v6, v22  }
0x1c7: {  	v12 =	vmax.f32 v16, v13;
	v9 =	vmax.f32 v15, v9;
	v15 =	vmin.f32 v16, v13;
	v16 =	vld [tilespmem:s31+$0x40C0]  }
0x1c8: {  	v21 =	vmax.f32 v6, v22;
	v26 =	vmax.f32 v18, v17;
	v17 =	vld [tilespmem:s31+$0x4020];
	v30 =	vmax.f32 v6, v23  }
0x1c9: {  	v18 =	vld [tilespmem:s31+$0x40B0];
	v24 =	vmax.f32 v6, v9;
	v13 =	vmax.f32 v21, v15;
	v31 =	vmin.f32 v21, v15  }
0x1ca: {  	v5 =	vld [tilespmem:s31+$0x4070];
	v11 =	vmin.f32 v19, v10;
	v9 =	vmax.f32 v29, v20;
	v22 =	vmin.f32 v30, v31  }
0x1cb: {  	v21 =	vld [tilespmem:s31+$0x4060];
	v15 =	vmax.f32 v14, v28;
	v25 =	vmin.f32 v14, v28;
	v14 =	vmin.f32 v29, v20  }
0x1cc: {  	s28 =	simm.s32 $0x800;
	v28 =	vmin.f32 v27, v8;
	v20 =	vmax.f32 v30, v31;
	v29 =	vimm.f32 $-Inf  }
.LBB2_15:
0x1cd: {  	s29 =	sshra.s32 s28, $0x2;
	p0 =	sne.s32 s28, $0x7C00;
	s28 =	sadd.s32 $0x400, s28;
	v23 =	vmin.f32 v6, v23;
	v24 =	vmax.f32 v24, v26;
	v6 =	vmov v20  }
0x1ce: {  	v30 =	vmin.f32 v17, v4;
	v32 =	vmin.f32 v16, v3;
	v26 =	vld [tilespmem:s29+$0x4050];
	v31 =	vmin.f32 v7, v18  }
0x1cf: {  	v16 =	vmax.f32 v16, v3;
	v25 =	vmax.f32 v25, v30;
	v28 =	vmax.f32 v32, v28;
	v33 =	vld [tilespmem:s29+$0x4030]  }
0x1d0: {  	v30 =	vmax.f32 v19, v10;
	v10 =	vmax.f32 v27, v8;
	v3 =	vld [tilespmem:s29+$0x40D0];
	v32 =	vmax.f32 v21, v5  }
0x1d1: {  	v27 =	vmax.f32 v29, v23;
	v34 =	vmax.f32 v16, v10;
	v8 =	vld [tilespmem:s29+$0x40F0];
	v19 =	vmax.f32 v30, v32  }
0x1d2: {  	v17 =	vmax.f32 v17, v4;
	v16 =	vmin.f32 v16, v10;
	v23 =	vmin.f32 v21, v5;
	v35 =	vld [tilespmem:s29+$0x4090]  }
0x1d3: {  	v18 =	vmax.f32 v7, v18;
	v21 =	vmax.f32 v15, v17;
	v11 =	vmax.f32 v11, v23;
	v5 =	vld [tilespmem:s29+$0x4070];
	v10 =	vmovc v26  }
0x1d4: {  	v36 =	vmax.f32 v9, v18;
	v28 =	vmax.f32 v16, v28;
	v26 =	vmax.f32 v21, v19;
	v7 =	vld [tilespmem:s29+$0x40A0];
	v4 =	vmovc v33  }
0x1d5: {  	v15 =	vmin.f32 v15, v17;
	v21 =	vmin.f32 v21, v19;
	v37 =	vmin.f32 v12, v26;
	v33 =	vld [tilespmem:s29+$0x4010]  }
0x1d6: {  	v14 =	vmax.f32 v14, v31;
	v16 =	vmin.f32 v30, v32;
	v23 =	vmin.f32 v13, v37;
	v19 =	vld [tilespmem:s29+$0x4040]  }
0x1d7: {  	v9 =	vmin.f32 v9, v18;
	v15 =	vmax.f32 v15, v25;
	v11 =	vmax.f32 v16, v11;
	v30 =	vld [tilespmem:s29+$0x4080]  }
0x1d8: {  	v29 =	vmax.f32 v27, v22;
	v9 =	vmax.f32 v9, v14;
	v14 =	vmax.f32 v36, v34;
	v16 =	vld [tilespmem:s29+$0x40C0]  }
0x1d9: {  	v9 =	vmax.f32 v9, v28;
	v15 =	vmax.f32 v15, v11;
	v18 =	vmax.f32 v12, v26;
	v22 =	vld [tilespmem:s29+$0x4000]  }
0x1da: {  	v25 =	vmin.f32 v36, v34;
	v12 =	vmax.f32 v18, v14;
	v20 =	vmax.f32 v20, v23;
	v27 =	vld [tilespmem:s29+$0x40E0]  }
.Ltmp10:
0x1db: {  	v15 =	vmax.f32 v21, v15;
	v14 =	vmin.f32 v18, v14;
	v17 =	vld [tilespmem:s29+$0x4020];
	v11 =	vmin.f32 v19, v10;
	(pc) =	sbr.rel @p0 .LBB2_15-.Ltmp10, $4  }
0x1dc: {  	v26 =	vmax.f32 v25, v9;
	v24 =	vmax.f32 v24, v15;
	v15 =	vmax.f32 v13, v37;
	v18 =	vld [tilespmem:s29+$0x40B0]  }
0x1dd: {  	v13 =	vmax.f32 v15, v14;
	v31 =	vmin.f32 v15, v14;
	v9 =	vmax.f32 v30, v35  }
0x1de: {  	v21 =	vld [tilespmem:s29+$0x4060];
	v15 =	vmax.f32 v22, v33;
	v25 =	vmin.f32 v22, v33;
	v22 =	vmin.f32 v20, v31  }
0x1df: {  	v14 =	vmin.f32 v30, v35;
	v20 =	vmax.f32 v20, v31;
	v28 =	vmin.f32 v27, v8  }
0x1e0: {  	_ =	sdelay $0x1  }
0x1e1: {  	v6 =	vmin.f32 v6, v23;
	v42 =	vmax.f32 v16, v3;
	v10 =	vmax.f32 v19, v10  }
0x1e2: {  	v8 =	vmax.f32 v27, v8;
	v44 =	vmax.f32 v17, v4;
	v43 =	vmax.f32 v21, v5  }
0x1e3: {  	v31 =	vmax.f32 v15, v44;
	v32 =	vmax.f32 v7, v18;
	v30 =	vmax.f32 v10, v43  }
0x1e4: {  	v33 =	vmax.f32 v42, v8;
	v35 =	vmax.f32 v9, v32;
	v34 =	vmax.f32 v31, v30  }
0x1e5: {  	v6 =	vmax.f32 v29, v6;
	v45 =	vmax.f32 v35, v33;
	v36 =	vmax.f32 v12, v34  }
0x1e6: {  	v6 =	vmax.f32 v6, v22;
	v46 =	vmin.f32 v12, v34;
	v47 =	vmax.f32 v36, v45  }
0x1e7: {  	v29 =	vmin.f32 v36, v45;
	v34 =	vmin.f32 v13, v46;
	v12 =	vmax.f32 v13, v46  }
0x1e8: {  	v13 =	vmax.f32 v12, v29;
	v12 =	vmin.f32 v12, v29;
	v48 =	vmax.f32 v20, v34  }
0x1e9: {  	v49 =	vmin.f32 v20, v34;
	(xrf1) =	vsort.dscd.msk.f32 $0xffff, v47, v47;
	v50 =	vmin.f32 v48, v12  }
0x1ea: {  	v12 =	vmax.f32 v48, v12;
	v6 =	vmax.f32 v6, v49;
	(xrf1) =	vsort.dscd.msk.f32 $0xffff, v13, v13  }
0x1eb: {  	v6 =	vmax.f32 v6, v50;
	(xrf1) =	vsort.dscd.msk.f32 $0xffff, v12, v12  }
0x1ec: {  	(xrf1) =	vsort.dscd.msk.f32 $0xffff, v6, v6;
	_ =	sdelay $0xa  }
0x1ed: {  	v51, _, _ =	vpop (xrf1)  }
0x1ee: {  	v13, _, _ =	vpop (xrf1)  }
0x1ef: {  	v52, _, _ =	vpop (xrf1)  }
0x1f0: {  	v13 =	vperm.xlane v13, v0;
	v53, _, _ =	vpop (xrf1)  }
0x1f1: {  	v22 =	vperm.xlane v53, v0  }
0x1f2: {  	v12 =	vsel vm0, v51, v13  }
0x1f3: {  	(xrf1) =	vsort.dscd.msk.f32 $0xffff, v12, v12;
	v54 =	vsel vm0, v52, v22  }
0x1f4: {  	(xrf1) =	vsort.dscd.msk.f32 $0xffff, v54, v54;
	_ =	sdelay $0xc  }
0x1f5: {  	v55, _, _ =	vpop (xrf1)  }
0x1f6: {  	v56, _, _ =	vpop (xrf1)  }
0x1f7: {  	v13 =	vperm.xlane v56, v0;
	_ =	sdelay $0x1  }
0x1f8: {  	v12 =	vsel vm0, v55, v13  }
0x1f9: {  	(xrf1) =	vsort.dscd.msk.f32 $0xffff, v12, v12;
	_ =	sdelay $0x9  }
0x1fa: {  	v3 =	vmin.f32 v16, v3  }
0x1fb: {  	v3 =	vmax.f32 v3, v28  }
0x1fc: {  	v57 =	vmax.f32 v24, v26;
	v4 =	vmin.f32 v17, v4  }
0x1fd: {  	v58 =	vmin.f32 v7, v18;
	v8 =	vmin.f32 v42, v8;
	v4 =	vmax.f32 v25, v4  }
0x1fe: {  	v59 =	vmin.f32 v15, v44;
	v8 =	vmax.f32 v8, v3;
	v5 =	vmin.f32 v21, v5;
	v3, _, _ =	vpop (xrf1)  }
0x1ff: {  	v7 =	vmax.f32 v14, v58;
	v5 =	vmax.f32 v11, v5;
	v10 =	vmin.f32 v10, v43;
	[tilespmem:$0x8000] =	vst v3  }
0x200: {  	v4 =	vmax.f32 v59, v4;
	v60 =	vmin.f32 v9, v32;
	v5 =	vmax.f32 v10, v5;
	v61 =	vld.idx.msk [tilespmem:v1+s17+$0x0], $0xffff  }
0x201: {  	v7 =	vmax.f32 v60, v7;
	v62 =	vmin.f32 v31, v30;
	v4 =	vmax.f32 v4, v5  }
0x202: {  	v63 =	vmin.f32 v35, v33;
	v5 =	vmax.f32 v7, v8;
	v4 =	vmax.f32 v62, v4  }
0x203: {  	v5 =	vmax.f32 v63, v5;
	v4 =	vmax.f32 v57, v4  }
0x204: {  	v4 =	vmax.f32 v4, v5  }
0x205: {  	vm1 =	vgt.f32 v6, v61;
	vm2 =	vgt.f32 v4, v61  }
0x206: {  	vm1 =	vmor vm1, vm2  }
0x207: {  	v4 =	vsel vm1, $0x3F800000, v2  }
0x208: {  	(xrf0) =	vmax.scan.msk.f32 $0xffff, v4;
	_ =	sdelay $0x5  }
0x209: {  	v4, _, _ =	vpop (xrf0)  }
0x20a: {  	(v2sf) =	vpush v4, $0xF;
	_ =	sdelay $0xe  }
0x20b: {  	s28 =	spop (v2sf)  }
0x20c: {  	p0 =	sgt.f32 s28, $0.0e+00  }
.Ltmp11:
0x20d: {  	_ = 	snop;
	(pc) =	sbr.rel @!p0 .LBB2_20-.Ltmp11, $1  }
0x20e: {  	_ =	sdelay $0x3  }
0x20f: {  	s28 =	simm.s32 $0x0  }
0x210: {  	v4 =	vld [tilespmem:s28+$0x4000];
	_ =	sdelay $0x1  }
0x211: {  	v5 =	vld [tilespmem:s28+$0x4010]  }
0x212: {  	v6 =	vld [tilespmem:s28+$0x4020]  }
0x213: {  	v3 =	vimm.f32 $-Inf  }
0x214: {  	v7 =	vmin.f32 v3, v4  }
0x215: {  	v4 =	vmax.f32 v3, v4;
	v8 =	vmax.f32 v3, v7  }
0x216: {  	v7 =	vmin.f32 v3, v7;
	v9 =	vmax.f32 v4, v5;
	v4 =	vmin.f32 v4, v5  }
0x217: {  	v12 =	vld [tilespmem:s28+$0x4030];
	v5 =	vmax.f32 v3, v7;
	v11 =	vmax.f32 v9, v6;
	v10 =	vmin.f32 v8, v4  }
0x218: {  	v7 =	vmin.f32 v3, v7;
	v4 =	vmax.f32 v8, v4;
	v6 =	vmin.f32 v9, v6  }
0x219: {  	v8 =	vmax.f32 v5, v10;
	v5 =	vmin.f32 v5, v10;
	v9 =	vmax.f32 v3, v7  }
0x21a: {  	v7 =	vmin.f32 v3, v7;
	v16 =	vmax.f32 v4, v6;
	v4 =	vmin.f32 v4, v6  }
0x21b: {  	v6 =	vmax.f32 v3, v7;
	v10 =	vmax.f32 v9, v5;
	v13 =	vmax.f32 v8, v4  }
0x21c: {  	v4 =	vmin.f32 v8, v4;
	v8 =	vmin.f32 v11, v12;
	v9 =	vmin.f32 v9, v5  }
0x21d: {  	v17 =	vmax.f32 v10, v4;
	v10 =	vmin.f32 v10, v4;
	v4 =	vmin.f32 v3, v7  }
0x21e: {  	v7 =	vmax.f32 v11, v12;
	v12 =	vmin.f32 v16, v8;
	v11 =	vmax.f32 v6, v9  }
0x21f: {  	v5 =	vmax.f32 v13, v12;
	v18 =	vmin.f32 v13, v12;
	v15 =	vmin.f32 v3, v4  }
0x220: {  	v12 =	vmin.f32 v6, v9;
	v14 =	vmax.f32 v11, v10;
	v9 =	vmax.f32 v16, v8  }
0x221: {  	v16 =	vmax.f32 v3, v4;
	v8 =	vimm.f32 $-Inf;
	v13 =	vmin.f32 v17, v18  }
0x222: {  	s28 =	simm.s32 $0x100;
	v6 =	vmax.f32 v17, v18;
	v17 =	vmin.f32 v3, v15;
	v4 =	vmax.f32 v14, v13  }
.LBB2_18:
0x223: {  	s29 =	sshra.s32 s28, $0x2;
	p0 =	sne.s32 s28, $0x7F00;
	s28 =	sadd.s32 $0x100, s28;
	v3 =	vmax.f32 v3, v15;
	v15 =	vmin.f32 v16, v12;
	v10 =	vmin.f32 v11, v10  }
0x224: {  	v8 =	vmax.f32 v8, v17;
	v12 =	vmax.f32 v16, v12;
	v13 =	vmin.f32 v14, v13;
	v11 =	vld [tilespmem:s29+$0x4000]  }
0x225: {  	v16 =	vmax.f32 v3, v15;
	v3 =	vmin.f32 v3, v15;
	v15 =	vmax.f32 v12, v10;
	v14 =	vld [tilespmem:s29+$0x4010]  }
0x226: {  	v3 =	vmax.f32 v8, v3;
	v8 =	vmin.f32 v12, v10;
	v18 =	vmax.f32 v15, v13;
	v17 =	vld [tilespmem:s29+$0x4020]  }
0x227: {  	v12 =	vmin.f32 v15, v13;
	v10 =	vmax.f32 v16, v8;
	v8 =	vmin.f32 v16, v8  }
0x228: {  	v8 =	vmax.f32 v3, v8;
	v3 =	vmax.f32 v10, v12;
	v10 =	vmin.f32 v10, v12  }
0x229: {  	v8 =	vmax.f32 v8, v10;
	v12 =	vmax.f32 v7, v11;
	v7 =	vmin.f32 v7, v11  }
0x22a: {  	v10 =	vmax.f32 v9, v7;
	v7 =	vmin.f32 v9, v7;
	v9 =	vmax.f32 v12, v14  }
0x22b: {  	v12 =	vmin.f32 v12, v14;
	v11 =	vmax.f32 v5, v7;
	v13 =	vmax.f32 v9, v17;
	v14 =	vld [tilespmem:s29+$0x4030]  }
0x22c: {  	v5 =	vmin.f32 v5, v7;
	v7 =	vmax.f32 v10, v12;
	v10 =	vmin.f32 v10, v12  }
0x22d: {  	v9 =	vmin.f32 v9, v17;
	v12 =	vmax.f32 v11, v10;
	v10 =	vmin.f32 v11, v10  }
0x22e: {  	v11 =	vmax.f32 v6, v5;
	v5 =	vmin.f32 v6, v5;
	v6 =	vmax.f32 v7, v9  }
0x22f: {  	v7 =	vmin.f32 v7, v9;
	v16 =	vmax.f32 v4, v5;
	v15 =	vmax.f32 v11, v10  }
0x230: {  	v9 =	vmax.f32 v12, v7;
	v7 =	vmin.f32 v12, v7;
	v17 =	vmin.f32 v13, v14  }
0x231: {  	v12 =	vmin.f32 v11, v10;
	v19 =	vmax.f32 v15, v7;
	v10 =	vmin.f32 v15, v7  }
.Ltmp12:
0x232: {  	v4 =	vmin.f32 v4, v5;
	v7 =	vmax.f32 v13, v14;
	v13 =	vmin.f32 v6, v17;
	(pc) =	sbr.rel @p0 .LBB2_18-.Ltmp12, $4  }
0x233: {  	v11 =	vmax.f32 v16, v12;
	v5 =	vmax.f32 v9, v13;
	v20 =	vmin.f32 v9, v13  }
0x234: {  	v15 =	vmin.f32 v18, v4;
	v12 =	vmin.f32 v16, v12;
	v13 =	vmin.f32 v19, v20  }
0x235: {  	v14 =	vmax.f32 v11, v10;
	v9 =	vmax.f32 v6, v17;
	v6 =	vmax.f32 v19, v20  }
0x236: {  	v16 =	vmax.f32 v18, v4;
	v17 =	vmin.f32 v3, v15;
	v4 =	vmax.f32 v14, v13  }
0x237: {  	v3 =	vmax.f32 v3, v15;
	v50 =	vmin.f32 v16, v12;
	v10 =	vmin.f32 v11, v10  }
0x238: {  	v8 =	vmax.f32 v8, v17;
	v51 =	vmax.f32 v16, v12;
	v52 =	vmin.f32 v14, v13  }
0x239: {  	(xrf1) =	vsort.dscd.msk.f32 $0xffff, v7, v7;
	v53 =	vmax.f32 v3, v50;
	v3 =	vmin.f32 v3, v50  }
0x23a: {  	v54 =	vmax.f32 v51, v10;
	(xrf1) =	vsort.dscd.msk.f32 $0xffff, v9, v9;
	v55 =	vmin.f32 v51, v10  }
0x23b: {  	v3 =	vmax.f32 v8, v3;
	v56 =	vmax.f32 v54, v52;
	(xrf1) =	vsort.dscd.msk.f32 $0xffff, v5, v5  }
0x23c: {  	v5 =	vmax.f32 v53, v55;
	v8 =	vmin.f32 v53, v55;
	(xrf1) =	vsort.dscd.msk.f32 $0xffff, v6, v6  }
0x23d: {  	v57 =	vmin.f32 v54, v52;
	v3 =	vmax.f32 v3, v8;
	(xrf1) =	vsort.dscd.msk.f32 $0xffff, v4, v4  }
0x23e: {  	v4 =	vmax.f32 v5, v57;
	v5 =	vmin.f32 v5, v57;
	(xrf1) =	vsort.dscd.msk.f32 $0xffff, v56, v56  }
0x23f: {  	v3 =	vmax.f32 v3, v5;
	(xrf1) =	vsort.dscd.msk.f32 $0xffff, v4, v4  }
0x240: {  	(xrf1) =	vsort.dscd.msk.f32 $0xffff, v3, v3;
	_ =	sdelay $0x6  }
0x241: {  	v3, _, _ =	vpop (xrf1)  }
0x242: {  	v4, _, _ =	vpop (xrf1)  }
0x243: {  	v5, _, _ =	vpop (xrf1)  }
0x244: {  	v58, _, _ =	vpop (xrf1)  }
0x245: {  	v59, _, _ =	vpop (xrf1)  }
0x246: {  	v4 =	vperm.xlane v4, v0;
	v60, _, _ =	vpop (xrf1)  }
0x247: {  	v6 =	vperm.xlane v58, v0;
	v61, _, _ =	vpop (xrf1)  }
0x248: {  	v3 =	vsel vm0, v3, v4;
	v4 =	vperm.xlane v60, v0;
	v62, _, _ =	vpop (xrf1)  }
0x249: {  	(xrf1) =	vsort.dscd.msk.f32 $0xffff, v3, v3;
	v3 =	vsel vm0, v5, v6;
	v5 =	vperm.xlane v62, v0  }
0x24a: {  	(xrf1) =	vsort.dscd.msk.f32 $0xffff, v3, v3;
	v3 =	vsel vm0, v59, v4  }
0x24b: {  	(xrf1) =	vsort.dscd.msk.f32 $0xffff, v3, v3;
	v3 =	vsel vm0, v61, v5  }
0x24c: {  	(xrf1) =	vsort.dscd.msk.f32 $0xffff, v3, v3;
	_ =	sdelay $0xa  }
0x24d: {  	v3, _, _ =	vpop (xrf1)  }
0x24e: {  	v4, _, _ =	vpop (xrf1)  }
0x24f: {  	v5, _, _ =	vpop (xrf1)  }
0x250: {  	v4 =	vperm.xlane v4, v0;
	v63, _, _ =	vpop (xrf1)  }
0x251: {  	v6 =	vperm.xlane v63, v0  }
0x252: {  	v3 =	vsel vm0, v3, v4  }
0x253: {  	(xrf1) =	vsort.dscd.msk.f32 $0xffff, v3, v3;
	v3 =	vsel vm0, v5, v6  }
0x254: {  	(xrf1) =	vsort.dscd.msk.f32 $0xffff, v3, v3;
	_ =	sdelay $0xc  }
0x255: {  	v3, _, _ =	vpop (xrf1)  }
0x256: {  	v4, _, _ =	vpop (xrf1)  }
0x257: {  	v4 =	vperm.xlane v4, v0;
	_ =	sdelay $0x1  }
0x258: {  	v3 =	vsel vm0, v3, v4  }
0x259: {  	(xrf1) =	vsort.dscd.msk.f32 $0xffff, v3, v3;
	_ =	sdelay $0xd  }
0x25a: {  	v3, _, _ =	vpop (xrf1)  }
.LBB2_20:
0x25b: {  	s28 =	smin.u32 s25, $0x59  }
0x25c: {  	s28 =	sadd.s32 $0x6, s28  }
0x25d: {  	s29 =	sadd.s32 s4, s28;
	s28 =	sshll.u32 s28, $0x4  }
0x25e: {  	s29 =	sshll.u32 s29, $0xA;
	s28 =	sand.u32 $0x70, s28  }
0x25f: {  	s29 =	sand.u32 $0x7FE000, s29;
	s28 =	sadd.s32 s2, s28  }
0x260: {  	[tilespmem:s26+$0x8090] =	vst.msk $0xff, v3;
	s28 =	sadd.s32 s29, s28  }
0x261: {  	[tilespmem:s14], [sflag:$0x3] =	stream.strided.gather [hbm4b:s28+s11], $0x2000, s12, s11, $0x38;
	[tilespmem:$0x8400] =	vst v63  }
0x262: {  	_ =	swait.ge [sflag:s20], $0x2000  }
0x263: {  	[sflag:s20] =	ssyncset.done $0x0  }
0x264: {  	s28 =	simm.s32 $0x0;
	[sflag:s20] =	ssyncadd.s32 $0xFFFFE000  }
0x265: {  	v3 =	vld [tilespmem:s28+$0x6050]  }
0x266: {  	v5 =	vld [tilespmem:s28+$0x6030]  }
0x267: {  	v4 =	vld [tilespmem:s28+$0x60D0]  }
0x268: {  	v7 =	vld [tilespmem:s28+$0x60F0]  }
0x269: {  	v8 =	vld [tilespmem:s28+$0x6090]  }
0x26a: {  	v9 =	vld [tilespmem:s28+$0x6070]  }
0x26b: {  	v11 =	vld [tilespmem:s28+$0x60A0]  }
0x26c: {  	v10 =	vld [tilespmem:s28+$0x6010]  }
0x26d: {  	v12 =	vld [tilespmem:s28+$0x6040]  }
0x26e: {  	v13 =	vld [tilespmem:s28+$0x6080]  }
0x26f: {  	v14 =	vld [tilespmem:s28+$0x6000]  }
0x270: {  	v15 =	vld [tilespmem:s28+$0x60E0]  }
0x271: {  	v16 =	vld [tilespmem:s28+$0x6020]  }
0x272: {  	v17 =	vld [tilespmem:s28+$0x60B0]  }
0x273: {  	v18 =	vld [tilespmem:s28+$0x60C0]  }
0x274: {  	v19 =	vld [tilespmem:s28+$0x6060]  }
0x275: {  	v6 =	vimm.f32 $-Inf;
	v20 =	vmin.f32 v12, v3;
	v21 =	vmax.f32 v13, v8  }
0x276: {  	v22 =	vmax.f32 v14, v10;
	v10 =	vmin.f32 v14, v10;
	v13 =	vmin.f32 v13, v8  }
0x277: {  	s31 =	simm.s32 $0x100;
	v8 =	vmin.f32 v15, v7;
	v14 =	vmin.f32 v16, v5;
	v24 =	vmin.f32 v11, v17  }
0x278: {  	v28 =	vld [tilespmem:s31+$0x6010];
	v23 =	vmin.f32 v18, v4;
	v18 =	vmax.f32 v18, v4;
	v12 =	vmax.f32 v12, v3  }
0x279: {  	v29 =	vld [tilespmem:s31+$0x6080];
	v25 =	vmax.f32 v19, v9;
	v7 =	vmax.f32 v15, v7;
	v5 =	vmax.f32 v16, v5  }
0x27a: {  	v27 =	vld [tilespmem:s31+$0x60E0];
	v9 =	vmin.f32 v19, v9;
	v11 =	vmax.f32 v11, v17;
	v14 =	vmax.f32 v10, v14  }
0x27b: {  	v4 =	vld [tilespmem:s31+$0x6030];
	v15 =	vmax.f32 v23, v8;
	v23 =	vmax.f32 v12, v25;
	v26 =	vmax.f32 v18, v7  }
0x27c: {  	v3 =	vld [tilespmem:s31+$0x60D0];
	v7 =	vmin.f32 v18, v7;
	v16 =	vmax.f32 v22, v5;
	v9 =	vmax.f32 v20, v9  }
0x27d: {  	v19 =	vld [tilespmem:s31+$0x6040];
	v18 =	vmax.f32 v21, v11;
	v5 =	vmin.f32 v22, v5;
	v12 =	vmin.f32 v12, v25  }
0x27e: {  	v10 =	vld [tilespmem:s31+$0x6050];
	v13 =	vmax.f32 v13, v24;
	v11 =	vmin.f32 v21, v11;
	v17 =	vmax.f32 v16, v23  }
0x27f: {  	v8 =	vld [tilespmem:s31+$0x60F0];
	v7 =	vmax.f32 v7, v15;
	v15 =	vmin.f32 v16, v23;
	v5 =	vmax.f32 v5, v14  }
0x280: {  	v20 =	vld [tilespmem:s31+$0x6090];
	v9 =	vmax.f32 v12, v9;
	v11 =	vmax.f32 v11, v13;
	v13 =	vmax.f32 v18, v26  }
0x281: {  	v14 =	vld [tilespmem:s31+$0x6000];
	v18 =	vmin.f32 v18, v26;
	v22 =	vmin.f32 v6, v17;
	v9 =	vmax.f32 v5, v9  }
0x282: {  	v16 =	vmax.f32 v6, v17;
	v17 =	vmax.f32 v11, v7;
	v7 =	vld [tilespmem:s31+$0x60A0];
	v23 =	vmin.f32 v6, v22  }
0x283: {  	v12 =	vmax.f32 v16, v13;
	v9 =	vmax.f32 v15, v9;
	v15 =	vmin.f32 v16, v13;
	v16 =	vld [tilespmem:s31+$0x60C0]  }
0x284: {  	v21 =	vmax.f32 v6, v22;
	v26 =	vmax.f32 v18, v17;
	v17 =	vld [tilespmem:s31+$0x6020];
	v30 =	vmax.f32 v6, v23  }
0x285: {  	v18 =	vld [tilespmem:s31+$0x60B0];
	v24 =	vmax.f32 v6, v9;
	v13 =	vmax.f32 v21, v15;
	v31 =	vmin.f32 v21, v15  }
0x286: {  	v5 =	vld [tilespmem:s31+$0x6070];
	v11 =	vmin.f32 v19, v10;
	v9 =	vmax.f32 v29, v20;
	v22 =	vmin.f32 v30, v31  }
0x287: {  	v21 =	vld [tilespmem:s31+$0x6060];
	v15 =	vmax.f32 v14, v28;
	v25 =	vmin.f32 v14, v28;
	v14 =	vmin.f32 v29, v20  }
0x288: {  	s28 =	simm.s32 $0x800;
	v28 =	vmin.f32 v27, v8;
	v20 =	vmax.f32 v30, v31;
	v29 =	vimm.f32 $-Inf  }
.LBB2_21:
0x289: {  	s29 =	sshra.s32 s28, $0x2;
	p0 =	sne.s32 s28, $0x7C00;
	s28 =	sadd.s32 $0x400, s28;
	v23 =	vmin.f32 v6, v23;
	v24 =	vmax.f32 v24, v26;
	v6 =	vmov v20  }
0x28a: {  	v30 =	vmin.f32 v17, v4;
	v32 =	vmin.f32 v16, v3;
	v26 =	vld [tilespmem:s29+$0x6050];
	v31 =	vmin.f32 v7, v18  }
0x28b: {  	v16 =	vmax.f32 v16, v3;
	v25 =	vmax.f32 v25, v30;
	v28 =	vmax.f32 v32, v28;
	v33 =	vld [tilespmem:s29+$0x6030]  }
0x28c: {  	v30 =	vmax.f32 v19, v10;
	v10 =	vmax.f32 v27, v8;
	v3 =	vld [tilespmem:s29+$0x60D0];
	v32 =	vmax.f32 v21, v5  }
0x28d: {  	v27 =	vmax.f32 v29, v23;
	v34 =	vmax.f32 v16, v10;
	v8 =	vld [tilespmem:s29+$0x60F0];
	v19 =	vmax.f32 v30, v32  }
0x28e: {  	v17 =	vmax.f32 v17, v4;
	v16 =	vmin.f32 v16, v10;
	v23 =	vmin.f32 v21, v5;
	v35 =	vld [tilespmem:s29+$0x6090]  }
0x28f: {  	v18 =	vmax.f32 v7, v18;
	v21 =	vmax.f32 v15, v17;
	v11 =	vmax.f32 v11, v23;
	v5 =	vld [tilespmem:s29+$0x6070];
	v10 =	vmovc v26  }
0x290: {  	v36 =	vmax.f32 v9, v18;
	v28 =	vmax.f32 v16, v28;
	v26 =	vmax.f32 v21, v19;
	v7 =	vld [tilespmem:s29+$0x60A0];
	v4 =	vmovc v33  }
0x291: {  	v15 =	vmin.f32 v15, v17;
	v21 =	vmin.f32 v21, v19;
	v37 =	vmin.f32 v12, v26;
	v33 =	vld [tilespmem:s29+$0x6010]  }
0x292: {  	v14 =	vmax.f32 v14, v31;
	v16 =	vmin.f32 v30, v32;
	v23 =	vmin.f32 v13, v37;
	v19 =	vld [tilespmem:s29+$0x6040]  }
0x293: {  	v9 =	vmin.f32 v9, v18;
	v15 =	vmax.f32 v15, v25;
	v11 =	vmax.f32 v16, v11;
	v30 =	vld [tilespmem:s29+$0x6080]  }
0x294: {  	v29 =	vmax.f32 v27, v22;
	v9 =	vmax.f32 v9, v14;
	v14 =	vmax.f32 v36, v34;
	v16 =	vld [tilespmem:s29+$0x60C0]  }
0x295: {  	v9 =	vmax.f32 v9, v28;
	v15 =	vmax.f32 v15, v11;
	v18 =	vmax.f32 v12, v26;
	v22 =	vld [tilespmem:s29+$0x6000]  }
0x296: {  	v25 =	vmin.f32 v36, v34;
	v12 =	vmax.f32 v18, v14;
	v20 =	vmax.f32 v20, v23;
	v27 =	vld [tilespmem:s29+$0x60E0]  }
.Ltmp13:
0x297: {  	v15 =	vmax.f32 v21, v15;
	v14 =	vmin.f32 v18, v14;
	v17 =	vld [tilespmem:s29+$0x6020];
	v11 =	vmin.f32 v19, v10;
	(pc) =	sbr.rel @p0 .LBB2_21-.Ltmp13, $4  }
0x298: {  	v26 =	vmax.f32 v25, v9;
	v24 =	vmax.f32 v24, v15;
	v15 =	vmax.f32 v13, v37;
	v18 =	vld [tilespmem:s29+$0x60B0]  }
0x299: {  	v13 =	vmax.f32 v15, v14;
	v31 =	vmin.f32 v15, v14;
	v9 =	vmax.f32 v30, v35  }
0x29a: {  	v21 =	vld [tilespmem:s29+$0x6060];
	v15 =	vmax.f32 v22, v33;
	v25 =	vmin.f32 v22, v33;
	v22 =	vmin.f32 v20, v31  }
0x29b: {  	v14 =	vmin.f32 v30, v35;
	v20 =	vmax.f32 v20, v31;
	v28 =	vmin.f32 v27, v8  }
0x29c: {  	_ =	sdelay $0x1  }
0x29d: {  	v6 =	vmin.f32 v6, v23;
	v42 =	vmax.f32 v16, v3;
	v10 =	vmax.f32 v19, v10  }
0x29e: {  	v8 =	vmax.f32 v27, v8;
	v44 =	vmax.f32 v17, v4;
	v43 =	vmax.f32 v21, v5  }
0x29f: {  	v31 =	vmax.f32 v15, v44;
	v32 =	vmax.f32 v7, v18;
	v30 =	vmax.f32 v10, v43  }
0x2a0: {  	v33 =	vmax.f32 v42, v8;
	v35 =	vmax.f32 v9, v32;
	v34 =	vmax.f32 v31, v30  }
0x2a1: {  	v6 =	vmax.f32 v29, v6;
	v45 =	vmax.f32 v35, v33;
	v36 =	vmax.f32 v12, v34  }
0x2a2: {  	v6 =	vmax.f32 v6, v22;
	v46 =	vmin.f32 v12, v34;
	v47 =	vmax.f32 v36, v45  }
0x2a3: {  	v29 =	vmin.f32 v36, v45;
	v34 =	vmin.f32 v13, v46;
	v12 =	vmax.f32 v13, v46  }
0x2a4: {  	v13 =	vmax.f32 v12, v29;
	v12 =	vmin.f32 v12, v29;
	v48 =	vmax.f32 v20, v34  }
0x2a5: {  	v49 =	vmin.f32 v20, v34;
	(xrf1) =	vsort.dscd.msk.f32 $0xffff, v47, v47;
	v50 =	vmin.f32 v48, v12  }
0x2a6: {  	v12 =	vmax.f32 v48, v12;
	v6 =	vmax.f32 v6, v49;
	(xrf1) =	vsort.dscd.msk.f32 $0xffff, v13, v13  }
0x2a7: {  	v6 =	vmax.f32 v6, v50;
	(xrf1) =	vsort.dscd.msk.f32 $0xffff, v12, v12  }
0x2a8: {  	(xrf1) =	vsort.dscd.msk.f32 $0xffff, v6, v6;
	_ =	sdelay $0xa  }
0x2a9: {  	v51, _, _ =	vpop (xrf1)  }
0x2aa: {  	v13, _, _ =	vpop (xrf1)  }
0x2ab: {  	v52, _, _ =	vpop (xrf1)  }
0x2ac: {  	v13 =	vperm.xlane v13, v0;
	v53, _, _ =	vpop (xrf1)  }
0x2ad: {  	v22 =	vperm.xlane v53, v0  }
0x2ae: {  	v12 =	vsel vm0, v51, v13  }
0x2af: {  	(xrf1) =	vsort.dscd.msk.f32 $0xffff, v12, v12;
	v54 =	vsel vm0, v52, v22  }
0x2b0: {  	(xrf1) =	vsort.dscd.msk.f32 $0xffff, v54, v54;
	_ =	sdelay $0xc  }
0x2b1: {  	v55, _, _ =	vpop (xrf1)  }
0x2b2: {  	v56, _, _ =	vpop (xrf1)  }
0x2b3: {  	v13 =	vperm.xlane v56, v0;
	_ =	sdelay $0x1  }
0x2b4: {  	v12 =	vsel vm0, v55, v13  }
0x2b5: {  	(xrf1) =	vsort.dscd.msk.f32 $0xffff, v12, v12;
	_ =	sdelay $0x9  }
0x2b6: {  	v3 =	vmin.f32 v16, v3  }
0x2b7: {  	v3 =	vmax.f32 v3, v28  }
0x2b8: {  	v57 =	vmax.f32 v24, v26;
	v4 =	vmin.f32 v17, v4  }
0x2b9: {  	v58 =	vmin.f32 v7, v18;
	v8 =	vmin.f32 v42, v8;
	v4 =	vmax.f32 v25, v4  }
0x2ba: {  	v59 =	vmin.f32 v15, v44;
	v8 =	vmax.f32 v8, v3;
	v5 =	vmin.f32 v21, v5;
	v3, _, _ =	vpop (xrf1)  }
0x2bb: {  	v7 =	vmax.f32 v14, v58;
	v5 =	vmax.f32 v11, v5;
	v10 =	vmin.f32 v10, v43;
	[tilespmem:$0x8000] =	vst v3  }
0x2bc: {  	v4 =	vmax.f32 v59, v4;
	v60 =	vmin.f32 v9, v32;
	v5 =	vmax.f32 v10, v5;
	v61 =	vld.idx.msk [tilespmem:v1+s17+$0x0], $0xffff  }
0x2bd: {  	v7 =	vmax.f32 v60, v7;
	v62 =	vmin.f32 v31, v30;
	v4 =	vmax.f32 v4, v5  }
0x2be: {  	v63 =	vmin.f32 v35, v33;
	v5 =	vmax.f32 v7, v8;
	v4 =	vmax.f32 v62, v4  }
0x2bf: {  	v5 =	vmax.f32 v63, v5;
	v4 =	vmax.f32 v57, v4  }
0x2c0: {  	v4 =	vmax.f32 v4, v5  }
0x2c1: {  	vm1 =	vgt.f32 v6, v61;
	vm2 =	vgt.f32 v4, v61  }
0x2c2: {  	vm1 =	vmor vm1, vm2  }
0x2c3: {  	v4 =	vsel vm1, $0x3F800000, v2  }
0x2c4: {  	(xrf0) =	vmax.scan.msk.f32 $0xffff, v4;
	_ =	sdelay $0x5  }
0x2c5: {  	v4, _, _ =	vpop (xrf0)  }
0x2c6: {  	(v2sf) =	vpush v4, $0xF;
	_ =	sdelay $0xe  }
0x2c7: {  	s28 =	spop (v2sf)  }
0x2c8: {  	p0 =	sgt.f32 s28, $0.0e+00  }
.Ltmp14:
0x2c9: {  	_ = 	snop;
	(pc) =	sbr.rel @!p0 .LBB2_26-.Ltmp14, $1  }
0x2ca: {  	_ =	sdelay $0x3  }
0x2cb: {  	s28 =	simm.s32 $0x0  }
0x2cc: {  	v4 =	vld [tilespmem:s28+$0x6000];
	_ =	sdelay $0x1  }
0x2cd: {  	v5 =	vld [tilespmem:s28+$0x6010]  }
0x2ce: {  	v6 =	vld [tilespmem:s28+$0x6020]  }
0x2cf: {  	v3 =	vimm.f32 $-Inf  }
0x2d0: {  	v7 =	vmin.f32 v3, v4  }
0x2d1: {  	v4 =	vmax.f32 v3, v4;
	v8 =	vmax.f32 v3, v7  }
0x2d2: {  	v7 =	vmin.f32 v3, v7;
	v9 =	vmax.f32 v4, v5;
	v4 =	vmin.f32 v4, v5  }
0x2d3: {  	v12 =	vld [tilespmem:s28+$0x6030];
	v5 =	vmax.f32 v3, v7;
	v11 =	vmax.f32 v9, v6;
	v10 =	vmin.f32 v8, v4  }
0x2d4: {  	v7 =	vmin.f32 v3, v7;
	v4 =	vmax.f32 v8, v4;
	v6 =	vmin.f32 v9, v6  }
0x2d5: {  	v8 =	vmax.f32 v5, v10;
	v5 =	vmin.f32 v5, v10;
	v9 =	vmax.f32 v3, v7  }
0x2d6: {  	v7 =	vmin.f32 v3, v7;
	v16 =	vmax.f32 v4, v6;
	v4 =	vmin.f32 v4, v6  }
0x2d7: {  	v6 =	vmax.f32 v3, v7;
	v10 =	vmax.f32 v9, v5;
	v13 =	vmax.f32 v8, v4  }
0x2d8: {  	v4 =	vmin.f32 v8, v4;
	v8 =	vmin.f32 v11, v12;
	v9 =	vmin.f32 v9, v5  }
0x2d9: {  	v17 =	vmax.f32 v10, v4;
	v10 =	vmin.f32 v10, v4;
	v4 =	vmin.f32 v3, v7  }
0x2da: {  	v7 =	vmax.f32 v11, v12;
	v12 =	vmin.f32 v16, v8;
	v11 =	vmax.f32 v6, v9  }
0x2db: {  	v5 =	vmax.f32 v13, v12;
	v18 =	vmin.f32 v13, v12;
	v15 =	vmin.f32 v3, v4  }
0x2dc: {  	v12 =	vmin.f32 v6, v9;
	v14 =	vmax.f32 v11, v10;
	v9 =	vmax.f32 v16, v8  }
0x2dd: {  	v16 =	vmax.f32 v3, v4;
	v8 =	vimm.f32 $-Inf;
	v13 =	vmin.f32 v17, v18  }
0x2de: {  	s28 =	simm.s32 $0x100;
	v6 =	vmax.f32 v17, v18;
	v17 =	vmin.f32 v3, v15;
	v4 =	vmax.f32 v14, v13  }
.LBB2_24:
0x2df: {  	s29 =	sshra.s32 s28, $0x2;
	p0 =	sne.s32 s28, $0x7F00;
	s28 =	sadd.s32 $0x100, s28;
	v3 =	vmax.f32 v3, v15;
	v15 =	vmin.f32 v16, v12;
	v10 =	vmin.f32 v11, v10  }
0x2e0: {  	v8 =	vmax.f32 v8, v17;
	v12 =	vmax.f32 v16, v12;
	v13 =	vmin.f32 v14, v13;
	v11 =	vld [tilespmem:s29+$0x6000]  }
0x2e1: {  	v16 =	vmax.f32 v3, v15;
	v3 =	vmin.f32 v3, v15;
	v15 =	vmax.f32 v12, v10;
	v14 =	vld [tilespmem:s29+$0x6010]  }
0x2e2: {  	v3 =	vmax.f32 v8, v3;
	v8 =	vmin.f32 v12, v10;
	v18 =	vmax.f32 v15, v13;
	v17 =	vld [tilespmem:s29+$0x6020]  }
0x2e3: {  	v12 =	vmin.f32 v15, v13;
	v10 =	vmax.f32 v16, v8;
	v8 =	vmin.f32 v16, v8  }
0x2e4: {  	v8 =	vmax.f32 v3, v8;
	v3 =	vmax.f32 v10, v12;
	v10 =	vmin.f32 v10, v12  }
0x2e5: {  	v8 =	vmax.f32 v8, v10;
	v12 =	vmax.f32 v7, v11;
	v7 =	vmin.f32 v7, v11  }
0x2e6: {  	v10 =	vmax.f32 v9, v7;
	v7 =	vmin.f32 v9, v7;
	v9 =	vmax.f32 v12, v14  }
0x2e7: {  	v12 =	vmin.f32 v12, v14;
	v11 =	vmax.f32 v5, v7;
	v13 =	vmax.f32 v9, v17;
	v14 =	vld [tilespmem:s29+$0x6030]  }
0x2e8: {  	v5 =	vmin.f32 v5, v7;
	v7 =	vmax.f32 v10, v12;
	v10 =	vmin.f32 v10, v12  }
0x2e9: {  	v9 =	vmin.f32 v9, v17;
	v12 =	vmax.f32 v11, v10;
	v10 =	vmin.f32 v11, v10  }
0x2ea: {  	v11 =	vmax.f32 v6, v5;
	v5 =	vmin.f32 v6, v5;
	v6 =	vmax.f32 v7, v9  }
0x2eb: {  	v7 =	vmin.f32 v7, v9;
	v16 =	vmax.f32 v4, v5;
	v15 =	vmax.f32 v11, v10  }
0x2ec: {  	v9 =	vmax.f32 v12, v7;
	v7 =	vmin.f32 v12, v7;
	v17 =	vmin.f32 v13, v14  }
0x2ed: {  	v12 =	vmin.f32 v11, v10;
	v19 =	vmax.f32 v15, v7;
	v10 =	vmin.f32 v15, v7  }
.Ltmp15:
0x2ee: {  	v4 =	vmin.f32 v4, v5;
	v7 =	vmax.f32 v13, v14;
	v13 =	vmin.f32 v6, v17;
	(pc) =	sbr.rel @p0 .LBB2_24-.Ltmp15, $4  }
0x2ef: {  	v11 =	vmax.f32 v16, v12;
	v5 =	vmax.f32 v9, v13;
	v20 =	vmin.f32 v9, v13  }
0x2f0: {  	v15 =	vmin.f32 v18, v4;
	v12 =	vmin.f32 v16, v12;
	v13 =	vmin.f32 v19, v20  }
0x2f1: {  	v14 =	vmax.f32 v11, v10;
	v9 =	vmax.f32 v6, v17;
	v6 =	vmax.f32 v19, v20  }
0x2f2: {  	v16 =	vmax.f32 v18, v4;
	v17 =	vmin.f32 v3, v15;
	v4 =	vmax.f32 v14, v13  }
0x2f3: {  	v3 =	vmax.f32 v3, v15;
	v50 =	vmin.f32 v16, v12;
	v10 =	vmin.f32 v11, v10  }
0x2f4: {  	v8 =	vmax.f32 v8, v17;
	v51 =	vmax.f32 v16, v12;
	v52 =	vmin.f32 v14, v13  }
0x2f5: {  	(xrf1) =	vsort.dscd.msk.f32 $0xffff, v7, v7;
	v53 =	vmax.f32 v3, v50;
	v3 =	vmin.f32 v3, v50  }
0x2f6: {  	v54 =	vmax.f32 v51, v10;
	(xrf1) =	vsort.dscd.msk.f32 $0xffff, v9, v9;
	v55 =	vmin.f32 v51, v10  }
0x2f7: {  	v3 =	vmax.f32 v8, v3;
	v56 =	vmax.f32 v54, v52;
	(xrf1) =	vsort.dscd.msk.f32 $0xffff, v5, v5  }
0x2f8: {  	v5 =	vmax.f32 v53, v55;
	v8 =	vmin.f32 v53, v55;
	(xrf1) =	vsort.dscd.msk.f32 $0xffff, v6, v6  }
0x2f9: {  	v57 =	vmin.f32 v54, v52;
	v3 =	vmax.f32 v3, v8;
	(xrf1) =	vsort.dscd.msk.f32 $0xffff, v4, v4  }
0x2fa: {  	v4 =	vmax.f32 v5, v57;
	v5 =	vmin.f32 v5, v57;
	(xrf1) =	vsort.dscd.msk.f32 $0xffff, v56, v56  }
0x2fb: {  	v3 =	vmax.f32 v3, v5;
	(xrf1) =	vsort.dscd.msk.f32 $0xffff, v4, v4  }
0x2fc: {  	(xrf1) =	vsort.dscd.msk.f32 $0xffff, v3, v3;
	_ =	sdelay $0x6  }
0x2fd: {  	v3, _, _ =	vpop (xrf1)  }
0x2fe: {  	v4, _, _ =	vpop (xrf1)  }
0x2ff: {  	v5, _, _ =	vpop (xrf1)  }
0x300: {  	v58, _, _ =	vpop (xrf1)  }
0x301: {  	v59, _, _ =	vpop (xrf1)  }
0x302: {  	v4 =	vperm.xlane v4, v0;
	v60, _, _ =	vpop (xrf1)  }
0x303: {  	v6 =	vperm.xlane v58, v0;
	v61, _, _ =	vpop (xrf1)  }
0x304: {  	v3 =	vsel vm0, v3, v4;
	v4 =	vperm.xlane v60, v0;
	v62, _, _ =	vpop (xrf1)  }
0x305: {  	(xrf1) =	vsort.dscd.msk.f32 $0xffff, v3, v3;
	v3 =	vsel vm0, v5, v6;
	v5 =	vperm.xlane v62, v0  }
0x306: {  	(xrf1) =	vsort.dscd.msk.f32 $0xffff, v3, v3;
	v3 =	vsel vm0, v59, v4  }
0x307: {  	(xrf1) =	vsort.dscd.msk.f32 $0xffff, v3, v3;
	v3 =	vsel vm0, v61, v5  }
0x308: {  	(xrf1) =	vsort.dscd.msk.f32 $0xffff, v3, v3;
	_ =	sdelay $0xa  }
0x309: {  	v3, _, _ =	vpop (xrf1)  }
0x30a: {  	v4, _, _ =	vpop (xrf1)  }
0x30b: {  	v5, _, _ =	vpop (xrf1)  }
0x30c: {  	v4 =	vperm.xlane v4, v0;
	v63, _, _ =	vpop (xrf1)  }
0x30d: {  	v6 =	vperm.xlane v63, v0  }
0x30e: {  	v3 =	vsel vm0, v3, v4  }
0x30f: {  	(xrf1) =	vsort.dscd.msk.f32 $0xffff, v3, v3;
	v3 =	vsel vm0, v5, v6  }
0x310: {  	(xrf1) =	vsort.dscd.msk.f32 $0xffff, v3, v3;
	_ =	sdelay $0xc  }
0x311: {  	v3, _, _ =	vpop (xrf1)  }
0x312: {  	v4, _, _ =	vpop (xrf1)  }
0x313: {  	v4 =	vperm.xlane v4, v0;
	_ =	sdelay $0x1  }
0x314: {  	v3 =	vsel vm0, v3, v4  }
0x315: {  	(xrf1) =	vsort.dscd.msk.f32 $0xffff, v3, v3;
	_ =	sdelay $0x9  }
.Ltmp16:
0x316: {  	_ = 	snop;
	(pc) =	sbr.rel .LBB2_26-.Ltmp16, $2  }
0x317: {  	_ =	sdelay $0x2  }
0x318: {  	v3, _, _ =	vpop (xrf1)  }
.LBB2_28:
0x319: {  	_ =	sfence.sel $0x180000  }
0x31a: {  	[bflag:$0x0] =	sbarrier.arrive $0xFFFF  }
0x31b: {  	p0 =	sne.s32 s0, $0x0;
	_ =	strace $0x90000047  }
0x31c: {  	s0 =	sadd.s32 @!p0 $0x100000, s1;
	[bflag:$0x2] =	sbarrier.arrive $0xFFFF  }
0x31d: {  	[sflag:s0] =	ssyncadd.tile.s32 @!p0 $0x1;
	_ =	shalt  }
.Lfunc_end2:
_tile_overlayer_lowered:
.L_overlay_start_2:
0x31e: {  	(tag) =	ssettag $0x2  }
0x31f: {  	s0 =	rddreg [dreg:$0x0];
	s2 =	stileid.u32  }
0x320: {  	s1 =	rddreg [dreg:$0x1];
	p0 =	sne.s32 s2, $0x0  }
0x321: {  	s3 =	rddreg [dreg:$0x2];
	[bflag:$0x3] =	sbarrier.arrive $0xFFFF;
	s2 =	simm.s32 @!p0 $0x1C05  }
0x322: {  	[timem:s3], [sflag:s2] =	dma.local @!p0 [hbm:s0], s1  }
0x323: {  	s0 =	simm.s32 @!p0 $0x5  }
0x324: {  	_ =	swait.ge @!p0 [sflag:s0], s1  }
0x325: {  	s1 =	ssub.s32 @!p0 $0x0, s1;
	[sflag:s0] =	ssyncset.done @!p0 $0x0  }
0x326: {  	[sflag:s0] =	ssyncadd.s32 @!p0 s1  }
0x327: {  	[bflag:$0x3] =	sbarrier.arrive $0xFFFF  }
0x328: {  	_ =	shalt  }

</sc_bundles>
